<compile_context>
chip_gen: v7x
topology: tpu7x:2x2x1
jax: 0.10.2.dev20260603
libtpu: 0.0.44.dev20260713+nightly
codegen_flags: <defaults>
</compile_context>

<pallas_src>
import functools

import jax
import jax.numpy as jnp
from jax import lax
from jax.experimental import pallas as pl
from jax.experimental.pallas import tpu as pltpu
from jax.experimental.pallas import tpu_sc as plsc

N = 10000
E = 320000
NG = 16
NC, NS = 2, 16
NW = NC * NS
CH = 80
CPT = 128
NCHUNK = NW * CPT
E_PAD = NCHUNK * CH
N_ACC = 10112
STRIPE = N_ACC // NS
DUMMY = 10008

_f32 = jnp.float32



RING = 4
LOOK = 2
EC = E // CH


def _sc_body(with_e, d_feat, idx_r, tgt_r, *rest):
    if with_e:
        (tgtp_r, e3_r, ones_r, tab_r, zg_r, zed_r, g_out, ed_out,
         idx_s, idx_t, idx_tp, hb, eb, ones_b, *sems) = rest[:-2]
        acc_g, acc_ed = rest[-2:]
    else:
        (tab_r, zg_r, g_out, idx_s, idx_t, hb, *sems) = rest[:-1]
        acc_g = rest[-1]
    sg, ss = sems[:RING], sems[RING:]

    c = lax.axis_index("c")
    s = lax.axis_index("s")
    wid = s * NC + c
    base = wid * CPT

    row0 = s * STRIPE
    pltpu.sync_copy(zg_r.at[pl.ds(row0, STRIPE)], acc_g.at[pl.ds(row0, STRIPE)])
    if with_e:
        pltpu.sync_copy(zed_r.at[pl.ds(2 * row0, 2 * STRIPE)],
                        acc_ed.at[pl.ds(2 * row0, 2 * STRIPE)])
        pltpu.sync_copy(ones_r, ones_b)

    pltpu.sync_copy(idx_r.at[pl.ds(base, CPT)], idx_s)
    pltpu.sync_copy(tgt_r.at[pl.ds(base, CPT)], idx_t)
    if with_e:
        pltpu.sync_copy(tgtp_r.at[pl.ds(base, CPT)], idx_tp)
    plsc.subcore_barrier()

    def _echunk(j):
        return jnp.minimum(base + j, EC - 1)

    def _start_gathers(j, b):
        pltpu.async_copy(tab_r.at[idx_s.at[j]], hb.at[b], sg[b])
        if with_e:
            pltpu.async_copy(e3_r.at[_echunk(j)], eb.at[b], sg[b])

    def _wait_gathers(j, b):
        pltpu.make_async_copy(tab_r.at[idx_s.at[j]], hb.at[b],
                              sg[b]).wait()
        if with_e:
            pltpu.make_async_copy(e3_r.at[_echunk(j)], eb.at[b], sg[b]).wait()

    def _start_scatters(j, b):
        pltpu.async_copy(hb.at[b], acc_g.at[idx_t.at[j]], ss[b], add=True)
        if with_e:
            pltpu.async_copy(eb.at[b], acc_ed.at[idx_t.at[j]], ss[b],
                             add=True)
            pltpu.async_copy(ones_b, acc_ed.at[idx_tp.at[j]], ss[b],
                             add=True)

    def _wait_scatters(j, b):
        pltpu.make_async_copy(hb.at[b], acc_g.at[idx_t.at[j]],
                              ss[b]).wait()
        if with_e:
            pltpu.make_async_copy(eb.at[b], acc_ed.at[idx_t.at[j]],
                                  ss[b]).wait()
            pltpu.make_async_copy(ones_b, acc_ed.at[idx_tp.at[j]],
                                  ss[b]).wait()

    for b in range(LOOK):
        _start_gathers(b, b)

    def group(g, carry):
        for b in range(RING):
            j = g * RING + b
            _wait_gathers(j, b)
            _start_scatters(j, b)
            bp = (b + LOOK) % RING

            @pl.when(j >= LOOK)
            def _():
                _wait_scatters(j - LOOK, bp)

            @pl.when(j + LOOK < CPT)
            def _():
                _start_gathers(j + LOOK, bp)
        return carry

    lax.fori_loop(0, CPT // RING, group, 0)
    for b in range(LOOK):
        _wait_scatters(CPT - LOOK + b, (CPT - LOOK + b) % RING)
    plsc.subcore_barrier()

    pltpu.sync_copy(acc_g.at[pl.ds(row0, STRIPE)],
                    g_out.at[c].at[pl.ds(row0, STRIPE)])
    if with_e:
        pltpu.sync_copy(acc_ed.at[pl.ds(2 * row0, 2 * STRIPE)],
                        ed_out.at[c].at[pl.ds(2 * row0, 2 * STRIPE)])


def _make_sc(with_e, d_feat):
    mesh = plsc.VectorSubcoreMesh(core_axis_name="c", subcore_axis_name="s",
                                  num_cores=NC, num_subcores=NS)
    sems = [pltpu.SemaphoreType.DMA] * (2 * RING)
    outs = [jax.ShapeDtypeStruct((NC, N_ACC, d_feat), _f32)]
    if with_e:
        outs += [jax.ShapeDtypeStruct((NC, 2 * N_ACC, 16), _f32)]
        scratch = [
            pltpu.VMEM((CPT, CH), jnp.int32),
            pltpu.VMEM((CPT, CH), jnp.int32),
            pltpu.VMEM((CPT, CH), jnp.int32),
            pltpu.VMEM((RING, CH, d_feat), _f32),
            pltpu.VMEM((RING, CH, 16), _f32),
            pltpu.VMEM((CH, 16), _f32),
            *sems,
            pltpu.VMEM_SHARED((N_ACC, d_feat), _f32),
            pltpu.VMEM_SHARED((2 * N_ACC, 16), _f32),
        ]
    else:
        scratch = [
            pltpu.VMEM((CPT, CH), jnp.int32),
            pltpu.VMEM((CPT, CH), jnp.int32),
            pltpu.VMEM((RING, CH, d_feat), _f32),
            *sems,
            pltpu.VMEM_SHARED((N_ACC, d_feat), _f32),
        ]
    return pl.kernel(functools.partial(_sc_body, with_e, d_feat),
                     out_type=outs, mesh=mesh, scratch_types=scratch,
                     compiler_params=pltpu.CompilerParams(
                         use_tc_tiling_on_sc=False))



BN = 1000


def _enc_body(x_r, w_r, b_r, o_r):
    o_r[...] = (jnp.dot(x_r[...], w_r[...], preferred_element_type=_f32)
                + b_r[0:1, :])


def _enc(x, w, b):
    return pl.pallas_call(
        _enc_body,
        grid=(N // BN,),
        in_specs=[
            pl.BlockSpec((BN, x.shape[1]), lambda i: (i, 0)),
            pl.BlockSpec((x.shape[1], w.shape[1]), lambda i: (0, 0)),
            pl.BlockSpec((1, w.shape[1]), lambda i: (0, 0)),
        ],
        out_specs=pl.BlockSpec((BN, w.shape[1]), lambda i: (i, 0)),
        out_shape=jax.ShapeDtypeStruct((N, w.shape[1]), _f32),
    )(x, w, b.reshape(1, -1))


def _trunc(a):
    return a.astype(jnp.bfloat16).astype(_f32)


def _comb_body(nout, h_r, g_r, eo_r, dd_r, ap_r, aq_r, ar_r, cb_r, o_r):
    hp = lax.Precision.HIGHEST
    G = _trunc(g_r[0] + g_r[1])
    Esum = _trunc(eo_r[0] + eo_r[1])
    deg = dd_r[0, :, 0:1] + dd_r[1, :, 0:1]
    t = (deg * (jnp.dot(_trunc(h_r[...]), ap_r[...],
                        preferred_element_type=_f32, precision=hp)
                + cb_r[0:1, :])
         + jnp.dot(G, aq_r[...], preferred_element_type=_f32, precision=hp)
         + jnp.dot(Esum, ar_r[...], preferred_element_type=_f32, precision=hp)
         + cb_r[1:2, :])
    if nout > t.shape[1]:
        t = jnp.concatenate(
            [t, jnp.zeros((BN, nout - t.shape[1]), _f32)], axis=1)
    o_r[...] = t


def _comb(nout, h, g, eo, dd, ap, aq, ar, cb):
    return pl.pallas_call(
        functools.partial(_comb_body, nout),
        grid=(N // BN,),
        in_specs=[
            pl.BlockSpec((BN, 64), lambda i: (i, 0)),
            pl.BlockSpec((2, BN, 64), lambda i: (0, i, 0)),
            pl.BlockSpec((2, BN, 16), lambda i: (0, i, 0)),
            pl.BlockSpec((2, BN, 16), lambda i: (0, i, 0)),
            pl.BlockSpec(ap.shape, lambda i: (0, 0)),
            pl.BlockSpec(aq.shape, lambda i: (0, 0)),
            pl.BlockSpec(ar.shape, lambda i: (0, 0)),
            pl.BlockSpec(cb.shape, lambda i: (0, 0)),
        ],
        out_specs=pl.BlockSpec((BN, nout), lambda i: (i, 0)),
        out_shape=jax.ShapeDtypeStruct((N, nout), _f32),
    )(h, g, eo, dd, ap, aq, ar, cb)


def _final_body(tp_r, z_r, eo_r, dd_r, ar_r, i_r, c0_r, o_r, acc_r):
    k = pl.program_id(0)
    Esum = eo_r[0] + eo_r[1]
    deg = dd_r[0, :, 0:1] + dd_r[1, :, 0:1]
    Zs = z_r[0, :, 0:1] + z_r[1, :, 0:1]
    u = tp_r[:, 1:2]
    z = deg * u + Zs + jnp.dot(_trunc(Esum), ar_r[...],
                               preferred_element_type=_f32,
                               precision=lax.Precision.HIGHEST)
    gid = lax.broadcasted_iota(jnp.int32, (BN, NG), 1)
    mask = (i_r[...] == gid).astype(_f32)
    sums = jnp.sum(mask * z, axis=0, keepdims=True)
    cnt = jnp.sum(mask, axis=0, keepdims=True)
    part = jnp.concatenate([sums, cnt], axis=0)

    @pl.when(k == 0)
    def _():
        acc_r[...] = jnp.zeros_like(acc_r)

    acc_r[...] += part

    @pl.when(k == N // BN - 1)
    def _():
        a = acc_r[...]
        o_r[...] = a[0:1, :] / jnp.maximum(a[1:2, :], 1.0) + c0_r[0:1, 0:1]


def _final(tp, zp, eo, dd, ar2, i2, c0):
    return pl.pallas_call(
        _final_body,
        grid=(N // BN,),
        in_specs=[
            pl.BlockSpec((BN, 16), lambda i: (i, 0)),
            pl.BlockSpec((2, BN, 16), lambda i: (0, i, 0)),
            pl.BlockSpec((2, BN, 16), lambda i: (0, i, 0)),
            pl.BlockSpec((2, BN, 16), lambda i: (0, i, 0)),
            pl.BlockSpec((16, 1), lambda i: (0, 0)),
            pl.BlockSpec((BN, 1), lambda i: (i, 0)),
            pl.BlockSpec((1, 1), lambda i: (0, 0)),
        ],
        out_specs=pl.BlockSpec((1, NG), lambda i: (0, 0)),
        out_shape=jax.ShapeDtypeStruct((1, NG), _f32),
        scratch_shapes=[pltpu.VMEM((2, NG), _f32)],
    )(tp, zp, eo, dd, ar2, i2, c0)




def _narrow_body(h_r, b_r, cc_r, o_r):
    t = (jnp.dot(_trunc(h_r[...]), b_r[...], preferred_element_type=_f32,
                 precision=lax.Precision.HIGHEST) + cc_r[0:1, :])
    o_r[...] = jnp.concatenate([t, jnp.zeros((BN, 14), _f32)], axis=1)


def _narrow(h2, b, cc):
    return pl.pallas_call(
        _narrow_body,
        grid=(N // BN,),
        in_specs=[
            pl.BlockSpec((BN, 64), lambda i: (i, 0)),
            pl.BlockSpec((64, 2), lambda i: (0, 0)),
            pl.BlockSpec((1, 2), lambda i: (0, 0)),
        ],
        out_specs=pl.BlockSpec((BN, 16), lambda i: (i, 0)),
        out_shape=jax.ShapeDtypeStruct((N, 16), _f32),
    )(h2, b, cc)



def kernel(x, edge_index, e, i, params):
    return _kernel(x, edge_index, e, i, params)


def _kernel(x, edge_index, e, i, params):
    p = params

    t = _trunc
    with jax.default_matmul_precision("highest"):
        W_dec = t(p['dW1']) @ t(p['dW2']) @ t(p['Wo'])
        b_const = (p['db1'] @ t(p['dW2']) @ t(p['Wo'])
                   + p['db2'] @ t(p['Wo']) + p['bo'])
        We, be = t(p['We']), p['be']

        fold = []
        for l in range(3):
            U = t(p[f'mp{l}_uW1']) @ t(p[f'mp{l}_uW2'])
            ub = p[f'mp{l}_ub1'] @ t(p[f'mp{l}_uW2']) + p[f'mp{l}_ub2']
            M = t(p[f'mp{l}_mW2']) @ U
            W1 = t(p[f'mp{l}_mW1'])
            ArE = W1[128:192] @ M
            fold.append((W1[0:64] @ M, W1[64:128] @ M, We @ ArE,
                         be @ ArE + p[f'mp{l}_mb1'] @ M
                         + p[f'mp{l}_mb2'] @ U,
                         ub))

        Ap2, Aq2, Ar2, cv2, ub2 = fold[2]
        ap2 = Ap2 @ W_dec
        aq2 = Aq2 @ W_dec
        ar2 = Ar2 @ W_dec
        cv2s = cv2 @ W_dec
        ub2s = ub2 @ W_dec
        B2 = jnp.concatenate([aq2, ap2], axis=1)
        Ap1, Aq1, Ar1, cv1, ub1 = fold[1]
        Ap0, Aq0, Ar0, cv0, ub0 = fold[0]

        cb0 = jnp.stack([cv0, ub0])
        cb1 = jnp.stack([cv1, ub1])
        cc2 = jnp.concatenate([jnp.zeros((1,)), cv2s]).reshape(1, 2)
        c0 = (ub2s + b_const).reshape(1, 1)

    src = jnp.concatenate(
        [edge_index[:, 0], jnp.zeros((E_PAD - E,), jnp.int32)])
    tgt = jnp.concatenate(
        [edge_index[:, 1], jnp.full((E_PAD - E,), DUMMY, jnp.int32)])
    src2 = src.reshape(NCHUNK, CH)
    tgt2 = tgt.reshape(NCHUNK, CH)
    tgtp2 = tgt2 + N_ACC
    e3 = _trunc(e).reshape(EC, CH, 16)
    ones16 = jnp.zeros((CH, 16), _f32).at[:, 0].set(1.0)

    z64 = jnp.zeros((N_ACC, 64), _f32)
    z16 = jnp.zeros((N_ACC, 16), _f32)
    zed = jnp.zeros((2 * N_ACC, 16), _f32)
    i2 = i.reshape(N, 1)

    h0 = _enc(x, p['Wx'], p['bx'])
    h0t = _trunc(h0)
    g0, ed = _make_sc(True, 64)(src2, tgt2, tgtp2, e3, ones16, h0t, z64,
                                zed)
    edr = ed.reshape(NC, 2, N_ACC, 16)
    eo, dd = edr[:, 0], edr[:, 1]
    h1 = _comb(64, h0t, g0, eo, dd, Ap0, Aq0, Ar0, cb0)
    h1t = _trunc(h1)
    g1, = _make_sc(False, 64)(src2, tgt2, h1t, z64)
    h2 = _comb(64, h1t, g1, eo, dd, Ap1, Aq1, Ar1, cb1)
    tp = _narrow(h2, B2, cc2)
    zp, = _make_sc(False, 16)(src2, tgt2, tp, z16)
    out = _final(tp, zp, eo, dd, ar2, i2, c0)
    return out.reshape(NG, 1)

# --- scband reference (transcript-rebuilt; emitter-appended) ---
"""Pipeline reference for scband-model-7851200217804 (READ-ONLY COPY).

The authoritative reference and input builder live on the scoring server;
editing this copy changes nothing except your own understanding.
"""

import jax, jax.numpy as jnp
import numpy as np

N_NODES = 10000
N_EDGES = 320000
D_FEAT = 128
D_EDGE = 16
H = 64
N_GRAPHS = 16


def _w(key, shape):
    return (jax.random.normal(key, shape, dtype=jnp.float32) * 0.05)


def setup_inputs(seed: int = 0) -> dict:
    key = jax.random.key(seed)
    ks = jax.random.split(key, 40)
    x = jax.random.normal(ks[0], (N_NODES, D_FEAT), dtype=jnp.float32)
    e = jax.random.normal(ks[1], (N_EDGES, D_EDGE), dtype=jnp.float32)
    edge_index = jax.random.randint(ks[2], (N_EDGES, 2), 0, N_NODES, dtype=jnp.int32)
    i = jnp.sort(jax.random.randint(ks[3], (N_NODES,), 0, N_GRAPHS, dtype=jnp.int32))
    params = {}
    params['Wx'] = _w(ks[4], (D_FEAT, H)); params['bx'] = jnp.zeros((H,), jnp.float32)
    params['We'] = _w(ks[5], (D_EDGE, H)); params['be'] = jnp.zeros((H,), jnp.float32)
    kidx = 6
    for l in range(3):
        params[f'mp{l}_mW1'] = _w(ks[kidx], (3 * H, 4 * H)); kidx += 1
        params[f'mp{l}_mb1'] = jnp.zeros((4 * H,), jnp.float32)
        params[f'mp{l}_mW2'] = _w(ks[kidx], (4 * H, 2 * H)); kidx += 1
        params[f'mp{l}_mb2'] = jnp.zeros((2 * H,), jnp.float32)
        params[f'mp{l}_uW1'] = _w(ks[kidx], (2 * H, 2 * H)); kidx += 1
        params[f'mp{l}_ub1'] = jnp.zeros((2 * H,), jnp.float32)
        params[f'mp{l}_uW2'] = _w(ks[kidx], (2 * H, H)); kidx += 1
        params[f'mp{l}_ub2'] = jnp.zeros((H,), jnp.float32)
    params['dW1'] = _w(ks[kidx], (H, 2 * H)); kidx += 1
    params['db1'] = jnp.zeros((2 * H,), jnp.float32)
    params['dW2'] = _w(ks[kidx], (2 * H, H)); kidx += 1
    params['db2'] = jnp.zeros((H,), jnp.float32)
    params['Wo'] = _w(ks[kidx], (H, 1)); kidx += 1
    params['bo'] = jnp.zeros((1,), jnp.float32)
    return {'x': x, 'edge_index': edge_index, 'e': e, 'i': i, 'params': params}


def _forward(x, e, params, edge_index, seg_i):
    # encode_x / encode_e (Dense, linear activation)
    h = x @ params['Wx'] + params['bx']
    ee = e @ params['We'] + params['be']
    idx_j = edge_index[:, 0]  # source
    idx_i = edge_index[:, 1]  # target
    for l in range(3):
        # message: concat([x_i, x_j, e]) -> MLP (2 linear Dense layers)
        m = jnp.concatenate([h[idx_i], h[idx_j], ee], axis=1)
        m = m @ params[f'mp{l}_mW1'] + params[f'mp{l}_mb1']
        m = m @ params[f'mp{l}_mW2'] + params[f'mp{l}_mb2']
        # aggregate: scatter-sum over target nodes
        agg = jax.ops.segment_sum(m, idx_i, num_segments=N_NODES)
        # update MLP (2 linear Dense layers)
        u = agg @ params[f'mp{l}_uW1'] + params[f'mp{l}_ub1']
        h = u @ params[f'mp{l}_uW2'] + params[f'mp{l}_ub2']
    # GlobalAvgPool over graph segments
    sums = jax.ops.segment_sum(h, seg_i, num_segments=N_GRAPHS)
    counts = jax.ops.segment_sum(jnp.ones((h.shape[0], 1), jnp.float32), seg_i, num_segments=N_GRAPHS)
    pooled = sums / jnp.maximum(counts, 1.0)
    # decode MLP + out Dense(1)
    d = pooled @ params['dW1'] + params['db1']
    d = d @ params['dW2'] + params['db2']
    out = d @ params['Wo'] + params['bo']
    return out


def reference(x, edge_index, e, i, params):
    return _forward(x, e, params, edge_index, i)

if __name__ == "__main__":
    import jax
    _d = setup_inputs()
    print(jax.jit(kernel)(*tuple(_d.values())))

</pallas_src>

<mosaic_0001>
#map = affine_map<(d0, d1) -> (0, 0)>
#map1 = affine_map<(d0, d1) -> (0, 0, 0)>
module attributes {stable_mosaic.version = 14 : i64} {
  func.func @_sc_body(%arg0: i32, %arg1: i32, %arg2: memref<4096x80xi32, #tpu.memory_space<hbm>>, %arg3: memref<4096x80xi32, #tpu.memory_space<hbm>>, %arg4: memref<10000x64xf32, #tpu.memory_space<hbm>>, %arg5: memref<10112x64xf32, #tpu.memory_space<hbm>>, %arg6: memref<2x10112x64xf32, #tpu.memory_space<hbm>>, %arg7: memref<128x80xi32, #tpu.memory_space<vmem>>, %arg8: memref<128x80xi32, #tpu.memory_space<vmem>>, %arg9: memref<4x80x64xf32, #tpu.memory_space<vmem>>, %arg10: memref<!tpu.dma_semaphore, #tpu.memory_space<semaphore_mem>>, %arg11: memref<!tpu.dma_semaphore, #tpu.memory_space<semaphore_mem>>, %arg12: memref<!tpu.dma_semaphore, #tpu.memory_space<semaphore_mem>>, %arg13: memref<!tpu.dma_semaphore, #tpu.memory_space<semaphore_mem>>, %arg14: memref<!tpu.dma_semaphore, #tpu.memory_space<semaphore_mem>>, %arg15: memref<!tpu.dma_semaphore, #tpu.memory_space<semaphore_mem>>, %arg16: memref<!tpu.dma_semaphore, #tpu.memory_space<semaphore_mem>>, %arg17: memref<!tpu.dma_semaphore, #tpu.memory_space<semaphore_mem>>, %arg18: memref<10112x64xf32, #tpu.memory_space<vmem_shared>>) attributes {dimension_semantics = [#tpu.dimension_semantics<core_parallel>, #tpu.dimension_semantics<subcore_parallel>], iteration_bounds = array<i64: 2, 16>, scalar_prefetch = 0 : i64, scratch_operands = 12 : i64, tpu.core_type = #tpu.core_type<sc_vector_subcore>, window_params = [{transform_indices = #map}, {transform_indices = #map}, {transform_indices = #map}, {transform_indices = #map}, {transform_indices = #map1}]} {
    %mul3A = arith.constant 2 : i32
    %mul3A_0 = arith.muli %arg1, %mul3A : i32
    %add3A = arith.addi %mul3A_0, %arg0 : i32
    %mul3A_1 = arith.constant 128 : i32
    %mul3A_2 = arith.muli %add3A, %mul3A_1 : i32
    %mul3A_3 = arith.constant 632 : i32
    %mul3A_4 = arith.muli %arg1, %mul3A_3 : i32
    "tpu.region"() ({
      %run_scoped3A = tpu.sem_alloc : memref<!tpu.dma_semaphore, #tpu.memory_space<semaphore_mem>>
      %dma_start3A_57 = arith.constant 0 : i32
      %dma_start3A_58 = tpu.memref_slice %arg18[%mul3A_4, %dma_start3A_57] : memref<10112x64xf32, #tpu.memory_space<vmem_shared>> -> memref<632x64xf32, #tpu.memory_space<vmem_shared>>
      %dma_start3A_59 = arith.constant 0 : i32
      %dma_start3A_60 = tpu.memref_slice %arg5[%mul3A_4, %dma_start3A_59] : memref<10112x64xf32, #tpu.memory_space<hbm>> -> memref<632x64xf32, #tpu.memory_space<hbm>>
      tpu.enqueue_dma source(%dma_start3A_60 : memref<632x64xf32, #tpu.memory_space<hbm>>) target(%dma_start3A_58 : memref<632x64xf32, #tpu.memory_space<vmem_shared>>) target_semaphore(%run_scoped3A : memref<!tpu.dma_semaphore, #tpu.memory_space<semaphore_mem>>)
      %dma_wait3A_61 = arith.constant 0 : i32
      %dma_wait3A_62 = tpu.memref_slice %arg18[%mul3A_4, %dma_wait3A_61] : memref<10112x64xf32, #tpu.memory_space<vmem_shared>> -> memref<632x64xf32, #tpu.memory_space<vmem_shared>>
      %dma_wait3A_63 = arith.constant 0 : i32
      %dma_wait3A_64 = tpu.memref_slice %arg5[%mul3A_4, %dma_wait3A_63] : memref<10112x64xf32, #tpu.memory_space<hbm>> -> memref<632x64xf32, #tpu.memory_space<hbm>>
      tpu.wait_dma2 semaphore(%run_scoped3A : memref<!tpu.dma_semaphore, #tpu.memory_space<semaphore_mem>>) src(%dma_wait3A_64 : memref<632x64xf32, #tpu.memory_space<hbm>>) dst(%dma_wait3A_62 : memref<632x64xf32, #tpu.memory_space<vmem_shared>>)
      tpu.yield
    }) : () -> ()
    "tpu.region"() ({
      %run_scoped3A = tpu.sem_alloc : memref<!tpu.dma_semaphore, #tpu.memory_space<semaphore_mem>>
      %dma_start3A_57 = arith.constant 0 : i32
      %dma_start3A_58 = tpu.memref_slice %arg2[%mul3A_2, %dma_start3A_57] : memref<4096x80xi32, #tpu.memory_space<hbm>> -> memref<128x80xi32, #tpu.memory_space<hbm>>
      %dma_start3A_59 = arith.constant 0 : i32
      %dma_start3A_60 = tpu.memref_slice %arg2[%mul3A_2, %dma_start3A_59] : memref<4096x80xi32, #tpu.memory_space<hbm>> -> memref<128x80xi32, #tpu.memory_space<hbm>>
      tpu.enqueue_dma source(%dma_start3A_60 : memref<128x80xi32, #tpu.memory_space<hbm>>) target(%arg7 : memref<128x80xi32, #tpu.memory_space<vmem>>) target_semaphore(%run_scoped3A : memref<!tpu.dma_semaphore, #tpu.memory_space<semaphore_mem>>)
      %dma_wait3A_61 = arith.constant 0 : i32
      %dma_wait3A_62 = tpu.memref_slice %arg2[%mul3A_2, %dma_wait3A_61] : memref<4096x80xi32, #tpu.memory_space<hbm>> -> memref<128x80xi32, #tpu.memory_space<hbm>>
      %dma_wait3A_63 = arith.constant 0 : i32
      %dma_wait3A_64 = tpu.memref_slice %arg2[%mul3A_2, %dma_wait3A_63] : memref<4096x80xi32, #tpu.memory_space<hbm>> -> memref<128x80xi32, #tpu.memory_space<hbm>>
      tpu.wait_dma2 semaphore(%run_scoped3A : memref<!tpu.dma_semaphore, #tpu.memory_space<semaphore_mem>>) src(%dma_wait3A_64 : memref<128x80xi32, #tpu.memory_space<hbm>>) dst(%arg7 : memref<128x80xi32, #tpu.memory_space<vmem>>)
      tpu.yield
    }) : () -> ()
    "tpu.region"() ({
      %run_scoped3A = tpu.sem_alloc : memref<!tpu.dma_semaphore, #tpu.memory_space<semaphore_mem>>
      %dma_start3A_57 = arith.constant 0 : i32
      %dma_start3A_58 = tpu.memref_slice %arg3[%mul3A_2, %dma_start3A_57] : memref<4096x80xi32, #tpu.memory_space<hbm>> -> memref<128x80xi32, #tpu.memory_space<hbm>>
      %dma_start3A_59 = arith.constant 0 : i32
      %dma_start3A_60 = tpu.memref_slice %arg3[%mul3A_2, %dma_start3A_59] : memref<4096x80xi32, #tpu.memory_space<hbm>> -> memref<128x80xi32, #tpu.memory_space<hbm>>
      tpu.enqueue_dma source(%dma_start3A_60 : memref<128x80xi32, #tpu.memory_space<hbm>>) target(%arg8 : memref<128x80xi32, #tpu.memory_space<vmem>>) target_semaphore(%run_scoped3A : memref<!tpu.dma_semaphore, #tpu.memory_space<semaphore_mem>>)
      %dma_wait3A_61 = arith.constant 0 : i32
      %dma_wait3A_62 = tpu.memref_slice %arg3[%mul3A_2, %dma_wait3A_61] : memref<4096x80xi32, #tpu.memory_space<hbm>> -> memref<128x80xi32, #tpu.memory_space<hbm>>
      %dma_wait3A_63 = arith.constant 0 : i32
      %dma_wait3A_64 = tpu.memref_slice %arg3[%mul3A_2, %dma_wait3A_63] : memref<4096x80xi32, #tpu.memory_space<hbm>> -> memref<128x80xi32, #tpu.memory_space<hbm>>
      tpu.wait_dma2 semaphore(%run_scoped3A : memref<!tpu.dma_semaphore, #tpu.memory_space<semaphore_mem>>) src(%dma_wait3A_64 : memref<128x80xi32, #tpu.memory_space<hbm>>) dst(%arg8 : memref<128x80xi32, #tpu.memory_space<vmem>>)
      tpu.yield
    }) : () -> ()
    %barrier3A = arith.constant 0 : index
    tpu.barrier barrier_id(%barrier3A)
    %dma_start3A = arith.constant 0 : i32
    %dma_start3A_5 = arith.constant 0 : i32
    %dma_start3A_6 = arith.constant 0 : i32
    %dma_start3A_7 = arith.constant 0 : i32
    %dma_start3A_8 = tpu.memref_slice %arg9[%dma_start3A_5, %dma_start3A_6, %dma_start3A_7] : memref<4x80x64xf32, #tpu.memory_space<vmem>> -> memref<1x80x64xf32, #tpu.memory_space<vmem>>
    %dma_start3A_9 = tpu.memref_squeeze %dma_start3A_8 : memref<1x80x64xf32, #tpu.memory_space<vmem>> -> memref<80x64xf32, #tpu.memory_space<vmem>>
    %dma_start3A_10 = arith.constant 0 : i32
    %dma_start3A_11 = tpu.memref_slice %arg7[%dma_start3A, %dma_start3A_10] : memref<128x80xi32, #tpu.memory_space<vmem>> -> memref<1x80xi32, #tpu.memory_space<vmem>>
    %dma_start3A_12 = tpu.memref_squeeze %dma_start3A_11 : memref<1x80xi32, #tpu.memory_space<vmem>> -> memref<80xi32, #tpu.memory_space<vmem>>
    %dma_start3A_13 = arith.constant 0 : i32
    %dma_start3A_14 = arith.constant 0 : i32
    %dma_start3A_15 = tpu.memref_slice %arg4[%dma_start3A_13, %dma_start3A_14] : memref<10000x64xf32, #tpu.memory_space<hbm>> -> memref<10000x64xf32, #tpu.memory_space<hbm>>
    tpu.enqueue_indirect_dma source(%dma_start3A_15 : memref<10000x64xf32, #tpu.memory_space<hbm>>) target(%dma_start3A_9 : memref<80x64xf32, #tpu.memory_space<vmem>>) offsets(%dma_start3A_12 : memref<80xi32, #tpu.memory_space<vmem>>) semaphore(%arg10 : memref<!tpu.dma_semaphore, #tpu.memory_space<semaphore_mem>>)
    %dma_start3A_16 = arith.constant 1 : i32
    %dma_start3A_17 = arith.constant 1 : i32
    %dma_start3A_18 = arith.constant 0 : i32
    %dma_start3A_19 = arith.constant 0 : i32
    %dma_start3A_20 = tpu.memref_slice %arg9[%dma_start3A_17, %dma_start3A_18, %dma_start3A_19] : memref<4x80x64xf32, #tpu.memory_space<vmem>> -> memref<1x80x64xf32, #tpu.memory_space<vmem>>
    %dma_start3A_21 = tpu.memref_squeeze %dma_start3A_20 : memref<1x80x64xf32, #tpu.memory_space<vmem>> -> memref<80x64xf32, #tpu.memory_space<vmem>>
    %dma_start3A_22 = arith.constant 0 : i32
    %dma_start3A_23 = tpu.memref_slice %arg7[%dma_start3A_16, %dma_start3A_22] : memref<128x80xi32, #tpu.memory_space<vmem>> -> memref<1x80xi32, #tpu.memory_space<vmem>>
    %dma_start3A_24 = tpu.memref_squeeze %dma_start3A_23 : memref<1x80xi32, #tpu.memory_space<vmem>> -> memref<80xi32, #tpu.memory_space<vmem>>
    %dma_start3A_25 = arith.constant 0 : i32
    %dma_start3A_26 = arith.constant 0 : i32
    %dma_start3A_27 = tpu.memref_slice %arg4[%dma_start3A_25, %dma_start3A_26] : memref<10000x64xf32, #tpu.memory_space<hbm>> -> memref<10000x64xf32, #tpu.memory_space<hbm>>
    tpu.enqueue_indirect_dma source(%dma_start3A_27 : memref<10000x64xf32, #tpu.memory_space<hbm>>) target(%dma_start3A_21 : memref<80x64xf32, #tpu.memory_space<vmem>>) offsets(%dma_start3A_24 : memref<80xi32, #tpu.memory_space<vmem>>) semaphore(%arg11 : memref<!tpu.dma_semaphore, #tpu.memory_space<semaphore_mem>>)
    %scan3A = arith.constant 0 : i32
    %scan3A_28 = arith.constant 0 : i32
    %scan3A_29 = arith.constant 32 : i32
    %scan3A_30 = arith.addi %scan3A_28, %scan3A_29 : i32
    %scan3A_31 = arith.constant 1 : i32
    scf.for %scan3A_57 = %scan3A_28 to %scan3A_30 step %scan3A_31  : i32 {
      %mul3A_58 = arith.constant 4 : i32
      %mul3A_59 = arith.muli %scan3A_57, %mul3A_58 : i32
      %add3A_60 = arith.constant 0 : i32
      %add3A_61 = arith.addi %mul3A_59, %add3A_60 : i32
      %dma_wait3A_62 = arith.constant 0 : i32
      %dma_wait3A_63 = arith.constant 0 : i32
      %dma_wait3A_64 = arith.constant 0 : i32
      %dma_wait3A_65 = tpu.memref_slice %arg9[%dma_wait3A_62, %dma_wait3A_63, %dma_wait3A_64] : memref<4x80x64xf32, #tpu.memory_space<vmem>> -> memref<1x80x64xf32, #tpu.memory_space<vmem>>
      %dma_wait3A_66 = tpu.memref_squeeze %dma_wait3A_65 : memref<1x80x64xf32, #tpu.memory_space<vmem>> -> memref<80x64xf32, #tpu.memory_space<vmem>>
      %dma_wait3A_67 = arith.constant 0 : i32
      %dma_wait3A_68 = tpu.memref_slice %arg7[%add3A_61, %dma_wait3A_67] : memref<128x80xi32, #tpu.memory_space<vmem>> -> memref<1x80xi32, #tpu.memory_space<vmem>>
      %dma_wait3A_69 = tpu.memref_squeeze %dma_wait3A_68 : memref<1x80xi32, #tpu.memory_space<vmem>> -> memref<80xi32, #tpu.memory_space<vmem>>
      %dma_wait3A_70 = arith.constant 0 : i32
      %dma_wait3A_71 = arith.constant 0 : i32
      %dma_wait3A_72 = tpu.memref_slice %arg4[%dma_wait3A_70, %dma_wait3A_71] : memref<10000x64xf32, #tpu.memory_space<hbm>> -> memref<10000x64xf32, #tpu.memory_space<hbm>>
      tpu.wait_indirect_dma semaphore(%arg10 : memref<!tpu.dma_semaphore, #tpu.memory_space<semaphore_mem>>) src(%dma_wait3A_72 : memref<10000x64xf32, #tpu.memory_space<hbm>>) dst(%dma_wait3A_66 : memref<80x64xf32, #tpu.memory_space<vmem>>)
      %dma_start3A_73 = arith.constant 0 : i32
      %dma_start3A_74 = arith.constant 0 : i32
      %dma_start3A_75 = arith.constant 0 : i32
      %dma_start3A_76 = tpu.memref_slice %arg9[%dma_start3A_73, %dma_start3A_74, %dma_start3A_75] : memref<4x80x64xf32, #tpu.memory_space<vmem>> -> memref<1x80x64xf32, #tpu.memory_space<vmem>>
      %dma_start3A_77 = tpu.memref_squeeze %dma_start3A_76 : memref<1x80x64xf32, #tpu.memory_space<vmem>> -> memref<80x64xf32, #tpu.memory_space<vmem>>
      %dma_start3A_78 = arith.constant 0 : i32
      %dma_start3A_79 = tpu.memref_slice %arg8[%add3A_61, %dma_start3A_78] : memref<128x80xi32, #tpu.memory_space<vmem>> -> memref<1x80xi32, #tpu.memory_space<vmem>>
      %dma_start3A_80 = tpu.memref_squeeze %dma_start3A_79 : memref<1x80xi32, #tpu.memory_space<vmem>> -> memref<80xi32, #tpu.memory_space<vmem>>
      %dma_start3A_81 = arith.constant 0 : i32
      %dma_start3A_82 = arith.constant 0 : i32
      %dma_start3A_83 = tpu.memref_slice %arg18[%dma_start3A_81, %dma_start3A_82] : memref<10112x64xf32, #tpu.memory_space<vmem_shared>> -> memref<10112x64xf32, #tpu.memory_space<vmem_shared>>
      tpu.enqueue_indirect_dma source(%dma_start3A_77 : memref<80x64xf32, #tpu.memory_space<vmem>>) target(%dma_start3A_83 : memref<10112x64xf32, #tpu.memory_space<vmem_shared>>) offsets(%dma_start3A_80 : memref<80xi32, #tpu.memory_space<vmem>>) semaphore(%arg14 : memref<!tpu.dma_semaphore, #tpu.memory_space<semaphore_mem>>) {add = true}
      %ge3A = arith.constant 2 : i32
      %ge3A_84 = arith.cmpi sge, %add3A_61, %ge3A : i32
      %convert_element_type3A = arith.extui %ge3A_84 : i1 to i32
      %cond3A = arith.constant 0 : i32
      %cond3A_85 = arith.cmpi ne, %convert_element_type3A, %cond3A : i32
      scf.if %cond3A_85 {
        %sub3A = arith.constant 2 : i32
        %sub3A_206 = arith.subi %add3A_61, %sub3A : i32
        %dma_wait3A_207 = arith.constant 2 : i32
        %dma_wait3A_208 = arith.constant 0 : i32
        %dma_wait3A_209 = arith.constant 0 : i32
        %dma_wait3A_210 = tpu.memref_slice %arg9[%dma_wait3A_207, %dma_wait3A_208, %dma_wait3A_209] : memref<4x80x64xf32, #tpu.memory_space<vmem>> -> memref<1x80x64xf32, #tpu.memory_space<vmem>>
        %dma_wait3A_211 = tpu.memref_squeeze %dma_wait3A_210 : memref<1x80x64xf32, #tpu.memory_space<vmem>> -> memref<80x64xf32, #tpu.memory_space<vmem>>
        %dma_wait3A_212 = arith.constant 0 : i32
        %dma_wait3A_213 = tpu.memref_slice %arg8[%sub3A_206, %dma_wait3A_212] : memref<128x80xi32, #tpu.memory_space<vmem>> -> memref<1x80xi32, #tpu.memory_space<vmem>>
        %dma_wait3A_214 = tpu.memref_squeeze %dma_wait3A_213 : memref<1x80xi32, #tpu.memory_space<vmem>> -> memref<80xi32, #tpu.memory_space<vmem>>
        %dma_wait3A_215 = arith.constant 0 : i32
        %dma_wait3A_216 = arith.constant 0 : i32
        %dma_wait3A_217 = tpu.memref_slice %arg18[%dma_wait3A_215, %dma_wait3A_216] : memref<10112x64xf32, #tpu.memory_space<vmem_shared>> -> memref<10112x64xf32, #tpu.memory_space<vmem_shared>>
        tpu.wait_indirect_dma semaphore(%arg16 : memref<!tpu.dma_semaphore, #tpu.memory_space<semaphore_mem>>) src(%dma_wait3A_211 : memref<80x64xf32, #tpu.memory_space<vmem>>) dst(%dma_wait3A_217 : memref<10112x64xf32, #tpu.memory_space<vmem_shared>>)
      } else {
      }
      %add3A_86 = arith.constant 2 : i32
      %add3A_87 = arith.addi %add3A_61, %add3A_86 : i32
      %lt3A = arith.constant 128 : i32
      %lt3A_88 = arith.cmpi slt, %add3A_87, %lt3A : i32
      %convert_element_type3A_89 = arith.extui %lt3A_88 : i1 to i32
      %cond3A_90 = arith.constant 0 : i32
      %cond3A_91 = arith.cmpi ne, %convert_element_type3A_89, %cond3A_90 : i32
      scf.if %cond3A_91 {
        %add3A_206 = arith.constant 2 : i32
        %add3A_207 = arith.addi %add3A_61, %add3A_206 : i32
        %dma_start3A_208 = arith.constant 2 : i32
        %dma_start3A_209 = arith.constant 0 : i32
        %dma_start3A_210 = arith.constant 0 : i32
        %dma_start3A_211 = tpu.memref_slice %arg9[%dma_start3A_208, %dma_start3A_209, %dma_start3A_210] : memref<4x80x64xf32, #tpu.memory_space<vmem>> -> memref<1x80x64xf32, #tpu.memory_space<vmem>>
        %dma_start3A_212 = tpu.memref_squeeze %dma_start3A_211 : memref<1x80x64xf32, #tpu.memory_space<vmem>> -> memref<80x64xf32, #tpu.memory_space<vmem>>
        %dma_start3A_213 = arith.constant 0 : i32
        %dma_start3A_214 = tpu.memref_slice %arg7[%add3A_207, %dma_start3A_213] : memref<128x80xi32, #tpu.memory_space<vmem>> -> memref<1x80xi32, #tpu.memory_space<vmem>>
        %dma_start3A_215 = tpu.memref_squeeze %dma_start3A_214 : memref<1x80xi32, #tpu.memory_space<vmem>> -> memref<80xi32, #tpu.memory_space<vmem>>
        %dma_start3A_216 = arith.constant 0 : i32
        %dma_start3A_217 = arith.constant 0 : i32
        %dma_start3A_218 = tpu.memref_slice %arg4[%dma_start3A_216, %dma_start3A_217] : memref<10000x64xf32, #tpu.memory_space<hbm>> -> memref<10000x64xf32, #tpu.memory_space<hbm>>
        tpu.enqueue_indirect_dma source(%dma_start3A_218 : memref<10000x64xf32, #tpu.memory_space<hbm>>) target(%dma_start3A_212 : memref<80x64xf32, #tpu.memory_space<vmem>>) offsets(%dma_start3A_215 : memref<80xi32, #tpu.memory_space<vmem>>) semaphore(%arg12 : memref<!tpu.dma_semaphore, #tpu.memory_space<semaphore_mem>>)
      } else {
      }
      %mul3A_92 = arith.constant 4 : i32
      %mul3A_93 = arith.muli %scan3A_57, %mul3A_92 : i32
      %add3A_94 = arith.constant 1 : i32
      %add3A_95 = arith.addi %mul3A_93, %add3A_94 : i32
      %dma_wait3A_96 = arith.constant 1 : i32
      %dma_wait3A_97 = arith.constant 0 : i32
      %dma_wait3A_98 = arith.constant 0 : i32
      %dma_wait3A_99 = tpu.memref_slice %arg9[%dma_wait3A_96, %dma_wait3A_97, %dma_wait3A_98] : memref<4x80x64xf32, #tpu.memory_space<vmem>> -> memref<1x80x64xf32, #tpu.memory_space<vmem>>
      %dma_wait3A_100 = tpu.memref_squeeze %dma_wait3A_99 : memref<1x80x64xf32, #tpu.memory_space<vmem>> -> memref<80x64xf32, #tpu.memory_space<vmem>>
      %dma_wait3A_101 = arith.constant 0 : i32
      %dma_wait3A_102 = tpu.memref_slice %arg7[%add3A_95, %dma_wait3A_101] : memref<128x80xi32, #tpu.memory_space<vmem>> -> memref<1x80xi32, #tpu.memory_space<vmem>>
      %dma_wait3A_103 = tpu.memref_squeeze %dma_wait3A_102 : memref<1x80xi32, #tpu.memory_space<vmem>> -> memref<80xi32, #tpu.memory_space<vmem>>
      %dma_wait3A_104 = arith.constant 0 : i32
      %dma_wait3A_105 = arith.constant 0 : i32
      %dma_wait3A_106 = tpu.memref_slice %arg4[%dma_wait3A_104, %dma_wait3A_105] : memref<10000x64xf32, #tpu.memory_space<hbm>> -> memref<10000x64xf32, #tpu.memory_space<hbm>>
      tpu.wait_indirect_dma semaphore(%arg11 : memref<!tpu.dma_semaphore, #tpu.memory_space<semaphore_mem>>) src(%dma_wait3A_106 : memref<10000x64xf32, #tpu.memory_space<hbm>>) dst(%dma_wait3A_100 : memref<80x64xf32, #tpu.memory_space<vmem>>)
      %dma_start3A_107 = arith.constant 1 : i32
      %dma_start3A_108 = arith.constant 0 : i32
      %dma_start3A_109 = arith.constant 0 : i32
      %dma_start3A_110 = tpu.memref_slice %arg9[%dma_start3A_107, %dma_start3A_108, %dma_start3A_109] : memref<4x80x64xf32, #tpu.memory_space<vmem>> -> memref<1x80x64xf32, #tpu.memory_space<vmem>>
      %dma_start3A_111 = tpu.memref_squeeze %dma_start3A_110 : memref<1x80x64xf32, #tpu.memory_space<vmem>> -> memref<80x64xf32, #tpu.memory_space<vmem>>
      %dma_start3A_112 = arith.constant 0 : i32
      %dma_start3A_113 = tpu.memref_slice %arg8[%add3A_95, %dma_start3A_112] : memref<128x80xi32, #tpu.memory_space<vmem>> -> memref<1x80xi32, #tpu.memory_space<vmem>>
      %dma_start3A_114 = tpu.memref_squeeze %dma_start3A_113 : memref<1x80xi32, #tpu.memory_space<vmem>> -> memref<80xi32, #tpu.memory_space<vmem>>
      %dma_start3A_115 = arith.constant 0 : i32
      %dma_start3A_116 = arith.constant 0 : i32
      %dma_start3A_117 = tpu.memref_slice %arg18[%dma_start3A_115, %dma_start3A_116] : memref<10112x64xf32, #tpu.memory_space<vmem_shared>> -> memref<10112x64xf32, #tpu.memory_space<vmem_shared>>
      tpu.enqueue_indirect_dma source(%dma_start3A_111 : memref<80x64xf32, #tpu.memory_space<vmem>>) target(%dma_start3A_117 : memref<10112x64xf32, #tpu.memory_space<vmem_shared>>) offsets(%dma_start3A_114 : memref<80xi32, #tpu.memory_space<vmem>>) semaphore(%arg15 : memref<!tpu.dma_semaphore, #tpu.memory_space<semaphore_mem>>) {add = true}
      %ge3A_118 = arith.constant 2 : i32
      %ge3A_119 = arith.cmpi sge, %add3A_95, %ge3A_118 : i32
      %convert_element_type3A_120 = arith.extui %ge3A_119 : i1 to i32
      %cond3A_121 = arith.constant 0 : i32
      %cond3A_122 = arith.cmpi ne, %convert_element_type3A_120, %cond3A_121 : i32
      scf.if %cond3A_122 {
        %sub3A = arith.constant 2 : i32
        %sub3A_206 = arith.subi %add3A_95, %sub3A : i32
        %dma_wait3A_207 = arith.constant 3 : i32
        %dma_wait3A_208 = arith.constant 0 : i32
        %dma_wait3A_209 = arith.constant 0 : i32
        %dma_wait3A_210 = tpu.memref_slice %arg9[%dma_wait3A_207, %dma_wait3A_208, %dma_wait3A_209] : memref<4x80x64xf32, #tpu.memory_space<vmem>> -> memref<1x80x64xf32, #tpu.memory_space<vmem>>
        %dma_wait3A_211 = tpu.memref_squeeze %dma_wait3A_210 : memref<1x80x64xf32, #tpu.memory_space<vmem>> -> memref<80x64xf32, #tpu.memory_space<vmem>>
        %dma_wait3A_212 = arith.constant 0 : i32
        %dma_wait3A_213 = tpu.memref_slice %arg8[%sub3A_206, %dma_wait3A_212] : memref<128x80xi32, #tpu.memory_space<vmem>> -> memref<1x80xi32, #tpu.memory_space<vmem>>
        %dma_wait3A_214 = tpu.memref_squeeze %dma_wait3A_213 : memref<1x80xi32, #tpu.memory_space<vmem>> -> memref<80xi32, #tpu.memory_space<vmem>>
        %dma_wait3A_215 = arith.constant 0 : i32
        %dma_wait3A_216 = arith.constant 0 : i32
        %dma_wait3A_217 = tpu.memref_slice %arg18[%dma_wait3A_215, %dma_wait3A_216] : memref<10112x64xf32, #tpu.memory_space<vmem_shared>> -> memref<10112x64xf32, #tpu.memory_space<vmem_shared>>
        tpu.wait_indirect_dma semaphore(%arg17 : memref<!tpu.dma_semaphore, #tpu.memory_space<semaphore_mem>>) src(%dma_wait3A_211 : memref<80x64xf32, #tpu.memory_space<vmem>>) dst(%dma_wait3A_217 : memref<10112x64xf32, #tpu.memory_space<vmem_shared>>)
      } else {
      }
      %add3A_123 = arith.constant 2 : i32
      %add3A_124 = arith.addi %add3A_95, %add3A_123 : i32
      %lt3A_125 = arith.constant 128 : i32
      %lt3A_126 = arith.cmpi slt, %add3A_124, %lt3A_125 : i32
      %convert_element_type3A_127 = arith.extui %lt3A_126 : i1 to i32
      %cond3A_128 = arith.constant 0 : i32
      %cond3A_129 = arith.cmpi ne, %convert_element_type3A_127, %cond3A_128 : i32
      scf.if %cond3A_129 {
        %add3A_206 = arith.constant 2 : i32
        %add3A_207 = arith.addi %add3A_95, %add3A_206 : i32
        %dma_start3A_208 = arith.constant 3 : i32
        %dma_start3A_209 = arith.constant 0 : i32
        %dma_start3A_210 = arith.constant 0 : i32
        %dma_start3A_211 = tpu.memref_slice %arg9[%dma_start3A_208, %dma_start3A_209, %dma_start3A_210] : memref<4x80x64xf32, #tpu.memory_space<vmem>> -> memref<1x80x64xf32, #tpu.memory_space<vmem>>
        %dma_start3A_212 = tpu.memref_squeeze %dma_start3A_211 : memref<1x80x64xf32, #tpu.memory_space<vmem>> -> memref<80x64xf32, #tpu.memory_space<vmem>>
        %dma_start3A_213 = arith.constant 0 : i32
        %dma_start3A_214 = tpu.memref_slice %arg7[%add3A_207, %dma_start3A_213] : memref<128x80xi32, #tpu.memory_space<vmem>> -> memref<1x80xi32, #tpu.memory_space<vmem>>
        %dma_start3A_215 = tpu.memref_squeeze %dma_start3A_214 : memref<1x80xi32, #tpu.memory_space<vmem>> -> memref<80xi32, #tpu.memory_space<vmem>>
        %dma_start3A_216 = arith.constant 0 : i32
        %dma_start3A_217 = arith.constant 0 : i32
        %dma_start3A_218 = tpu.memref_slice %arg4[%dma_start3A_216, %dma_start3A_217] : memref<10000x64xf32, #tpu.memory_space<hbm>> -> memref<10000x64xf32, #tpu.memory_space<hbm>>
        tpu.enqueue_indirect_dma source(%dma_start3A_218 : memref<10000x64xf32, #tpu.memory_space<hbm>>) target(%dma_start3A_212 : memref<80x64xf32, #tpu.memory_space<vmem>>) offsets(%dma_start3A_215 : memref<80xi32, #tpu.memory_space<vmem>>) semaphore(%arg13 : memref<!tpu.dma_semaphore, #tpu.memory_space<semaphore_mem>>)
      } else {
      }
      %mul3A_130 = arith.constant 4 : i32
      %mul3A_131 = arith.muli %scan3A_57, %mul3A_130 : i32
      %add3A_132 = arith.constant 2 : i32
      %add3A_133 = arith.addi %mul3A_131, %add3A_132 : i32
      %dma_wait3A_134 = arith.constant 2 : i32
      %dma_wait3A_135 = arith.constant 0 : i32
      %dma_wait3A_136 = arith.constant 0 : i32
      %dma_wait3A_137 = tpu.memref_slice %arg9[%dma_wait3A_134, %dma_wait3A_135, %dma_wait3A_136] : memref<4x80x64xf32, #tpu.memory_space<vmem>> -> memref<1x80x64xf32, #tpu.memory_space<vmem>>
      %dma_wait3A_138 = tpu.memref_squeeze %dma_wait3A_137 : memref<1x80x64xf32, #tpu.memory_space<vmem>> -> memref<80x64xf32, #tpu.memory_space<vmem>>
      %dma_wait3A_139 = arith.constant 0 : i32
      %dma_wait3A_140 = tpu.memref_slice %arg7[%add3A_133, %dma_wait3A_139] : memref<128x80xi32, #tpu.memory_space<vmem>> -> memref<1x80xi32, #tpu.memory_space<vmem>>
      %dma_wait3A_141 = tpu.memref_squeeze %dma_wait3A_140 : memref<1x80xi32, #tpu.memory_space<vmem>> -> memref<80xi32, #tpu.memory_space<vmem>>
      %dma_wait3A_142 = arith.constant 0 : i32
      %dma_wait3A_143 = arith.constant 0 : i32
      %dma_wait3A_144 = tpu.memref_slice %arg4[%dma_wait3A_142, %dma_wait3A_143] : memref<10000x64xf32, #tpu.memory_space<hbm>> -> memref<10000x64xf32, #tpu.memory_space<hbm>>
      tpu.wait_indirect_dma semaphore(%arg12 : memref<!tpu.dma_semaphore, #tpu.memory_space<semaphore_mem>>) src(%dma_wait3A_144 : memref<10000x64xf32, #tpu.memory_space<hbm>>) dst(%dma_wait3A_138 : memref<80x64xf32, #tpu.memory_space<vmem>>)
      %dma_start3A_145 = arith.constant 2 : i32
      %dma_start3A_146 = arith.constant 0 : i32
      %dma_start3A_147 = arith.constant 0 : i32
      %dma_start3A_148 = tpu.memref_slice %arg9[%dma_start3A_145, %dma_start3A_146, %dma_start3A_147] : memref<4x80x64xf32, #tpu.memory_space<vmem>> -> memref<1x80x64xf32, #tpu.memory_space<vmem>>
      %dma_start3A_149 = tpu.memref_squeeze %dma_start3A_148 : memref<1x80x64xf32, #tpu.memory_space<vmem>> -> memref<80x64xf32, #tpu.memory_space<vmem>>
      %dma_start3A_150 = arith.constant 0 : i32
      %dma_start3A_151 = tpu.memref_slice %arg8[%add3A_133, %dma_start3A_150] : memref<128x80xi32, #tpu.memory_space<vmem>> -> memref<1x80xi32, #tpu.memory_space<vmem>>
      %dma_start3A_152 = tpu.memref_squeeze %dma_start3A_151 : memref<1x80xi32, #tpu.memory_space<vmem>> -> memref<80xi32, #tpu.memory_space<vmem>>
      %dma_start3A_153 = arith.constant 0 : i32
      %dma_start3A_154 = arith.constant 0 : i32
      %dma_start3A_155 = tpu.memref_slice %arg18[%dma_start3A_153, %dma_start3A_154] : memref<10112x64xf32, #tpu.memory_space<vmem_shared>> -> memref<10112x64xf32, #tpu.memory_space<vmem_shared>>
      tpu.enqueue_indirect_dma source(%dma_start3A_149 : memref<80x64xf32, #tpu.memory_space<vmem>>) target(%dma_start3A_155 : memref<10112x64xf32, #tpu.memory_space<vmem_shared>>) offsets(%dma_start3A_152 : memref<80xi32, #tpu.memory_space<vmem>>) semaphore(%arg16 : memref<!tpu.dma_semaphore, #tpu.memory_space<semaphore_mem>>) {add = true}
      %ge3A_156 = arith.constant 2 : i32
      %ge3A_157 = arith.cmpi sge, %add3A_133, %ge3A_156 : i32
      %convert_element_type3A_158 = arith.extui %ge3A_157 : i1 to i32
      %cond3A_159 = arith.constant 0 : i32
      %cond3A_160 = arith.cmpi ne, %convert_element_type3A_158, %cond3A_159 : i32
      scf.if %cond3A_160 {
        %sub3A = arith.constant 2 : i32
        %sub3A_206 = arith.subi %add3A_133, %sub3A : i32
        %dma_wait3A_207 = arith.constant 0 : i32
        %dma_wait3A_208 = arith.constant 0 : i32
        %dma_wait3A_209 = arith.constant 0 : i32
        %dma_wait3A_210 = tpu.memref_slice %arg9[%dma_wait3A_207, %dma_wait3A_208, %dma_wait3A_209] : memref<4x80x64xf32, #tpu.memory_space<vmem>> -> memref<1x80x64xf32, #tpu.memory_space<vmem>>
        %dma_wait3A_211 = tpu.memref_squeeze %dma_wait3A_210 : memref<1x80x64xf32, #tpu.memory_space<vmem>> -> memref<80x64xf32, #tpu.memory_space<vmem>>
        %dma_wait3A_212 = arith.constant 0 : i32
        %dma_wait3A_213 = tpu.memref_slice %arg8[%sub3A_206, %dma_wait3A_212] : memref<128x80xi32, #tpu.memory_space<vmem>> -> memref<1x80xi32, #tpu.memory_space<vmem>>
        %dma_wait3A_214 = tpu.memref_squeeze %dma_wait3A_213 : memref<1x80xi32, #tpu.memory_space<vmem>> -> memref<80xi32, #tpu.memory_space<vmem>>
        %dma_wait3A_215 = arith.constant 0 : i32
        %dma_wait3A_216 = arith.constant 0 : i32
        %dma_wait3A_217 = tpu.memref_slice %arg18[%dma_wait3A_215, %dma_wait3A_216] : memref<10112x64xf32, #tpu.memory_space<vmem_shared>> -> memref<10112x64xf32, #tpu.memory_space<vmem_shared>>
        tpu.wait_indirect_dma semaphore(%arg14 : memref<!tpu.dma_semaphore, #tpu.memory_space<semaphore_mem>>) src(%dma_wait3A_211 : memref<80x64xf32, #tpu.memory_space<vmem>>) dst(%dma_wait3A_217 : memref<10112x64xf32, #tpu.memory_space<vmem_shared>>)
      } else {
      }
      %add3A_161 = arith.constant 2 : i32
      %add3A_162 = arith.addi %add3A_133, %add3A_161 : i32
      %lt3A_163 = arith.constant 128 : i32
      %lt3A_164 = arith.cmpi slt, %add3A_162, %lt3A_163 : i32
      %convert_element_type3A_165 = arith.extui %lt3A_164 : i1 to i32
      %cond3A_166 = arith.constant 0 : i32
      %cond3A_167 = arith.cmpi ne, %convert_element_type3A_165, %cond3A_166 : i32
      scf.if %cond3A_167 {
        %add3A_206 = arith.constant 2 : i32
        %add3A_207 = arith.addi %add3A_133, %add3A_206 : i32
        %dma_start3A_208 = arith.constant 0 : i32
        %dma_start3A_209 = arith.constant 0 : i32
        %dma_start3A_210 = arith.constant 0 : i32
        %dma_start3A_211 = tpu.memref_slice %arg9[%dma_start3A_208, %dma_start3A_209, %dma_start3A_210] : memref<4x80x64xf32, #tpu.memory_space<vmem>> -> memref<1x80x64xf32, #tpu.memory_space<vmem>>
        %dma_start3A_212 = tpu.memref_squeeze %dma_start3A_211 : memref<1x80x64xf32, #tpu.memory_space<vmem>> -> memref<80x64xf32, #tpu.memory_space<vmem>>
        %dma_start3A_213 = arith.constant 0 : i32
        %dma_start3A_214 = tpu.memref_slice %arg7[%add3A_207, %dma_start3A_213] : memref<128x80xi32, #tpu.memory_space<vmem>> -> memref<1x80xi32, #tpu.memory_space<vmem>>
        %dma_start3A_215 = tpu.memref_squeeze %dma_start3A_214 : memref<1x80xi32, #tpu.memory_space<vmem>> -> memref<80xi32, #tpu.memory_space<vmem>>
        %dma_start3A_216 = arith.constant 0 : i32
        %dma_start3A_217 = arith.constant 0 : i32
        %dma_start3A_218 = tpu.memref_slice %arg4[%dma_start3A_216, %dma_start3A_217] : memref<10000x64xf32, #tpu.memory_space<hbm>> -> memref<10000x64xf32, #tpu.memory_space<hbm>>
        tpu.enqueue_indirect_dma source(%dma_start3A_218 : memref<10000x64xf32, #tpu.memory_space<hbm>>) target(%dma_start3A_212 : memref<80x64xf32, #tpu.memory_space<vmem>>) offsets(%dma_start3A_215 : memref<80xi32, #tpu.memory_space<vmem>>) semaphore(%arg10 : memref<!tpu.dma_semaphore, #tpu.memory_space<semaphore_mem>>)
      } else {
      }
      %mul3A_168 = arith.constant 4 : i32
      %mul3A_169 = arith.muli %scan3A_57, %mul3A_168 : i32
      %add3A_170 = arith.constant 3 : i32
      %add3A_171 = arith.addi %mul3A_169, %add3A_170 : i32
      %dma_wait3A_172 = arith.constant 3 : i32
      %dma_wait3A_173 = arith.constant 0 : i32
      %dma_wait3A_174 = arith.constant 0 : i32
      %dma_wait3A_175 = tpu.memref_slice %arg9[%dma_wait3A_172, %dma_wait3A_173, %dma_wait3A_174] : memref<4x80x64xf32, #tpu.memory_space<vmem>> -> memref<1x80x64xf32, #tpu.memory_space<vmem>>
      %dma_wait3A_176 = tpu.memref_squeeze %dma_wait3A_175 : memref<1x80x64xf32, #tpu.memory_space<vmem>> -> memref<80x64xf32, #tpu.memory_space<vmem>>
      %dma_wait3A_177 = arith.constant 0 : i32
      %dma_wait3A_178 = tpu.memref_slice %arg7[%add3A_171, %dma_wait3A_177] : memref<128x80xi32, #tpu.memory_space<vmem>> -> memref<1x80xi32, #tpu.memory_space<vmem>>
      %dma_wait3A_179 = tpu.memref_squeeze %dma_wait3A_178 : memref<1x80xi32, #tpu.memory_space<vmem>> -> memref<80xi32, #tpu.memory_space<vmem>>
      %dma_wait3A_180 = arith.constant 0 : i32
      %dma_wait3A_181 = arith.constant 0 : i32
      %dma_wait3A_182 = tpu.memref_slice %arg4[%dma_wait3A_180, %dma_wait3A_181] : memref<10000x64xf32, #tpu.memory_space<hbm>> -> memref<10000x64xf32, #tpu.memory_space<hbm>>
      tpu.wait_indirect_dma semaphore(%arg13 : memref<!tpu.dma_semaphore, #tpu.memory_space<semaphore_mem>>) src(%dma_wait3A_182 : memref<10000x64xf32, #tpu.memory_space<hbm>>) dst(%dma_wait3A_176 : memref<80x64xf32, #tpu.memory_space<vmem>>)
      %dma_start3A_183 = arith.constant 3 : i32
      %dma_start3A_184 = arith.constant 0 : i32
      %dma_start3A_185 = arith.constant 0 : i32
      %dma_start3A_186 = tpu.memref_slice %arg9[%dma_start3A_183, %dma_start3A_184, %dma_start3A_185] : memref<4x80x64xf32, #tpu.memory_space<vmem>> -> memref<1x80x64xf32, #tpu.memory_space<vmem>>
      %dma_start3A_187 = tpu.memref_squeeze %dma_start3A_186 : memref<1x80x64xf32, #tpu.memory_space<vmem>> -> memref<80x64xf32, #tpu.memory_space<vmem>>
      %dma_start3A_188 = arith.constant 0 : i32
      %dma_start3A_189 = tpu.memref_slice %arg8[%add3A_171, %dma_start3A_188] : memref<128x80xi32, #tpu.memory_space<vmem>> -> memref<1x80xi32, #tpu.memory_space<vmem>>
      %dma_start3A_190 = tpu.memref_squeeze %dma_start3A_189 : memref<1x80xi32, #tpu.memory_space<vmem>> -> memref<80xi32, #tpu.memory_space<vmem>>
      %dma_start3A_191 = arith.constant 0 : i32
      %dma_start3A_192 = arith.constant 0 : i32
      %dma_start3A_193 = tpu.memref_slice %arg18[%dma_start3A_191, %dma_start3A_192] : memref<10112x64xf32, #tpu.memory_space<vmem_shared>> -> memref<10112x64xf32, #tpu.memory_space<vmem_shared>>
      tpu.enqueue_indirect_dma source(%dma_start3A_187 : memref<80x64xf32, #tpu.memory_space<vmem>>) target(%dma_start3A_193 : memref<10112x64xf32, #tpu.memory_space<vmem_shared>>) offsets(%dma_start3A_190 : memref<80xi32, #tpu.memory_space<vmem>>) semaphore(%arg17 : memref<!tpu.dma_semaphore, #tpu.memory_space<semaphore_mem>>) {add = true}
      %ge3A_194 = arith.constant 2 : i32
      %ge3A_195 = arith.cmpi sge, %add3A_171, %ge3A_194 : i32
      %convert_element_type3A_196 = arith.extui %ge3A_195 : i1 to i32
      %cond3A_197 = arith.constant 0 : i32
      %cond3A_198 = arith.cmpi ne, %convert_element_type3A_196, %cond3A_197 : i32
      scf.if %cond3A_198 {
        %sub3A = arith.constant 2 : i32
        %sub3A_206 = arith.subi %add3A_171, %sub3A : i32
        %dma_wait3A_207 = arith.constant 1 : i32
        %dma_wait3A_208 = arith.constant 0 : i32
        %dma_wait3A_209 = arith.constant 0 : i32
        %dma_wait3A_210 = tpu.memref_slice %arg9[%dma_wait3A_207, %dma_wait3A_208, %dma_wait3A_209] : memref<4x80x64xf32, #tpu.memory_space<vmem>> -> memref<1x80x64xf32, #tpu.memory_space<vmem>>
        %dma_wait3A_211 = tpu.memref_squeeze %dma_wait3A_210 : memref<1x80x64xf32, #tpu.memory_space<vmem>> -> memref<80x64xf32, #tpu.memory_space<vmem>>
        %dma_wait3A_212 = arith.constant 0 : i32
        %dma_wait3A_213 = tpu.memref_slice %arg8[%sub3A_206, %dma_wait3A_212] : memref<128x80xi32, #tpu.memory_space<vmem>> -> memref<1x80xi32, #tpu.memory_space<vmem>>
        %dma_wait3A_214 = tpu.memref_squeeze %dma_wait3A_213 : memref<1x80xi32, #tpu.memory_space<vmem>> -> memref<80xi32, #tpu.memory_space<vmem>>
        %dma_wait3A_215 = arith.constant 0 : i32
        %dma_wait3A_216 = arith.constant 0 : i32
        %dma_wait3A_217 = tpu.memref_slice %arg18[%dma_wait3A_215, %dma_wait3A_216] : memref<10112x64xf32, #tpu.memory_space<vmem_shared>> -> memref<10112x64xf32, #tpu.memory_space<vmem_shared>>
        tpu.wait_indirect_dma semaphore(%arg15 : memref<!tpu.dma_semaphore, #tpu.memory_space<semaphore_mem>>) src(%dma_wait3A_211 : memref<80x64xf32, #tpu.memory_space<vmem>>) dst(%dma_wait3A_217 : memref<10112x64xf32, #tpu.memory_space<vmem_shared>>)
      } else {
      }
      %add3A_199 = arith.constant 2 : i32
      %add3A_200 = arith.addi %add3A_171, %add3A_199 : i32
      %lt3A_201 = arith.constant 128 : i32
      %lt3A_202 = arith.cmpi slt, %add3A_200, %lt3A_201 : i32
      %convert_element_type3A_203 = arith.extui %lt3A_202 : i1 to i32
      %cond3A_204 = arith.constant 0 : i32
      %cond3A_205 = arith.cmpi ne, %convert_element_type3A_203, %cond3A_204 : i32
      scf.if %cond3A_205 {
        %add3A_206 = arith.constant 2 : i32
        %add3A_207 = arith.addi %add3A_171, %add3A_206 : i32
        %dma_start3A_208 = arith.constant 1 : i32
        %dma_start3A_209 = arith.constant 0 : i32
        %dma_start3A_210 = arith.constant 0 : i32
        %dma_start3A_211 = tpu.memref_slice %arg9[%dma_start3A_208, %dma_start3A_209, %dma_start3A_210] : memref<4x80x64xf32, #tpu.memory_space<vmem>> -> memref<1x80x64xf32, #tpu.memory_space<vmem>>
        %dma_start3A_212 = tpu.memref_squeeze %dma_start3A_211 : memref<1x80x64xf32, #tpu.memory_space<vmem>> -> memref<80x64xf32, #tpu.memory_space<vmem>>
        %dma_start3A_213 = arith.constant 0 : i32
        %dma_start3A_214 = tpu.memref_slice %arg7[%add3A_207, %dma_start3A_213] : memref<128x80xi32, #tpu.memory_space<vmem>> -> memref<1x80xi32, #tpu.memory_space<vmem>>
        %dma_start3A_215 = tpu.memref_squeeze %dma_start3A_214 : memref<1x80xi32, #tpu.memory_space<vmem>> -> memref<80xi32, #tpu.memory_space<vmem>>
        %dma_start3A_216 = arith.constant 0 : i32
        %dma_start3A_217 = arith.constant 0 : i32
        %dma_start3A_218 = tpu.memref_slice %arg4[%dma_start3A_216, %dma_start3A_217] : memref<10000x64xf32, #tpu.memory_space<hbm>> -> memref<10000x64xf32, #tpu.memory_space<hbm>>
        tpu.enqueue_indirect_dma source(%dma_start3A_218 : memref<10000x64xf32, #tpu.memory_space<hbm>>) target(%dma_start3A_212 : memref<80x64xf32, #tpu.memory_space<vmem>>) offsets(%dma_start3A_215 : memref<80xi32, #tpu.memory_space<vmem>>) semaphore(%arg11 : memref<!tpu.dma_semaphore, #tpu.memory_space<semaphore_mem>>)
      } else {
      }
    }
    %scan3A_32 = arith.constant 32 : i32
    %dma_wait3A = arith.constant 2 : i32
    %dma_wait3A_33 = arith.constant 126 : i32
    %dma_wait3A_34 = arith.constant 0 : i32
    %dma_wait3A_35 = arith.constant 0 : i32
    %dma_wait3A_36 = tpu.memref_slice %arg9[%dma_wait3A, %dma_wait3A_34, %dma_wait3A_35] : memref<4x80x64xf32, #tpu.memory_space<vmem>> -> memref<1x80x64xf32, #tpu.memory_space<vmem>>
    %dma_wait3A_37 = tpu.memref_squeeze %dma_wait3A_36 : memref<1x80x64xf32, #tpu.memory_space<vmem>> -> memref<80x64xf32, #tpu.memory_space<vmem>>
    %dma_wait3A_38 = arith.constant 0 : i32
    %dma_wait3A_39 = tpu.memref_slice %arg8[%dma_wait3A_33, %dma_wait3A_38] : memref<128x80xi32, #tpu.memory_space<vmem>> -> memref<1x80xi32, #tpu.memory_space<vmem>>
    %dma_wait3A_40 = tpu.memref_squeeze %dma_wait3A_39 : memref<1x80xi32, #tpu.memory_space<vmem>> -> memref<80xi32, #tpu.memory_space<vmem>>
    %dma_wait3A_41 = arith.constant 0 : i32
    %dma_wait3A_42 = arith.constant 0 : i32
    %dma_wait3A_43 = tpu.memref_slice %arg18[%dma_wait3A_41, %dma_wait3A_42] : memref<10112x64xf32, #tpu.memory_space<vmem_shared>> -> memref<10112x64xf32, #tpu.memory_space<vmem_shared>>
    tpu.wait_indirect_dma semaphore(%arg16 : memref<!tpu.dma_semaphore, #tpu.memory_space<semaphore_mem>>) src(%dma_wait3A_37 : memref<80x64xf32, #tpu.memory_space<vmem>>) dst(%dma_wait3A_43 : memref<10112x64xf32, #tpu.memory_space<vmem_shared>>)
    %dma_wait3A_44 = arith.constant 3 : i32
    %dma_wait3A_45 = arith.constant 127 : i32
    %dma_wait3A_46 = arith.constant 0 : i32
    %dma_wait3A_47 = arith.constant 0 : i32
    %dma_wait3A_48 = tpu.memref_slice %arg9[%dma_wait3A_44, %dma_wait3A_46, %dma_wait3A_47] : memref<4x80x64xf32, #tpu.memory_space<vmem>> -> memref<1x80x64xf32, #tpu.memory_space<vmem>>
    %dma_wait3A_49 = tpu.memref_squeeze %dma_wait3A_48 : memref<1x80x64xf32, #tpu.memory_space<vmem>> -> memref<80x64xf32, #tpu.memory_space<vmem>>
    %dma_wait3A_50 = arith.constant 0 : i32
    %dma_wait3A_51 = tpu.memref_slice %arg8[%dma_wait3A_45, %dma_wait3A_50] : memref<128x80xi32, #tpu.memory_space<vmem>> -> memref<1x80xi32, #tpu.memory_space<vmem>>
    %dma_wait3A_52 = tpu.memref_squeeze %dma_wait3A_51 : memref<1x80xi32, #tpu.memory_space<vmem>> -> memref<80xi32, #tpu.memory_space<vmem>>
    %dma_wait3A_53 = arith.constant 0 : i32
    %dma_wait3A_54 = arith.constant 0 : i32
    %dma_wait3A_55 = tpu.memref_slice %arg18[%dma_wait3A_53, %dma_wait3A_54] : memref<10112x64xf32, #tpu.memory_space<vmem_shared>> -> memref<10112x64xf32, #tpu.memory_space<vmem_shared>>
    tpu.wait_indirect_dma semaphore(%arg17 : memref<!tpu.dma_semaphore, #tpu.memory_space<semaphore_mem>>) src(%dma_wait3A_49 : memref<80x64xf32, #tpu.memory_space<vmem>>) dst(%dma_wait3A_55 : memref<10112x64xf32, #tpu.memory_space<vmem_shared>>)
    %barrier3A_56 = arith.constant 0 : index
    tpu.barrier barrier_id(%barrier3A_56)
    "tpu.region"() ({
      %run_scoped3A = tpu.sem_alloc : memref<!tpu.dma_semaphore, #tpu.memory_space<semaphore_mem>>
      %dma_start3A_57 = arith.constant 0 : i32
      %dma_start3A_58 = arith.constant 0 : i32
      %dma_start3A_59 = tpu.memref_slice %arg6[%arg0, %dma_start3A_57, %dma_start3A_58] : memref<2x10112x64xf32, #tpu.memory_space<hbm>> -> memref<1x10112x64xf32, #tpu.memory_space<hbm>>
      %dma_start3A_60 = tpu.memref_squeeze %dma_start3A_59 : memref<1x10112x64xf32, #tpu.memory_space<hbm>> -> memref<10112x64xf32, #tpu.memory_space<hbm>>
      %dma_start3A_61 = arith.constant 0 : i32
      %dma_start3A_62 = tpu.memref_slice %dma_start3A_60[%mul3A_4, %dma_start3A_61] : memref<10112x64xf32, #tpu.memory_space<hbm>> -> memref<632x64xf32, #tpu.memory_space<hbm>>
      %dma_start3A_63 = arith.constant 0 : i32
      %dma_start3A_64 = tpu.memref_slice %arg18[%mul3A_4, %dma_start3A_63] : memref<10112x64xf32, #tpu.memory_space<vmem_shared>> -> memref<632x64xf32, #tpu.memory_space<vmem_shared>>
      tpu.enqueue_dma source(%dma_start3A_64 : memref<632x64xf32, #tpu.memory_space<vmem_shared>>) target(%dma_start3A_62 : memref<632x64xf32, #tpu.memory_space<hbm>>) target_semaphore(%run_scoped3A : memref<!tpu.dma_semaphore, #tpu.memory_space<semaphore_mem>>)
      %dma_wait3A_65 = arith.constant 0 : i32
      %dma_wait3A_66 = arith.constant 0 : i32
      %dma_wait3A_67 = tpu.memref_slice %arg6[%arg0, %dma_wait3A_65, %dma_wait3A_66] : memref<2x10112x64xf32, #tpu.memory_space<hbm>> -> memref<1x10112x64xf32, #tpu.memory_space<hbm>>
      %dma_wait3A_68 = tpu.memref_squeeze %dma_wait3A_67 : memref<1x10112x64xf32, #tpu.memory_space<hbm>> -> memref<10112x64xf32, #tpu.memory_space<hbm>>
      %dma_wait3A_69 = arith.constant 0 : i32
      %dma_wait3A_70 = tpu.memref_slice %dma_wait3A_68[%mul3A_4, %dma_wait3A_69] : memref<10112x64xf32, #tpu.memory_space<hbm>> -> memref<632x64xf32, #tpu.memory_space<hbm>>
      %dma_wait3A_71 = arith.constant 0 : i32
      %dma_wait3A_72 = tpu.memref_slice %arg18[%mul3A_4, %dma_wait3A_71] : memref<10112x64xf32, #tpu.memory_space<vmem_shared>> -> memref<632x64xf32, #tpu.memory_space<vmem_shared>>
      tpu.wait_dma2 semaphore(%run_scoped3A : memref<!tpu.dma_semaphore, #tpu.memory_space<semaphore_mem>>) src(%dma_wait3A_72 : memref<632x64xf32, #tpu.memory_space<vmem_shared>>) dst(%dma_wait3A_70 : memref<632x64xf32, #tpu.memory_space<hbm>>)
      tpu.yield
    }) : () -> ()
    return
  }
}

#map = affine_map<(d0, d1) -> (0, 0)>
#map1 = affine_map<(d0, d1) -> (0, 0, 0)>
module attributes {stable_mosaic.version = 14 : i64} {
  func.func @_sc_body(%arg0: i32, %arg1: i32, %arg2: memref<4096x80xi32, #tpu.memory_space<hbm>>, %arg3: memref<4096x80xi32, #tpu.memory_space<hbm>>, %arg4: memref<10000x16xf32, #tpu.memory_space<hbm>>, %arg5: memref<10112x16xf32, #tpu.memory_space<hbm>>, %arg6: memref<2x10112x16xf32, #tpu.memory_space<hbm>>, %arg7: memref<128x80xi32, #tpu.memory_space<vmem>>, %arg8: memref<128x80xi32, #tpu.memory_space<vmem>>, %arg9: memref<4x80x16xf32, #tpu.memory_space<vmem>>, %arg10: memref<!tpu.dma_semaphore, #tpu.memory_space<semaphore_mem>>, %arg11: memref<!tpu.dma_semaphore, #tpu.memory_space<semaphore_mem>>, %arg12: memref<!tpu.dma_semaphore, #tpu.memory_space<semaphore_mem>>, %arg13: memref<!tpu.dma_semaphore, #tpu.memory_space<semaphore_mem>>, %arg14: memref<!tpu.dma_semaphore, #tpu.memory_space<semaphore_mem>>, %arg15: memref<!tpu.dma_semaphore, #tpu.memory_space<semaphore_mem>>, %arg16: memref<!tpu.dma_semaphore, #tpu.memory_space<semaphore_mem>>, %arg17: memref<!tpu.dma_semaphore, #tpu.memory_space<semaphore_mem>>, %arg18: memref<10112x16xf32, #tpu.memory_space<vmem_shared>>) attributes {dimension_semantics = [#tpu.dimension_semantics<core_parallel>, #tpu.dimension_semantics<subcore_parallel>], iteration_bounds = array<i64: 2, 16>, scalar_prefetch = 0 : i64, scratch_operands = 12 : i64, tpu.core_type = #tpu.core_type<sc_vector_subcore>, window_params = [{transform_indices = #map}, {transform_indices = #map}, {transform_indices = #map}, {transform_indices = #map}, {transform_indices = #map1}]} {
    %mul3A = arith.constant 2 : i32
    %mul3A_0 = arith.muli %arg1, %mul3A : i32
    %add3A = arith.addi %mul3A_0, %arg0 : i32
    %mul3A_1 = arith.constant 128 : i32
    %mul3A_2 = arith.muli %add3A, %mul3A_1 : i32
    %mul3A_3 = arith.constant 632 : i32
    %mul3A_4 = arith.muli %arg1, %mul3A_3 : i32
    "tpu.region"() ({
      %run_scoped3A = tpu.sem_alloc : memref<!tpu.dma_semaphore, #tpu.memory_space<semaphore_mem>>
      %dma_start3A_57 = arith.constant 0 : i32
      %dma_start3A_58 = tpu.memref_slice %arg18[%mul3A_4, %dma_start3A_57] : memref<10112x16xf32, #tpu.memory_space<vmem_shared>> -> memref<632x16xf32, #tpu.memory_space<vmem_shared>>
      %dma_start3A_59 = arith.constant 0 : i32
      %dma_start3A_60 = tpu.memref_slice %arg5[%mul3A_4, %dma_start3A_59] : memref<10112x16xf32, #tpu.memory_space<hbm>> -> memref<632x16xf32, #tpu.memory_space<hbm>>
      tpu.enqueue_dma source(%dma_start3A_60 : memref<632x16xf32, #tpu.memory_space<hbm>>) target(%dma_start3A_58 : memref<632x16xf32, #tpu.memory_space<vmem_shared>>) target_semaphore(%run_scoped3A : memref<!tpu.dma_semaphore, #tpu.memory_space<semaphore_mem>>)
      %dma_wait3A_61 = arith.constant 0 : i32
      %dma_wait3A_62 = tpu.memref_slice %arg18[%mul3A_4, %dma_wait3A_61] : memref<10112x16xf32, #tpu.memory_space<vmem_shared>> -> memref<632x16xf32, #tpu.memory_space<vmem_shared>>
      %dma_wait3A_63 = arith.constant 0 : i32
      %dma_wait3A_64 = tpu.memref_slice %arg5[%mul3A_4, %dma_wait3A_63] : memref<10112x16xf32, #tpu.memory_space<hbm>> -> memref<632x16xf32, #tpu.memory_space<hbm>>
      tpu.wait_dma2 semaphore(%run_scoped3A : memref<!tpu.dma_semaphore, #tpu.memory_space<semaphore_mem>>) src(%dma_wait3A_64 : memref<632x16xf32, #tpu.memory_space<hbm>>) dst(%dma_wait3A_62 : memref<632x16xf32, #tpu.memory_space<vmem_shared>>)
      tpu.yield
    }) : () -> ()
    "tpu.region"() ({
      %run_scoped3A = tpu.sem_alloc : memref<!tpu.dma_semaphore, #tpu.memory_space<semaphore_mem>>
      %dma_start3A_57 = arith.constant 0 : i32
      %dma_start3A_58 = tpu.memref_slice %arg2[%mul3A_2, %dma_start3A_57] : memref<4096x80xi32, #tpu.memory_space<hbm>> -> memref<128x80xi32, #tpu.memory_space<hbm>>
      %dma_start3A_59 = arith.constant 0 : i32
      %dma_start3A_60 = tpu.memref_slice %arg2[%mul3A_2, %dma_start3A_59] : memref<4096x80xi32, #tpu.memory_space<hbm>> -> memref<128x80xi32, #tpu.memory_space<hbm>>
      tpu.enqueue_dma source(%dma_start3A_60 : memref<128x80xi32, #tpu.memory_space<hbm>>) target(%arg7 : memref<128x80xi32, #tpu.memory_space<vmem>>) target_semaphore(%run_scoped3A : memref<!tpu.dma_semaphore, #tpu.memory_space<semaphore_mem>>)
      %dma_wait3A_61 = arith.constant 0 : i32
      %dma_wait3A_62 = tpu.memref_slice %arg2[%mul3A_2, %dma_wait3A_61] : memref<4096x80xi32, #tpu.memory_space<hbm>> -> memref<128x80xi32, #tpu.memory_space<hbm>>
      %dma_wait3A_63 = arith.constant 0 : i32
      %dma_wait3A_64 = tpu.memref_slice %arg2[%mul3A_2, %dma_wait3A_63] : memref<4096x80xi32, #tpu.memory_space<hbm>> -> memref<128x80xi32, #tpu.memory_space<hbm>>
      tpu.wait_dma2 semaphore(%run_scoped3A : memref<!tpu.dma_semaphore, #tpu.memory_space<semaphore_mem>>) src(%dma_wait3A_64 : memref<128x80xi32, #tpu.memory_space<hbm>>) dst(%arg7 : memref<128x80xi32, #tpu.memory_space<vmem>>)
      tpu.yield
    }) : () -> ()
    "tpu.region"() ({
      %run_scoped3A = tpu.sem_alloc : memref<!tpu.dma_semaphore, #tpu.memory_space<semaphore_mem>>
      %dma_start3A_57 = arith.constant 0 : i32
      %dma_start3A_58 = tpu.memref_slice %arg3[%mul3A_2, %dma_start3A_57] : memref<4096x80xi32, #tpu.memory_space<hbm>> -> memref<128x80xi32, #tpu.memory_space<hbm>>
      %dma_start3A_59 = arith.constant 0 : i32
      %dma_start3A_60 = tpu.memref_slice %arg3[%mul3A_2, %dma_start3A_59] : memref<4096x80xi32, #tpu.memory_space<hbm>> -> memref<128x80xi32, #tpu.memory_space<hbm>>
      tpu.enqueue_dma source(%dma_start3A_60 : memref<128x80xi32, #tpu.memory_space<hbm>>) target(%arg8 : memref<128x80xi32, #tpu.memory_space<vmem>>) target_semaphore(%run_scoped3A : memref<!tpu.dma_semaphore, #tpu.memory_space<semaphore_mem>>)
      %dma_wait3A_61 = arith.constant 0 : i32
      %dma_wait3A_62 = tpu.memref_slice %arg3[%mul3A_2, %dma_wait3A_61] : memref<4096x80xi32, #tpu.memory_space<hbm>> -> memref<128x80xi32, #tpu.memory_space<hbm>>
      %dma_wait3A_63 = arith.constant 0 : i32
      %dma_wait3A_64 = tpu.memref_slice %arg3[%mul3A_2, %dma_wait3A_63] : memref<4096x80xi32, #tpu.memory_space<hbm>> -> memref<128x80xi32, #tpu.memory_space<hbm>>
      tpu.wait_dma2 semaphore(%run_scoped3A : memref<!tpu.dma_semaphore, #tpu.memory_space<semaphore_mem>>) src(%dma_wait3A_64 : memref<128x80xi32, #tpu.memory_space<hbm>>) dst(%arg8 : memref<128x80xi32, #tpu.memory_space<vmem>>)
      tpu.yield
    }) : () -> ()
    %barrier3A = arith.constant 0 : index
    tpu.barrier barrier_id(%barrier3A)
    %dma_start3A = arith.constant 0 : i32
    %dma_start3A_5 = arith.constant 0 : i32
    %dma_start3A_6 = arith.constant 0 : i32
    %dma_start3A_7 = arith.constant 0 : i32
    %dma_start3A_8 = tpu.memref_slice %arg9[%dma_start3A_5, %dma_start3A_6, %dma_start3A_7] : memref<4x80x16xf32, #tpu.memory_space<vmem>> -> memref<1x80x16xf32, #tpu.memory_space<vmem>>
    %dma_start3A_9 = tpu.memref_squeeze %dma_start3A_8 : memref<1x80x16xf32, #tpu.memory_space<vmem>> -> memref<80x16xf32, #tpu.memory_space<vmem>>
    %dma_start3A_10 = arith.constant 0 : i32
    %dma_start3A_11 = tpu.memref_slice %arg7[%dma_start3A, %dma_start3A_10] : memref<128x80xi32, #tpu.memory_space<vmem>> -> memref<1x80xi32, #tpu.memory_space<vmem>>
    %dma_start3A_12 = tpu.memref_squeeze %dma_start3A_11 : memref<1x80xi32, #tpu.memory_space<vmem>> -> memref<80xi32, #tpu.memory_space<vmem>>
    %dma_start3A_13 = arith.constant 0 : i32
    %dma_start3A_14 = arith.constant 0 : i32
    %dma_start3A_15 = tpu.memref_slice %arg4[%dma_start3A_13, %dma_start3A_14] : memref<10000x16xf32, #tpu.memory_space<hbm>> -> memref<10000x16xf32, #tpu.memory_space<hbm>>
    tpu.enqueue_indirect_dma source(%dma_start3A_15 : memref<10000x16xf32, #tpu.memory_space<hbm>>) target(%dma_start3A_9 : memref<80x16xf32, #tpu.memory_space<vmem>>) offsets(%dma_start3A_12 : memref<80xi32, #tpu.memory_space<vmem>>) semaphore(%arg10 : memref<!tpu.dma_semaphore, #tpu.memory_space<semaphore_mem>>)
    %dma_start3A_16 = arith.constant 1 : i32
    %dma_start3A_17 = arith.constant 1 : i32
    %dma_start3A_18 = arith.constant 0 : i32
    %dma_start3A_19 = arith.constant 0 : i32
    %dma_start3A_20 = tpu.memref_slice %arg9[%dma_start3A_17, %dma_start3A_18, %dma_start3A_19] : memref<4x80x16xf32, #tpu.memory_space<vmem>> -> memref<1x80x16xf32, #tpu.memory_space<vmem>>
    %dma_start3A_21 = tpu.memref_squeeze %dma_start3A_20 : memref<1x80x16xf32, #tpu.memory_space<vmem>> -> memref<80x16xf32, #tpu.memory_space<vmem>>
    %dma_start3A_22 = arith.constant 0 : i32
    %dma_start3A_23 = tpu.memref_slice %arg7[%dma_start3A_16, %dma_start3A_22] : memref<128x80xi32, #tpu.memory_space<vmem>> -> memref<1x80xi32, #tpu.memory_space<vmem>>
    %dma_start3A_24 = tpu.memref_squeeze %dma_start3A_23 : memref<1x80xi32, #tpu.memory_space<vmem>> -> memref<80xi32, #tpu.memory_space<vmem>>
    %dma_start3A_25 = arith.constant 0 : i32
    %dma_start3A_26 = arith.constant 0 : i32
    %dma_start3A_27 = tpu.memref_slice %arg4[%dma_start3A_25, %dma_start3A_26] : memref<10000x16xf32, #tpu.memory_space<hbm>> -> memref<10000x16xf32, #tpu.memory_space<hbm>>
    tpu.enqueue_indirect_dma source(%dma_start3A_27 : memref<10000x16xf32, #tpu.memory_space<hbm>>) target(%dma_start3A_21 : memref<80x16xf32, #tpu.memory_space<vmem>>) offsets(%dma_start3A_24 : memref<80xi32, #tpu.memory_space<vmem>>) semaphore(%arg11 : memref<!tpu.dma_semaphore, #tpu.memory_space<semaphore_mem>>)
    %scan3A = arith.constant 0 : i32
    %scan3A_28 = arith.constant 0 : i32
    %scan3A_29 = arith.constant 32 : i32
    %scan3A_30 = arith.addi %scan3A_28, %scan3A_29 : i32
    %scan3A_31 = arith.constant 1 : i32
    scf.for %scan3A_57 = %scan3A_28 to %scan3A_30 step %scan3A_31  : i32 {
      %mul3A_58 = arith.constant 4 : i32
      %mul3A_59 = arith.muli %scan3A_57, %mul3A_58 : i32
      %add3A_60 = arith.constant 0 : i32
      %add3A_61 = arith.addi %mul3A_59, %add3A_60 : i32
      %dma_wait3A_62 = arith.constant 0 : i32
      %dma_wait3A_63 = arith.constant 0 : i32
      %dma_wait3A_64 = arith.constant 0 : i32
      %dma_wait3A_65 = tpu.memref_slice %arg9[%dma_wait3A_62, %dma_wait3A_63, %dma_wait3A_64] : memref<4x80x16xf32, #tpu.memory_space<vmem>> -> memref<1x80x16xf32, #tpu.memory_space<vmem>>
      %dma_wait3A_66 = tpu.memref_squeeze %dma_wait3A_65 : memref<1x80x16xf32, #tpu.memory_space<vmem>> -> memref<80x16xf32, #tpu.memory_space<vmem>>
      %dma_wait3A_67 = arith.constant 0 : i32
      %dma_wait3A_68 = tpu.memref_slice %arg7[%add3A_61, %dma_wait3A_67] : memref<128x80xi32, #tpu.memory_space<vmem>> -> memref<1x80xi32, #tpu.memory_space<vmem>>
      %dma_wait3A_69 = tpu.memref_squeeze %dma_wait3A_68 : memref<1x80xi32, #tpu.memory_space<vmem>> -> memref<80xi32, #tpu.memory_space<vmem>>
      %dma_wait3A_70 = arith.constant 0 : i32
      %dma_wait3A_71 = arith.constant 0 : i32
      %dma_wait3A_72 = tpu.memref_slice %arg4[%dma_wait3A_70, %dma_wait3A_71] : memref<10000x16xf32, #tpu.memory_space<hbm>> -> memref<10000x16xf32, #tpu.memory_space<hbm>>
      tpu.wait_indirect_dma semaphore(%arg10 : memref<!tpu.dma_semaphore, #tpu.memory_space<semaphore_mem>>) src(%dma_wait3A_72 : memref<10000x16xf32, #tpu.memory_space<hbm>>) dst(%dma_wait3A_66 : memref<80x16xf32, #tpu.memory_space<vmem>>)
      %dma_start3A_73 = arith.constant 0 : i32
      %dma_start3A_74 = arith.constant 0 : i32
      %dma_start3A_75 = arith.constant 0 : i32
      %dma_start3A_76 = tpu.memref_slice %arg9[%dma_start3A_73, %dma_start3A_74, %dma_start3A_75] : memref<4x80x16xf32, #tpu.memory_space<vmem>> -> memref<1x80x16xf32, #tpu.memory_space<vmem>>
      %dma_start3A_77 = tpu.memref_squeeze %dma_start3A_76 : memref<1x80x16xf32, #tpu.memory_space<vmem>> -> memref<80x16xf32, #tpu.memory_space<vmem>>
      %dma_start3A_78 = arith.constant 0 : i32
      %dma_start3A_79 = tpu.memref_slice %arg8[%add3A_61, %dma_start3A_78] : memref<128x80xi32, #tpu.memory_space<vmem>> -> memref<1x80xi32, #tpu.memory_space<vmem>>
      %dma_start3A_80 = tpu.memref_squeeze %dma_start3A_79 : memref<1x80xi32, #tpu.memory_space<vmem>> -> memref<80xi32, #tpu.memory_space<vmem>>
      %dma_start3A_81 = arith.constant 0 : i32
      %dma_start3A_82 = arith.constant 0 : i32
      %dma_start3A_83 = tpu.memref_slice %arg18[%dma_start3A_81, %dma_start3A_82] : memref<10112x16xf32, #tpu.memory_space<vmem_shared>> -> memref<10112x16xf32, #tpu.memory_space<vmem_shared>>
      tpu.enqueue_indirect_dma source(%dma_start3A_77 : memref<80x16xf32, #tpu.memory_space<vmem>>) target(%dma_start3A_83 : memref<10112x16xf32, #tpu.memory_space<vmem_shared>>) offsets(%dma_start3A_80 : memref<80xi32, #tpu.memory_space<vmem>>) semaphore(%arg14 : memref<!tpu.dma_semaphore, #tpu.memory_space<semaphore_mem>>) {add = true}
      %ge3A = arith.constant 2 : i32
      %ge3A_84 = arith.cmpi sge, %add3A_61, %ge3A : i32
      %convert_element_type3A = arith.extui %ge3A_84 : i1 to i32
      %cond3A = arith.constant 0 : i32
      %cond3A_85 = arith.cmpi ne, %convert_element_type3A, %cond3A : i32
      scf.if %cond3A_85 {
        %sub3A = arith.constant 2 : i32
        %sub3A_206 = arith.subi %add3A_61, %sub3A : i32
        %dma_wait3A_207 = arith.constant 2 : i32
        %dma_wait3A_208 = arith.constant 0 : i32
        %dma_wait3A_209 = arith.constant 0 : i32
        %dma_wait3A_210 = tpu.memref_slice %arg9[%dma_wait3A_207, %dma_wait3A_208, %dma_wait3A_209] : memref<4x80x16xf32, #tpu.memory_space<vmem>> -> memref<1x80x16xf32, #tpu.memory_space<vmem>>
        %dma_wait3A_211 = tpu.memref_squeeze %dma_wait3A_210 : memref<1x80x16xf32, #tpu.memory_space<vmem>> -> memref<80x16xf32, #tpu.memory_space<vmem>>
        %dma_wait3A_212 = arith.constant 0 : i32
        %dma_wait3A_213 = tpu.memref_slice %arg8[%sub3A_206, %dma_wait3A_212] : memref<128x80xi32, #tpu.memory_space<vmem>> -> memref<1x80xi32, #tpu.memory_space<vmem>>
        %dma_wait3A_214 = tpu.memref_squeeze %dma_wait3A_213 : memref<1x80xi32, #tpu.memory_space<vmem>> -> memref<80xi32, #tpu.memory_space<vmem>>
        %dma_wait3A_215 = arith.constant 0 : i32
        %dma_wait3A_216 = arith.constant 0 : i32
        %dma_wait3A_217 = tpu.memref_slice %arg18[%dma_wait3A_215, %dma_wait3A_216] : memref<10112x16xf32, #tpu.memory_space<vmem_shared>> -> memref<10112x16xf32, #tpu.memory_space<vmem_shared>>
        tpu.wait_indirect_dma semaphore(%arg16 : memref<!tpu.dma_semaphore, #tpu.memory_space<semaphore_mem>>) src(%dma_wait3A_211 : memref<80x16xf32, #tpu.memory_space<vmem>>) dst(%dma_wait3A_217 : memref<10112x16xf32, #tpu.memory_space<vmem_shared>>)
      } else {
      }
      %add3A_86 = arith.constant 2 : i32
      %add3A_87 = arith.addi %add3A_61, %add3A_86 : i32
      %lt3A = arith.constant 128 : i32
      %lt3A_88 = arith.cmpi slt, %add3A_87, %lt3A : i32
      %convert_element_type3A_89 = arith.extui %lt3A_88 : i1 to i32
      %cond3A_90 = arith.constant 0 : i32
      %cond3A_91 = arith.cmpi ne, %convert_element_type3A_89, %cond3A_90 : i32
      scf.if %cond3A_91 {
        %add3A_206 = arith.constant 2 : i32
        %add3A_207 = arith.addi %add3A_61, %add3A_206 : i32
        %dma_start3A_208 = arith.constant 2 : i32
        %dma_start3A_209 = arith.constant 0 : i32
        %dma_start3A_210 = arith.constant 0 : i32
        %dma_start3A_211 = tpu.memref_slice %arg9[%dma_start3A_208, %dma_start3A_209, %dma_start3A_210] : memref<4x80x16xf32, #tpu.memory_space<vmem>> -> memref<1x80x16xf32, #tpu.memory_space<vmem>>
        %dma_start3A_212 = tpu.memref_squeeze %dma_start3A_211 : memref<1x80x16xf32, #tpu.memory_space<vmem>> -> memref<80x16xf32, #tpu.memory_space<vmem>>
        %dma_start3A_213 = arith.constant 0 : i32
        %dma_start3A_214 = tpu.memref_slice %arg7[%add3A_207, %dma_start3A_213] : memref<128x80xi32, #tpu.memory_space<vmem>> -> memref<1x80xi32, #tpu.memory_space<vmem>>
        %dma_start3A_215 = tpu.memref_squeeze %dma_start3A_214 : memref<1x80xi32, #tpu.memory_space<vmem>> -> memref<80xi32, #tpu.memory_space<vmem>>
        %dma_start3A_216 = arith.constant 0 : i32
        %dma_start3A_217 = arith.constant 0 : i32
        %dma_start3A_218 = tpu.memref_slice %arg4[%dma_start3A_216, %dma_start3A_217] : memref<10000x16xf32, #tpu.memory_space<hbm>> -> memref<10000x16xf32, #tpu.memory_space<hbm>>
        tpu.enqueue_indirect_dma source(%dma_start3A_218 : memref<10000x16xf32, #tpu.memory_space<hbm>>) target(%dma_start3A_212 : memref<80x16xf32, #tpu.memory_space<vmem>>) offsets(%dma_start3A_215 : memref<80xi32, #tpu.memory_space<vmem>>) semaphore(%arg12 : memref<!tpu.dma_semaphore, #tpu.memory_space<semaphore_mem>>)
      } else {
      }
      %mul3A_92 = arith.constant 4 : i32
      %mul3A_93 = arith.muli %scan3A_57, %mul3A_92 : i32
      %add3A_94 = arith.constant 1 : i32
      %add3A_95 = arith.addi %mul3A_93, %add3A_94 : i32
      %dma_wait3A_96 = arith.constant 1 : i32
      %dma_wait3A_97 = arith.constant 0 : i32
      %dma_wait3A_98 = arith.constant 0 : i32
      %dma_wait3A_99 = tpu.memref_slice %arg9[%dma_wait3A_96, %dma_wait3A_97, %dma_wait3A_98] : memref<4x80x16xf32, #tpu.memory_space<vmem>> -> memref<1x80x16xf32, #tpu.memory_space<vmem>>
      %dma_wait3A_100 = tpu.memref_squeeze %dma_wait3A_99 : memref<1x80x16xf32, #tpu.memory_space<vmem>> -> memref<80x16xf32, #tpu.memory_space<vmem>>
      %dma_wait3A_101 = arith.constant 0 : i32
      %dma_wait3A_102 = tpu.memref_slice %arg7[%add3A_95, %dma_wait3A_101] : memref<128x80xi32, #tpu.memory_space<vmem>> -> memref<1x80xi32, #tpu.memory_space<vmem>>
      %dma_wait3A_103 = tpu.memref_squeeze %dma_wait3A_102 : memref<1x80xi32, #tpu.memory_space<vmem>> -> memref<80xi32, #tpu.memory_space<vmem>>
      %dma_wait3A_104 = arith.constant 0 : i32
      %dma_wait3A_105 = arith.constant 0 : i32
      %dma_wait3A_106 = tpu.memref_slice %arg4[%dma_wait3A_104, %dma_wait3A_105] : memref<10000x16xf32, #tpu.memory_space<hbm>> -> memref<10000x16xf32, #tpu.memory_space<hbm>>
      tpu.wait_indirect_dma semaphore(%arg11 : memref<!tpu.dma_semaphore, #tpu.memory_space<semaphore_mem>>) src(%dma_wait3A_106 : memref<10000x16xf32, #tpu.memory_space<hbm>>) dst(%dma_wait3A_100 : memref<80x16xf32, #tpu.memory_space<vmem>>)
      %dma_start3A_107 = arith.constant 1 : i32
      %dma_start3A_108 = arith.constant 0 : i32
      %dma_start3A_109 = arith.constant 0 : i32
      %dma_start3A_110 = tpu.memref_slice %arg9[%dma_start3A_107, %dma_start3A_108, %dma_start3A_109] : memref<4x80x16xf32, #tpu.memory_space<vmem>> -> memref<1x80x16xf32, #tpu.memory_space<vmem>>
      %dma_start3A_111 = tpu.memref_squeeze %dma_start3A_110 : memref<1x80x16xf32, #tpu.memory_space<vmem>> -> memref<80x16xf32, #tpu.memory_space<vmem>>
      %dma_start3A_112 = arith.constant 0 : i32
      %dma_start3A_113 = tpu.memref_slice %arg8[%add3A_95, %dma_start3A_112] : memref<128x80xi32, #tpu.memory_space<vmem>> -> memref<1x80xi32, #tpu.memory_space<vmem>>
      %dma_start3A_114 = tpu.memref_squeeze %dma_start3A_113 : memref<1x80xi32, #tpu.memory_space<vmem>> -> memref<80xi32, #tpu.memory_space<vmem>>
      %dma_start3A_115 = arith.constant 0 : i32
      %dma_start3A_116 = arith.constant 0 : i32
      %dma_start3A_117 = tpu.memref_slice %arg18[%dma_start3A_115, %dma_start3A_116] : memref<10112x16xf32, #tpu.memory_space<vmem_shared>> -> memref<10112x16xf32, #tpu.memory_space<vmem_shared>>
      tpu.enqueue_indirect_dma source(%dma_start3A_111 : memref<80x16xf32, #tpu.memory_space<vmem>>) target(%dma_start3A_117 : memref<10112x16xf32, #tpu.memory_space<vmem_shared>>) offsets(%dma_start3A_114 : memref<80xi32, #tpu.memory_space<vmem>>) semaphore(%arg15 : memref<!tpu.dma_semaphore, #tpu.memory_space<semaphore_mem>>) {add = true}
      %ge3A_118 = arith.constant 2 : i32
      %ge3A_119 = arith.cmpi sge, %add3A_95, %ge3A_118 : i32
      %convert_element_type3A_120 = arith.extui %ge3A_119 : i1 to i32
      %cond3A_121 = arith.constant 0 : i32
      %cond3A_122 = arith.cmpi ne, %convert_element_type3A_120, %cond3A_121 : i32
      scf.if %cond3A_122 {
        %sub3A = arith.constant 2 : i32
        %sub3A_206 = arith.subi %add3A_95, %sub3A : i32
        %dma_wait3A_207 = arith.constant 3 : i32
        %dma_wait3A_208 = arith.constant 0 : i32
        %dma_wait3A_209 = arith.constant 0 : i32
        %dma_wait3A_210 = tpu.memref_slice %arg9[%dma_wait3A_207, %dma_wait3A_208, %dma_wait3A_209] : memref<4x80x16xf32, #tpu.memory_space<vmem>> -> memref<1x80x16xf32, #tpu.memory_space<vmem>>
        %dma_wait3A_211 = tpu.memref_squeeze %dma_wait3A_210 : memref<1x80x16xf32, #tpu.memory_space<vmem>> -> memref<80x16xf32, #tpu.memory_space<vmem>>
        %dma_wait3A_212 = arith.constant 0 : i32
        %dma_wait3A_213 = tpu.memref_slice %arg8[%sub3A_206, %dma_wait3A_212] : memref<128x80xi32, #tpu.memory_space<vmem>> -> memref<1x80xi32, #tpu.memory_space<vmem>>
        %dma_wait3A_214 = tpu.memref_squeeze %dma_wait3A_213 : memref<1x80xi32, #tpu.memory_space<vmem>> -> memref<80xi32, #tpu.memory_space<vmem>>
        %dma_wait3A_215 = arith.constant 0 : i32
        %dma_wait3A_216 = arith.constant 0 : i32
        %dma_wait3A_217 = tpu.memref_slice %arg18[%dma_wait3A_215, %dma_wait3A_216] : memref<10112x16xf32, #tpu.memory_space<vmem_shared>> -> memref<10112x16xf32, #tpu.memory_space<vmem_shared>>
        tpu.wait_indirect_dma semaphore(%arg17 : memref<!tpu.dma_semaphore, #tpu.memory_space<semaphore_mem>>) src(%dma_wait3A_211 : memref<80x16xf32, #tpu.memory_space<vmem>>) dst(%dma_wait3A_217 : memref<10112x16xf32, #tpu.memory_space<vmem_shared>>)
      } else {
      }
      %add3A_123 = arith.constant 2 : i32
      %add3A_124 = arith.addi %add3A_95, %add3A_123 : i32
      %lt3A_125 = arith.constant 128 : i32
      %lt3A_126 = arith.cmpi slt, %add3A_124, %lt3A_125 : i32
      %convert_element_type3A_127 = arith.extui %lt3A_126 : i1 to i32
      %cond3A_128 = arith.constant 0 : i32
      %cond3A_129 = arith.cmpi ne, %convert_element_type3A_127, %cond3A_128 : i32
      scf.if %cond3A_129 {
        %add3A_206 = arith.constant 2 : i32
        %add3A_207 = arith.addi %add3A_95, %add3A_206 : i32
        %dma_start3A_208 = arith.constant 3 : i32
        %dma_start3A_209 = arith.constant 0 : i32
        %dma_start3A_210 = arith.constant 0 : i32
        %dma_start3A_211 = tpu.memref_slice %arg9[%dma_start3A_208, %dma_start3A_209, %dma_start3A_210] : memref<4x80x16xf32, #tpu.memory_space<vmem>> -> memref<1x80x16xf32, #tpu.memory_space<vmem>>
        %dma_start3A_212 = tpu.memref_squeeze %dma_start3A_211 : memref<1x80x16xf32, #tpu.memory_space<vmem>> -> memref<80x16xf32, #tpu.memory_space<vmem>>
        %dma_start3A_213 = arith.constant 0 : i32
        %dma_start3A_214 = tpu.memref_slice %arg7[%add3A_207, %dma_start3A_213] : memref<128x80xi32, #tpu.memory_space<vmem>> -> memref<1x80xi32, #tpu.memory_space<vmem>>
        %dma_start3A_215 = tpu.memref_squeeze %dma_start3A_214 : memref<1x80xi32, #tpu.memory_space<vmem>> -> memref<80xi32, #tpu.memory_space<vmem>>
        %dma_start3A_216 = arith.constant 0 : i32
        %dma_start3A_217 = arith.constant 0 : i32
        %dma_start3A_218 = tpu.memref_slice %arg4[%dma_start3A_216, %dma_start3A_217] : memref<10000x16xf32, #tpu.memory_space<hbm>> -> memref<10000x16xf32, #tpu.memory_space<hbm>>
        tpu.enqueue_indirect_dma source(%dma_start3A_218 : memref<10000x16xf32, #tpu.memory_space<hbm>>) target(%dma_start3A_212 : memref<80x16xf32, #tpu.memory_space<vmem>>) offsets(%dma_start3A_215 : memref<80xi32, #tpu.memory_space<vmem>>) semaphore(%arg13 : memref<!tpu.dma_semaphore, #tpu.memory_space<semaphore_mem>>)
      } else {
      }
      %mul3A_130 = arith.constant 4 : i32
      %mul3A_131 = arith.muli %scan3A_57, %mul3A_130 : i32
      %add3A_132 = arith.constant 2 : i32
      %add3A_133 = arith.addi %mul3A_131, %add3A_132 : i32
      %dma_wait3A_134 = arith.constant 2 : i32
      %dma_wait3A_135 = arith.constant 0 : i32
      %dma_wait3A_136 = arith.constant 0 : i32
      %dma_wait3A_137 = tpu.memref_slice %arg9[%dma_wait3A_134, %dma_wait3A_135, %dma_wait3A_136] : memref<4x80x16xf32, #tpu.memory_space<vmem>> -> memref<1x80x16xf32, #tpu.memory_space<vmem>>
      %dma_wait3A_138 = tpu.memref_squeeze %dma_wait3A_137 : memref<1x80x16xf32, #tpu.memory_space<vmem>> -> memref<80x16xf32, #tpu.memory_space<vmem>>
      %dma_wait3A_139 = arith.constant 0 : i32
      %dma_wait3A_140 = tpu.memref_slice %arg7[%add3A_133, %dma_wait3A_139] : memref<128x80xi32, #tpu.memory_space<vmem>> -> memref<1x80xi32, #tpu.memory_space<vmem>>
      %dma_wait3A_141 = tpu.memref_squeeze %dma_wait3A_140 : memref<1x80xi32, #tpu.memory_space<vmem>> -> memref<80xi32, #tpu.memory_space<vmem>>
      %dma_wait3A_142 = arith.constant 0 : i32
      %dma_wait3A_143 = arith.constant 0 : i32
      %dma_wait3A_144 = tpu.memref_slice %arg4[%dma_wait3A_142, %dma_wait3A_143] : memref<10000x16xf32, #tpu.memory_space<hbm>> -> memref<10000x16xf32, #tpu.memory_space<hbm>>
      tpu.wait_indirect_dma semaphore(%arg12 : memref<!tpu.dma_semaphore, #tpu.memory_space<semaphore_mem>>) src(%dma_wait3A_144 : memref<10000x16xf32, #tpu.memory_space<hbm>>) dst(%dma_wait3A_138 : memref<80x16xf32, #tpu.memory_space<vmem>>)
      %dma_start3A_145 = arith.constant 2 : i32
      %dma_start3A_146 = arith.constant 0 : i32
      %dma_start3A_147 = arith.constant 0 : i32
      %dma_start3A_148 = tpu.memref_slice %arg9[%dma_start3A_145, %dma_start3A_146, %dma_start3A_147] : memref<4x80x16xf32, #tpu.memory_space<vmem>> -> memref<1x80x16xf32, #tpu.memory_space<vmem>>
      %dma_start3A_149 = tpu.memref_squeeze %dma_start3A_148 : memref<1x80x16xf32, #tpu.memory_space<vmem>> -> memref<80x16xf32, #tpu.memory_space<vmem>>
      %dma_start3A_150 = arith.constant 0 : i32
      %dma_start3A_151 = tpu.memref_slice %arg8[%add3A_133, %dma_start3A_150] : memref<128x80xi32, #tpu.memory_space<vmem>> -> memref<1x80xi32, #tpu.memory_space<vmem>>
      %dma_start3A_152 = tpu.memref_squeeze %dma_start3A_151 : memref<1x80xi32, #tpu.memory_space<vmem>> -> memref<80xi32, #tpu.memory_space<vmem>>
      %dma_start3A_153 = arith.constant 0 : i32
      %dma_start3A_154 = arith.constant 0 : i32
      %dma_start3A_155 = tpu.memref_slice %arg18[%dma_start3A_153, %dma_start3A_154] : memref<10112x16xf32, #tpu.memory_space<vmem_shared>> -> memref<10112x16xf32, #tpu.memory_space<vmem_shared>>
      tpu.enqueue_indirect_dma source(%dma_start3A_149 : memref<80x16xf32, #tpu.memory_space<vmem>>) target(%dma_start3A_155 : memref<10112x16xf32, #tpu.memory_space<vmem_shared>>) offsets(%dma_start3A_152 : memref<80xi32, #tpu.memory_space<vmem>>) semaphore(%arg16 : memref<!tpu.dma_semaphore, #tpu.memory_space<semaphore_mem>>) {add = true}
      %ge3A_156 = arith.constant 2 : i32
      %ge3A_157 = arith.cmpi sge, %add3A_133, %ge3A_156 : i32
      %convert_element_type3A_158 = arith.extui %ge3A_157 : i1 to i32
      %cond3A_159 = arith.constant 0 : i32
      %cond3A_160 = arith.cmpi ne, %convert_element_type3A_158, %cond3A_159 : i32
      scf.if %cond3A_160 {
        %sub3A = arith.constant 2 : i32
        %sub3A_206 = arith.subi %add3A_133, %sub3A : i32
        %dma_wait3A_207 = arith.constant 0 : i32
        %dma_wait3A_208 = arith.constant 0 : i32
        %dma_wait3A_209 = arith.constant 0 : i32
        %dma_wait3A_210 = tpu.memref_slice %arg9[%dma_wait3A_207, %dma_wait3A_208, %dma_wait3A_209] : memref<4x80x16xf32, #tpu.memory_space<vmem>> -> memref<1x80x16xf32, #tpu.memory_space<vmem>>
        %dma_wait3A_211 = tpu.memref_squeeze %dma_wait3A_210 : memref<1x80x16xf32, #tpu.memory_space<vmem>> -> memref<80x16xf32, #tpu.memory_space<vmem>>
        %dma_wait3A_212 = arith.constant 0 : i32
        %dma_wait3A_213 = tpu.memref_slice %arg8[%sub3A_206, %dma_wait3A_212] : memref<128x80xi32, #tpu.memory_space<vmem>> -> memref<1x80xi32, #tpu.memory_space<vmem>>
        %dma_wait3A_214 = tpu.memref_squeeze %dma_wait3A_213 : memref<1x80xi32, #tpu.memory_space<vmem>> -> memref<80xi32, #tpu.memory_space<vmem>>
        %dma_wait3A_215 = arith.constant 0 : i32
        %dma_wait3A_216 = arith.constant 0 : i32
        %dma_wait3A_217 = tpu.memref_slice %arg18[%dma_wait3A_215, %dma_wait3A_216] : memref<10112x16xf32, #tpu.memory_space<vmem_shared>> -> memref<10112x16xf32, #tpu.memory_space<vmem_shared>>
        tpu.wait_indirect_dma semaphore(%arg14 : memref<!tpu.dma_semaphore, #tpu.memory_space<semaphore_mem>>) src(%dma_wait3A_211 : memref<80x16xf32, #tpu.memory_space<vmem>>) dst(%dma_wait3A_217 : memref<10112x16xf32, #tpu.memory_space<vmem_shared>>)
      } else {
      }
      %add3A_161 = arith.constant 2 : i32
      %add3A_162 = arith.addi %add3A_133, %add3A_161 : i32
      %lt3A_163 = arith.constant 128 : i32
      %lt3A_164 = arith.cmpi slt, %add3A_162, %lt3A_163 : i32
      %convert_element_type3A_165 = arith.extui %lt3A_164 : i1 to i32
      %cond3A_166 = arith.constant 0 : i32
      %cond3A_167 = arith.cmpi ne, %convert_element_type3A_165, %cond3A_166 : i32
      scf.if %cond3A_167 {
        %add3A_206 = arith.constant 2 : i32
        %add3A_207 = arith.addi %add3A_133, %add3A_206 : i32
        %dma_start3A_208 = arith.constant 0 : i32
        %dma_start3A_209 = arith.constant 0 : i32
        %dma_start3A_210 = arith.constant 0 : i32
        %dma_start3A_211 = tpu.memref_slice %arg9[%dma_start3A_208, %dma_start3A_209, %dma_start3A_210] : memref<4x80x16xf32, #tpu.memory_space<vmem>> -> memref<1x80x16xf32, #tpu.memory_space<vmem>>
        %dma_start3A_212 = tpu.memref_squeeze %dma_start3A_211 : memref<1x80x16xf32, #tpu.memory_space<vmem>> -> memref<80x16xf32, #tpu.memory_space<vmem>>
        %dma_start3A_213 = arith.constant 0 : i32
        %dma_start3A_214 = tpu.memref_slice %arg7[%add3A_207, %dma_start3A_213] : memref<128x80xi32, #tpu.memory_space<vmem>> -> memref<1x80xi32, #tpu.memory_space<vmem>>
        %dma_start3A_215 = tpu.memref_squeeze %dma_start3A_214 : memref<1x80xi32, #tpu.memory_space<vmem>> -> memref<80xi32, #tpu.memory_space<vmem>>
        %dma_start3A_216 = arith.constant 0 : i32
        %dma_start3A_217 = arith.constant 0 : i32
        %dma_start3A_218 = tpu.memref_slice %arg4[%dma_start3A_216, %dma_start3A_217] : memref<10000x16xf32, #tpu.memory_space<hbm>> -> memref<10000x16xf32, #tpu.memory_space<hbm>>
        tpu.enqueue_indirect_dma source(%dma_start3A_218 : memref<10000x16xf32, #tpu.memory_space<hbm>>) target(%dma_start3A_212 : memref<80x16xf32, #tpu.memory_space<vmem>>) offsets(%dma_start3A_215 : memref<80xi32, #tpu.memory_space<vmem>>) semaphore(%arg10 : memref<!tpu.dma_semaphore, #tpu.memory_space<semaphore_mem>>)
      } else {
      }
      %mul3A_168 = arith.constant 4 : i32
      %mul3A_169 = arith.muli %scan3A_57, %mul3A_168 : i32
      %add3A_170 = arith.constant 3 : i32
      %add3A_171 = arith.addi %mul3A_169, %add3A_170 : i32
      %dma_wait3A_172 = arith.constant 3 : i32
      %dma_wait3A_173 = arith.constant 0 : i32
      %dma_wait3A_174 = arith.constant 0 : i32
      %dma_wait3A_175 = tpu.memref_slice %arg9[%dma_wait3A_172, %dma_wait3A_173, %dma_wait3A_174] : memref<4x80x16xf32, #tpu.memory_space<vmem>> -> memref<1x80x16xf32, #tpu.memory_space<vmem>>
      %dma_wait3A_176 = tpu.memref_squeeze %dma_wait3A_175 : memref<1x80x16xf32, #tpu.memory_space<vmem>> -> memref<80x16xf32, #tpu.memory_space<vmem>>
      %dma_wait3A_177 = arith.constant 0 : i32
      %dma_wait3A_178 = tpu.memref_slice %arg7[%add3A_171, %dma_wait3A_177] : memref<128x80xi32, #tpu.memory_space<vmem>> -> memref<1x80xi32, #tpu.memory_space<vmem>>
      %dma_wait3A_179 = tpu.memref_squeeze %dma_wait3A_178 : memref<1x80xi32, #tpu.memory_space<vmem>> -> memref<80xi32, #tpu.memory_space<vmem>>
      %dma_wait3A_180 = arith.constant 0 : i32
      %dma_wait3A_181 = arith.constant 0 : i32
      %dma_wait3A_182 = tpu.memref_slice %arg4[%dma_wait3A_180, %dma_wait3A_181] : memref<10000x16xf32, #tpu.memory_space<hbm>> -> memref<10000x16xf32, #tpu.memory_space<hbm>>
      tpu.wait_indirect_dma semaphore(%arg13 : memref<!tpu.dma_semaphore, #tpu.memory_space<semaphore_mem>>) src(%dma_wait3A_182 : memref<10000x16xf32, #tpu.memory_space<hbm>>) dst(%dma_wait3A_176 : memref<80x16xf32, #tpu.memory_space<vmem>>)
      %dma_start3A_183 = arith.constant 3 : i32
      %dma_start3A_184 = arith.constant 0 : i32
      %dma_start3A_185 = arith.constant 0 : i32
      %dma_start3A_186 = tpu.memref_slice %arg9[%dma_start3A_183, %dma_start3A_184, %dma_start3A_185] : memref<4x80x16xf32, #tpu.memory_space<vmem>> -> memref<1x80x16xf32, #tpu.memory_space<vmem>>
      %dma_start3A_187 = tpu.memref_squeeze %dma_start3A_186 : memref<1x80x16xf32, #tpu.memory_space<vmem>> -> memref<80x16xf32, #tpu.memory_space<vmem>>
      %dma_start3A_188 = arith.constant 0 : i32
      %dma_start3A_189 = tpu.memref_slice %arg8[%add3A_171, %dma_start3A_188] : memref<128x80xi32, #tpu.memory_space<vmem>> -> memref<1x80xi32, #tpu.memory_space<vmem>>
      %dma_start3A_190 = tpu.memref_squeeze %dma_start3A_189 : memref<1x80xi32, #tpu.memory_space<vmem>> -> memref<80xi32, #tpu.memory_space<vmem>>
      %dma_start3A_191 = arith.constant 0 : i32
      %dma_start3A_192 = arith.constant 0 : i32
      %dma_start3A_193 = tpu.memref_slice %arg18[%dma_start3A_191, %dma_start3A_192] : memref<10112x16xf32, #tpu.memory_space<vmem_shared>> -> memref<10112x16xf32, #tpu.memory_space<vmem_shared>>
      tpu.enqueue_indirect_dma source(%dma_start3A_187 : memref<80x16xf32, #tpu.memory_space<vmem>>) target(%dma_start3A_193 : memref<10112x16xf32, #tpu.memory_space<vmem_shared>>) offsets(%dma_start3A_190 : memref<80xi32, #tpu.memory_space<vmem>>) semaphore(%arg17 : memref<!tpu.dma_semaphore, #tpu.memory_space<semaphore_mem>>) {add = true}
      %ge3A_194 = arith.constant 2 : i32
      %ge3A_195 = arith.cmpi sge, %add3A_171, %ge3A_194 : i32
      %convert_element_type3A_196 = arith.extui %ge3A_195 : i1 to i32
      %cond3A_197 = arith.constant 0 : i32
      %cond3A_198 = arith.cmpi ne, %convert_element_type3A_196, %cond3A_197 : i32
      scf.if %cond3A_198 {
        %sub3A = arith.constant 2 : i32
        %sub3A_206 = arith.subi %add3A_171, %sub3A : i32
        %dma_wait3A_207 = arith.constant 1 : i32
        %dma_wait3A_208 = arith.constant 0 : i32
        %dma_wait3A_209 = arith.constant 0 : i32
        %dma_wait3A_210 = tpu.memref_slice %arg9[%dma_wait3A_207, %dma_wait3A_208, %dma_wait3A_209] : memref<4x80x16xf32, #tpu.memory_space<vmem>> -> memref<1x80x16xf32, #tpu.memory_space<vmem>>
        %dma_wait3A_211 = tpu.memref_squeeze %dma_wait3A_210 : memref<1x80x16xf32, #tpu.memory_space<vmem>> -> memref<80x16xf32, #tpu.memory_space<vmem>>
        %dma_wait3A_212 = arith.constant 0 : i32
        %dma_wait3A_213 = tpu.memref_slice %arg8[%sub3A_206, %dma_wait3A_212] : memref<128x80xi32, #tpu.memory_space<vmem>> -> memref<1x80xi32, #tpu.memory_space<vmem>>
        %dma_wait3A_214 = tpu.memref_squeeze %dma_wait3A_213 : memref<1x80xi32, #tpu.memory_space<vmem>> -> memref<80xi32, #tpu.memory_space<vmem>>
        %dma_wait3A_215 = arith.constant 0 : i32
        %dma_wait3A_216 = arith.constant 0 : i32
        %dma_wait3A_217 = tpu.memref_slice %arg18[%dma_wait3A_215, %dma_wait3A_216] : memref<10112x16xf32, #tpu.memory_space<vmem_shared>> -> memref<10112x16xf32, #tpu.memory_space<vmem_shared>>
        tpu.wait_indirect_dma semaphore(%arg15 : memref<!tpu.dma_semaphore, #tpu.memory_space<semaphore_mem>>) src(%dma_wait3A_211 : memref<80x16xf32, #tpu.memory_space<vmem>>) dst(%dma_wait3A_217 : memref<10112x16xf32, #tpu.memory_space<vmem_shared>>)
      } else {
      }
      %add3A_199 = arith.constant 2 : i32
      %add3A_200 = arith.addi %add3A_171, %add3A_199 : i32
      %lt3A_201 = arith.constant 128 : i32
      %lt3A_202 = arith.cmpi slt, %add3A_200, %lt3A_201 : i32
      %convert_element_type3A_203 = arith.extui %lt3A_202 : i1 to i32
      %cond3A_204 = arith.constant 0 : i32
      %cond3A_205 = arith.cmpi ne, %convert_element_type3A_203, %cond3A_204 : i32
      scf.if %cond3A_205 {
        %add3A_206 = arith.constant 2 : i32
        %add3A_207 = arith.addi %add3A_171, %add3A_206 : i32
        %dma_start3A_208 = arith.constant 1 : i32
        %dma_start3A_209 = arith.constant 0 : i32
        %dma_start3A_210 = arith.constant 0 : i32
        %dma_start3A_211 = tpu.memref_slice %arg9[%dma_start3A_208, %dma_start3A_209, %dma_start3A_210] : memref<4x80x16xf32, #tpu.memory_space<vmem>> -> memref<1x80x16xf32, #tpu.memory_space<vmem>>
        %dma_start3A_212 = tpu.memref_squeeze %dma_start3A_211 : memref<1x80x16xf32, #tpu.memory_space<vmem>> -> memref<80x16xf32, #tpu.memory_space<vmem>>
        %dma_start3A_213 = arith.constant 0 : i32
        %dma_start3A_214 = tpu.memref_slice %arg7[%add3A_207, %dma_start3A_213] : memref<128x80xi32, #tpu.memory_space<vmem>> -> memref<1x80xi32, #tpu.memory_space<vmem>>
        %dma_start3A_215 = tpu.memref_squeeze %dma_start3A_214 : memref<1x80xi32, #tpu.memory_space<vmem>> -> memref<80xi32, #tpu.memory_space<vmem>>
        %dma_start3A_216 = arith.constant 0 : i32
        %dma_start3A_217 = arith.constant 0 : i32
        %dma_start3A_218 = tpu.memref_slice %arg4[%dma_start3A_216, %dma_start3A_217] : memref<10000x16xf32, #tpu.memory_space<hbm>> -> memref<10000x16xf32, #tpu.memory_space<hbm>>
        tpu.enqueue_indirect_dma source(%dma_start3A_218 : memref<10000x16xf32, #tpu.memory_space<hbm>>) target(%dma_start3A_212 : memref<80x16xf32, #tpu.memory_space<vmem>>) offsets(%dma_start3A_215 : memref<80xi32, #tpu.memory_space<vmem>>) semaphore(%arg11 : memref<!tpu.dma_semaphore, #tpu.memory_space<semaphore_mem>>)
      } else {
      }
    }
    %scan3A_32 = arith.constant 32 : i32
    %dma_wait3A = arith.constant 2 : i32
    %dma_wait3A_33 = arith.constant 126 : i32
    %dma_wait3A_34 = arith.constant 0 : i32
    %dma_wait3A_35 = arith.constant 0 : i32
    %dma_wait3A_36 = tpu.memref_slice %arg9[%dma_wait3A, %dma_wait3A_34, %dma_wait3A_35] : memref<4x80x16xf32, #tpu.memory_space<vmem>> -> memref<1x80x16xf32, #tpu.memory_space<vmem>>
    %dma_wait3A_37 = tpu.memref_squeeze %dma_wait3A_36 : memref<1x80x16xf32, #tpu.memory_space<vmem>> -> memref<80x16xf32, #tpu.memory_space<vmem>>
    %dma_wait3A_38 = arith.constant 0 : i32
    %dma_wait3A_39 = tpu.memref_slice %arg8[%dma_wait3A_33, %dma_wait3A_38] : memref<128x80xi32, #tpu.memory_space<vmem>> -> memref<1x80xi32, #tpu.memory_space<vmem>>
    %dma_wait3A_40 = tpu.memref_squeeze %dma_wait3A_39 : memref<1x80xi32, #tpu.memory_space<vmem>> -> memref<80xi32, #tpu.memory_space<vmem>>
    %dma_wait3A_41 = arith.constant 0 : i32
    %dma_wait3A_42 = arith.constant 0 : i32
    %dma_wait3A_43 = tpu.memref_slice %arg18[%dma_wait3A_41, %dma_wait3A_42] : memref<10112x16xf32, #tpu.memory_space<vmem_shared>> -> memref<10112x16xf32, #tpu.memory_space<vmem_shared>>
    tpu.wait_indirect_dma semaphore(%arg16 : memref<!tpu.dma_semaphore, #tpu.memory_space<semaphore_mem>>) src(%dma_wait3A_37 : memref<80x16xf32, #tpu.memory_space<vmem>>) dst(%dma_wait3A_43 : memref<10112x16xf32, #tpu.memory_space<vmem_shared>>)
    %dma_wait3A_44 = arith.constant 3 : i32
    %dma_wait3A_45 = arith.constant 127 : i32
    %dma_wait3A_46 = arith.constant 0 : i32
    %dma_wait3A_47 = arith.constant 0 : i32
    %dma_wait3A_48 = tpu.memref_slice %arg9[%dma_wait3A_44, %dma_wait3A_46, %dma_wait3A_47] : memref<4x80x16xf32, #tpu.memory_space<vmem>> -> memref<1x80x16xf32, #tpu.memory_space<vmem>>
    %dma_wait3A_49 = tpu.memref_squeeze %dma_wait3A_48 : memref<1x80x16xf32, #tpu.memory_space<vmem>> -> memref<80x16xf32, #tpu.memory_space<vmem>>
    %dma_wait3A_50 = arith.constant 0 : i32
    %dma_wait3A_51 = tpu.memref_slice %arg8[%dma_wait3A_45, %dma_wait3A_50] : memref<128x80xi32, #tpu.memory_space<vmem>> -> memref<1x80xi32, #tpu.memory_space<vmem>>
    %dma_wait3A_52 = tpu.memref_squeeze %dma_wait3A_51 : memref<1x80xi32, #tpu.memory_space<vmem>> -> memref<80xi32, #tpu.memory_space<vmem>>
    %dma_wait3A_53 = arith.constant 0 : i32
    %dma_wait3A_54 = arith.constant 0 : i32
    %dma_wait3A_55 = tpu.memref_slice %arg18[%dma_wait3A_53, %dma_wait3A_54] : memref<10112x16xf32, #tpu.memory_space<vmem_shared>> -> memref<10112x16xf32, #tpu.memory_space<vmem_shared>>
    tpu.wait_indirect_dma semaphore(%arg17 : memref<!tpu.dma_semaphore, #tpu.memory_space<semaphore_mem>>) src(%dma_wait3A_49 : memref<80x16xf32, #tpu.memory_space<vmem>>) dst(%dma_wait3A_55 : memref<10112x16xf32, #tpu.memory_space<vmem_shared>>)
    %barrier3A_56 = arith.constant 0 : index
    tpu.barrier barrier_id(%barrier3A_56)
    "tpu.region"() ({
      %run_scoped3A = tpu.sem_alloc : memref<!tpu.dma_semaphore, #tpu.memory_space<semaphore_mem>>
      %dma_start3A_57 = arith.constant 0 : i32
      %dma_start3A_58 = arith.constant 0 : i32
      %dma_start3A_59 = tpu.memref_slice %arg6[%arg0, %dma_start3A_57, %dma_start3A_58] : memref<2x10112x16xf32, #tpu.memory_space<hbm>> -> memref<1x10112x16xf32, #tpu.memory_space<hbm>>
      %dma_start3A_60 = tpu.memref_squeeze %dma_start3A_59 : memref<1x10112x16xf32, #tpu.memory_space<hbm>> -> memref<10112x16xf32, #tpu.memory_space<hbm>>
      %dma_start3A_61 = arith.constant 0 : i32
      %dma_start3A_62 = tpu.memref_slice %dma_start3A_60[%mul3A_4, %dma_start3A_61] : memref<10112x16xf32, #tpu.memory_space<hbm>> -> memref<632x16xf32, #tpu.memory_space<hbm>>
      %dma_start3A_63 = arith.constant 0 : i32
      %dma_start3A_64 = tpu.memref_slice %arg18[%mul3A_4, %dma_start3A_63] : memref<10112x16xf32, #tpu.memory_space<vmem_shared>> -> memref<632x16xf32, #tpu.memory_space<vmem_shared>>
      tpu.enqueue_dma source(%dma_start3A_64 : memref<632x16xf32, #tpu.memory_space<vmem_shared>>) target(%dma_start3A_62 : memref<632x16xf32, #tpu.memory_space<hbm>>) target_semaphore(%run_scoped3A : memref<!tpu.dma_semaphore, #tpu.memory_space<semaphore_mem>>)
      %dma_wait3A_65 = arith.constant 0 : i32
      %dma_wait3A_66 = arith.constant 0 : i32
      %dma_wait3A_67 = tpu.memref_slice %arg6[%arg0, %dma_wait3A_65, %dma_wait3A_66] : memref<2x10112x16xf32, #tpu.memory_space<hbm>> -> memref<1x10112x16xf32, #tpu.memory_space<hbm>>
      %dma_wait3A_68 = tpu.memref_squeeze %dma_wait3A_67 : memref<1x10112x16xf32, #tpu.memory_space<hbm>> -> memref<10112x16xf32, #tpu.memory_space<hbm>>
      %dma_wait3A_69 = arith.constant 0 : i32
      %dma_wait3A_70 = tpu.memref_slice %dma_wait3A_68[%mul3A_4, %dma_wait3A_69] : memref<10112x16xf32, #tpu.memory_space<hbm>> -> memref<632x16xf32, #tpu.memory_space<hbm>>
      %dma_wait3A_71 = arith.constant 0 : i32
      %dma_wait3A_72 = tpu.memref_slice %arg18[%mul3A_4, %dma_wait3A_71] : memref<10112x16xf32, #tpu.memory_space<vmem_shared>> -> memref<632x16xf32, #tpu.memory_space<vmem_shared>>
      tpu.wait_dma2 semaphore(%run_scoped3A : memref<!tpu.dma_semaphore, #tpu.memory_space<semaphore_mem>>) src(%dma_wait3A_72 : memref<632x16xf32, #tpu.memory_space<vmem_shared>>) dst(%dma_wait3A_70 : memref<632x16xf32, #tpu.memory_space<hbm>>)
      tpu.yield
    }) : () -> ()
    return
  }
}

#map = affine_map<(d0, d1) -> (0, 0)>
#map1 = affine_map<(d0, d1) -> (0, 0, 0)>
module attributes {stable_mosaic.version = 14 : i64} {
  func.func @_sc_body(%arg0: i32, %arg1: i32, %arg2: memref<4096x80xi32, #tpu.memory_space<hbm>>, %arg3: memref<4096x80xi32, #tpu.memory_space<hbm>>, %arg4: memref<4096x80xi32, #tpu.memory_space<hbm>>, %arg5: memref<4000x80x16xf32, #tpu.memory_space<hbm>>, %arg6: memref<80x16xf32, #tpu.memory_space<hbm>>, %arg7: memref<10000x64xf32, #tpu.memory_space<hbm>>, %arg8: memref<10112x64xf32, #tpu.memory_space<hbm>>, %arg9: memref<20224x16xf32, #tpu.memory_space<hbm>>, %arg10: memref<2x10112x64xf32, #tpu.memory_space<hbm>>, %arg11: memref<2x20224x16xf32, #tpu.memory_space<hbm>>, %arg12: memref<128x80xi32, #tpu.memory_space<vmem>>, %arg13: memref<128x80xi32, #tpu.memory_space<vmem>>, %arg14: memref<128x80xi32, #tpu.memory_space<vmem>>, %arg15: memref<4x80x64xf32, #tpu.memory_space<vmem>>, %arg16: memref<4x80x16xf32, #tpu.memory_space<vmem>>, %arg17: memref<80x16xf32, #tpu.memory_space<vmem>>, %arg18: memref<!tpu.dma_semaphore, #tpu.memory_space<semaphore_mem>>, %arg19: memref<!tpu.dma_semaphore, #tpu.memory_space<semaphore_mem>>, %arg20: memref<!tpu.dma_semaphore, #tpu.memory_space<semaphore_mem>>, %arg21: memref<!tpu.dma_semaphore, #tpu.memory_space<semaphore_mem>>, %arg22: memref<!tpu.dma_semaphore, #tpu.memory_space<semaphore_mem>>, %arg23: memref<!tpu.dma_semaphore, #tpu.memory_space<semaphore_mem>>, %arg24: memref<!tpu.dma_semaphore, #tpu.memory_space<semaphore_mem>>, %arg25: memref<!tpu.dma_semaphore, #tpu.memory_space<semaphore_mem>>, %arg26: memref<10112x64xf32, #tpu.memory_space<vmem_shared>>, %arg27: memref<20224x16xf32, #tpu.memory_space<vmem_shared>>) attributes {dimension_semantics = [#tpu.dimension_semantics<core_parallel>, #tpu.dimension_semantics<subcore_parallel>], iteration_bounds = array<i64: 2, 16>, scalar_prefetch = 0 : i64, scratch_operands = 16 : i64, tpu.core_type = #tpu.core_type<sc_vector_subcore>, window_params = [{transform_indices = #map}, {transform_indices = #map}, {transform_indices = #map}, {transform_indices = #map1}, {transform_indices = #map}, {transform_indices = #map}, {transform_indices = #map}, {transform_indices = #map}, {transform_indices = #map1}, {transform_indices = #map1}]} {
    %mul3A = arith.constant 2 : i32
    %mul3A_0 = arith.muli %arg1, %mul3A : i32
    %add3A = arith.addi %mul3A_0, %arg0 : i32
    %mul3A_1 = arith.constant 128 : i32
    %mul3A_2 = arith.muli %add3A, %mul3A_1 : i32
    %mul3A_3 = arith.constant 632 : i32
    %mul3A_4 = arith.muli %arg1, %mul3A_3 : i32
    "tpu.region"() ({
      %run_scoped3A = tpu.sem_alloc : memref<!tpu.dma_semaphore, #tpu.memory_space<semaphore_mem>>
      %dma_start3A_144 = arith.constant 0 : i32
      %dma_start3A_145 = tpu.memref_slice %arg26[%mul3A_4, %dma_start3A_144] : memref<10112x64xf32, #tpu.memory_space<vmem_shared>> -> memref<632x64xf32, #tpu.memory_space<vmem_shared>>
      %dma_start3A_146 = arith.constant 0 : i32
      %dma_start3A_147 = tpu.memref_slice %arg8[%mul3A_4, %dma_start3A_146] : memref<10112x64xf32, #tpu.memory_space<hbm>> -> memref<632x64xf32, #tpu.memory_space<hbm>>
      tpu.enqueue_dma source(%dma_start3A_147 : memref<632x64xf32, #tpu.memory_space<hbm>>) target(%dma_start3A_145 : memref<632x64xf32, #tpu.memory_space<vmem_shared>>) target_semaphore(%run_scoped3A : memref<!tpu.dma_semaphore, #tpu.memory_space<semaphore_mem>>)
      %dma_wait3A_148 = arith.constant 0 : i32
      %dma_wait3A_149 = tpu.memref_slice %arg26[%mul3A_4, %dma_wait3A_148] : memref<10112x64xf32, #tpu.memory_space<vmem_shared>> -> memref<632x64xf32, #tpu.memory_space<vmem_shared>>
      %dma_wait3A_150 = arith.constant 0 : i32
      %dma_wait3A_151 = tpu.memref_slice %arg8[%mul3A_4, %dma_wait3A_150] : memref<10112x64xf32, #tpu.memory_space<hbm>> -> memref<632x64xf32, #tpu.memory_space<hbm>>
      tpu.wait_dma2 semaphore(%run_scoped3A : memref<!tpu.dma_semaphore, #tpu.memory_space<semaphore_mem>>) src(%dma_wait3A_151 : memref<632x64xf32, #tpu.memory_space<hbm>>) dst(%dma_wait3A_149 : memref<632x64xf32, #tpu.memory_space<vmem_shared>>)
      tpu.yield
    }) : () -> ()
    %mul3A_5 = arith.constant 2 : i32
    %mul3A_6 = arith.muli %mul3A_5, %mul3A_4 : i32
    %mul3A_7 = arith.constant 2 : i32
    %mul3A_8 = arith.muli %mul3A_7, %mul3A_4 : i32
    "tpu.region"() ({
      %run_scoped3A = tpu.sem_alloc : memref<!tpu.dma_semaphore, #tpu.memory_space<semaphore_mem>>
      %dma_start3A_144 = arith.constant 0 : i32
      %dma_start3A_145 = tpu.memref_slice %arg27[%mul3A_8, %dma_start3A_144] : memref<20224x16xf32, #tpu.memory_space<vmem_shared>> -> memref<1264x16xf32, #tpu.memory_space<vmem_shared>>
      %dma_start3A_146 = arith.constant 0 : i32
      %dma_start3A_147 = tpu.memref_slice %arg9[%mul3A_6, %dma_start3A_146] : memref<20224x16xf32, #tpu.memory_space<hbm>> -> memref<1264x16xf32, #tpu.memory_space<hbm>>
      tpu.enqueue_dma source(%dma_start3A_147 : memref<1264x16xf32, #tpu.memory_space<hbm>>) target(%dma_start3A_145 : memref<1264x16xf32, #tpu.memory_space<vmem_shared>>) target_semaphore(%run_scoped3A : memref<!tpu.dma_semaphore, #tpu.memory_space<semaphore_mem>>)
      %dma_wait3A_148 = arith.constant 0 : i32
      %dma_wait3A_149 = tpu.memref_slice %arg27[%mul3A_8, %dma_wait3A_148] : memref<20224x16xf32, #tpu.memory_space<vmem_shared>> -> memref<1264x16xf32, #tpu.memory_space<vmem_shared>>
      %dma_wait3A_150 = arith.constant 0 : i32
      %dma_wait3A_151 = tpu.memref_slice %arg9[%mul3A_6, %dma_wait3A_150] : memref<20224x16xf32, #tpu.memory_space<hbm>> -> memref<1264x16xf32, #tpu.memory_space<hbm>>
      tpu.wait_dma2 semaphore(%run_scoped3A : memref<!tpu.dma_semaphore, #tpu.memory_space<semaphore_mem>>) src(%dma_wait3A_151 : memref<1264x16xf32, #tpu.memory_space<hbm>>) dst(%dma_wait3A_149 : memref<1264x16xf32, #tpu.memory_space<vmem_shared>>)
      tpu.yield
    }) : () -> ()
    "tpu.region"() ({
      %run_scoped3A = tpu.sem_alloc : memref<!tpu.dma_semaphore, #tpu.memory_space<semaphore_mem>>
      tpu.enqueue_dma source(%arg6 : memref<80x16xf32, #tpu.memory_space<hbm>>) target(%arg17 : memref<80x16xf32, #tpu.memory_space<vmem>>) target_semaphore(%run_scoped3A : memref<!tpu.dma_semaphore, #tpu.memory_space<semaphore_mem>>)
      tpu.wait_dma2 semaphore(%run_scoped3A : memref<!tpu.dma_semaphore, #tpu.memory_space<semaphore_mem>>) src(%arg6 : memref<80x16xf32, #tpu.memory_space<hbm>>) dst(%arg17 : memref<80x16xf32, #tpu.memory_space<vmem>>)
      tpu.yield
    }) : () -> ()
    "tpu.region"() ({
      %run_scoped3A = tpu.sem_alloc : memref<!tpu.dma_semaphore, #tpu.memory_space<semaphore_mem>>
      %dma_start3A_144 = arith.constant 0 : i32
      %dma_start3A_145 = tpu.memref_slice %arg2[%mul3A_2, %dma_start3A_144] : memref<4096x80xi32, #tpu.memory_space<hbm>> -> memref<128x80xi32, #tpu.memory_space<hbm>>
      %dma_start3A_146 = arith.constant 0 : i32
      %dma_start3A_147 = tpu.memref_slice %arg2[%mul3A_2, %dma_start3A_146] : memref<4096x80xi32, #tpu.memory_space<hbm>> -> memref<128x80xi32, #tpu.memory_space<hbm>>
      tpu.enqueue_dma source(%dma_start3A_147 : memref<128x80xi32, #tpu.memory_space<hbm>>) target(%arg12 : memref<128x80xi32, #tpu.memory_space<vmem>>) target_semaphore(%run_scoped3A : memref<!tpu.dma_semaphore, #tpu.memory_space<semaphore_mem>>)
      %dma_wait3A_148 = arith.constant 0 : i32
      %dma_wait3A_149 = tpu.memref_slice %arg2[%mul3A_2, %dma_wait3A_148] : memref<4096x80xi32, #tpu.memory_space<hbm>> -> memref<128x80xi32, #tpu.memory_space<hbm>>
      %dma_wait3A_150 = arith.constant 0 : i32
      %dma_wait3A_151 = tpu.memref_slice %arg2[%mul3A_2, %dma_wait3A_150] : memref<4096x80xi32, #tpu.memory_space<hbm>> -> memref<128x80xi32, #tpu.memory_space<hbm>>
      tpu.wait_dma2 semaphore(%run_scoped3A : memref<!tpu.dma_semaphore, #tpu.memory_space<semaphore_mem>>) src(%dma_wait3A_151 : memref<128x80xi32, #tpu.memory_space<hbm>>) dst(%arg12 : memref<128x80xi32, #tpu.memory_space<vmem>>)
      tpu.yield
    }) : () -> ()
    "tpu.region"() ({
      %run_scoped3A = tpu.sem_alloc : memref<!tpu.dma_semaphore, #tpu.memory_space<semaphore_mem>>
      %dma_start3A_144 = arith.constant 0 : i32
      %dma_start3A_145 = tpu.memref_slice %arg3[%mul3A_2, %dma_start3A_144] : memref<4096x80xi32, #tpu.memory_space<hbm>> -> memref<128x80xi32, #tpu.memory_space<hbm>>
      %dma_start3A_146 = arith.constant 0 : i32
      %dma_start3A_147 = tpu.memref_slice %arg3[%mul3A_2, %dma_start3A_146] : memref<4096x80xi32, #tpu.memory_space<hbm>> -> memref<128x80xi32, #tpu.memory_space<hbm>>
      tpu.enqueue_dma source(%dma_start3A_147 : memref<128x80xi32, #tpu.memory_space<hbm>>) target(%arg13 : memref<128x80xi32, #tpu.memory_space<vmem>>) target_semaphore(%run_scoped3A : memref<!tpu.dma_semaphore, #tpu.memory_space<semaphore_mem>>)
      %dma_wait3A_148 = arith.constant 0 : i32
      %dma_wait3A_149 = tpu.memref_slice %arg3[%mul3A_2, %dma_wait3A_148] : memref<4096x80xi32, #tpu.memory_space<hbm>> -> memref<128x80xi32, #tpu.memory_space<hbm>>
      %dma_wait3A_150 = arith.constant 0 : i32
      %dma_wait3A_151 = tpu.memref_slice %arg3[%mul3A_2, %dma_wait3A_150] : memref<4096x80xi32, #tpu.memory_space<hbm>> -> memref<128x80xi32, #tpu.memory_space<hbm>>
      tpu.wait_dma2 semaphore(%run_scoped3A : memref<!tpu.dma_semaphore, #tpu.memory_space<semaphore_mem>>) src(%dma_wait3A_151 : memref<128x80xi32, #tpu.memory_space<hbm>>) dst(%arg13 : memref<128x80xi32, #tpu.memory_space<vmem>>)
      tpu.yield
    }) : () -> ()
    "tpu.region"() ({
      %run_scoped3A = tpu.sem_alloc : memref<!tpu.dma_semaphore, #tpu.memory_space<semaphore_mem>>
      %dma_start3A_144 = arith.constant 0 : i32
      %dma_start3A_145 = tpu.memref_slice %arg4[%mul3A_2, %dma_start3A_144] : memref<4096x80xi32, #tpu.memory_space<hbm>> -> memref<128x80xi32, #tpu.memory_space<hbm>>
      %dma_start3A_146 = arith.constant 0 : i32
      %dma_start3A_147 = tpu.memref_slice %arg4[%mul3A_2, %dma_start3A_146] : memref<4096x80xi32, #tpu.memory_space<hbm>> -> memref<128x80xi32, #tpu.memory_space<hbm>>
      tpu.enqueue_dma source(%dma_start3A_147 : memref<128x80xi32, #tpu.memory_space<hbm>>) target(%arg14 : memref<128x80xi32, #tpu.memory_space<vmem>>) target_semaphore(%run_scoped3A : memref<!tpu.dma_semaphore, #tpu.memory_space<semaphore_mem>>)
      %dma_wait3A_148 = arith.constant 0 : i32
      %dma_wait3A_149 = tpu.memref_slice %arg4[%mul3A_2, %dma_wait3A_148] : memref<4096x80xi32, #tpu.memory_space<hbm>> -> memref<128x80xi32, #tpu.memory_space<hbm>>
      %dma_wait3A_150 = arith.constant 0 : i32
      %dma_wait3A_151 = tpu.memref_slice %arg4[%mul3A_2, %dma_wait3A_150] : memref<4096x80xi32, #tpu.memory_space<hbm>> -> memref<128x80xi32, #tpu.memory_space<hbm>>
      tpu.wait_dma2 semaphore(%run_scoped3A : memref<!tpu.dma_semaphore, #tpu.memory_space<semaphore_mem>>) src(%dma_wait3A_151 : memref<128x80xi32, #tpu.memory_space<hbm>>) dst(%arg14 : memref<128x80xi32, #tpu.memory_space<vmem>>)
      tpu.yield
    }) : () -> ()
    %barrier3A = arith.constant 0 : index
    tpu.barrier barrier_id(%barrier3A)
    %dma_start3A = arith.constant 0 : i32
    %dma_start3A_9 = arith.constant 0 : i32
    %dma_start3A_10 = arith.constant 0 : i32
    %dma_start3A_11 = arith.constant 0 : i32
    %dma_start3A_12 = tpu.memref_slice %arg15[%dma_start3A_9, %dma_start3A_10, %dma_start3A_11] : memref<4x80x64xf32, #tpu.memory_space<vmem>> -> memref<1x80x64xf32, #tpu.memory_space<vmem>>
    %dma_start3A_13 = tpu.memref_squeeze %dma_start3A_12 : memref<1x80x64xf32, #tpu.memory_space<vmem>> -> memref<80x64xf32, #tpu.memory_space<vmem>>
    %dma_start3A_14 = arith.constant 0 : i32
    %dma_start3A_15 = tpu.memref_slice %arg12[%dma_start3A, %dma_start3A_14] : memref<128x80xi32, #tpu.memory_space<vmem>> -> memref<1x80xi32, #tpu.memory_space<vmem>>
    %dma_start3A_16 = tpu.memref_squeeze %dma_start3A_15 : memref<1x80xi32, #tpu.memory_space<vmem>> -> memref<80xi32, #tpu.memory_space<vmem>>
    %dma_start3A_17 = arith.constant 0 : i32
    %dma_start3A_18 = arith.constant 0 : i32
    %dma_start3A_19 = tpu.memref_slice %arg7[%dma_start3A_17, %dma_start3A_18] : memref<10000x64xf32, #tpu.memory_space<hbm>> -> memref<10000x64xf32, #tpu.memory_space<hbm>>
    tpu.enqueue_indirect_dma source(%dma_start3A_19 : memref<10000x64xf32, #tpu.memory_space<hbm>>) target(%dma_start3A_13 : memref<80x64xf32, #tpu.memory_space<vmem>>) offsets(%dma_start3A_16 : memref<80xi32, #tpu.memory_space<vmem>>) semaphore(%arg18 : memref<!tpu.dma_semaphore, #tpu.memory_space<semaphore_mem>>)
    %add3A_20 = arith.constant 0 : i32
    %add3A_21 = arith.addi %mul3A_2, %add3A_20 : i32
    %min3A = arith.constant 3999 : i32
    %min3A_22 = arith.minsi %add3A_21, %min3A : i32
    %dma_start3A_23 = arith.constant 0 : i32
    %dma_start3A_24 = arith.constant 0 : i32
    %dma_start3A_25 = arith.constant 0 : i32
    %dma_start3A_26 = tpu.memref_slice %arg16[%dma_start3A_23, %dma_start3A_24, %dma_start3A_25] : memref<4x80x16xf32, #tpu.memory_space<vmem>> -> memref<1x80x16xf32, #tpu.memory_space<vmem>>
    %dma_start3A_27 = tpu.memref_squeeze %dma_start3A_26 : memref<1x80x16xf32, #tpu.memory_space<vmem>> -> memref<80x16xf32, #tpu.memory_space<vmem>>
    %dma_start3A_28 = arith.constant 0 : i32
    %dma_start3A_29 = arith.constant 0 : i32
    %dma_start3A_30 = tpu.memref_slice %arg5[%min3A_22, %dma_start3A_28, %dma_start3A_29] : memref<4000x80x16xf32, #tpu.memory_space<hbm>> -> memref<1x80x16xf32, #tpu.memory_space<hbm>>
    %dma_start3A_31 = tpu.memref_squeeze %dma_start3A_30 : memref<1x80x16xf32, #tpu.memory_space<hbm>> -> memref<80x16xf32, #tpu.memory_space<hbm>>
    %dma_start3A_32 = arith.constant 0 : i32
    %dma_start3A_33 = arith.constant 0 : i32
    %dma_start3A_34 = tpu.memref_slice %arg16[%dma_start3A_23, %dma_start3A_32, %dma_start3A_33] : memref<4x80x16xf32, #tpu.memory_space<vmem>> -> memref<1x80x16xf32, #tpu.memory_space<vmem>>
    %dma_start3A_35 = tpu.memref_squeeze %dma_start3A_34 : memref<1x80x16xf32, #tpu.memory_space<vmem>> -> memref<80x16xf32, #tpu.memory_space<vmem>>
    %dma_start3A_36 = arith.constant 0 : i32
    %dma_start3A_37 = arith.constant 0 : i32
    %dma_start3A_38 = tpu.memref_slice %arg5[%min3A_22, %dma_start3A_36, %dma_start3A_37] : memref<4000x80x16xf32, #tpu.memory_space<hbm>> -> memref<1x80x16xf32, #tpu.memory_space<hbm>>
    %dma_start3A_39 = tpu.memref_squeeze %dma_start3A_38 : memref<1x80x16xf32, #tpu.memory_space<hbm>> -> memref<80x16xf32, #tpu.memory_space<hbm>>
    tpu.enqueue_dma source(%dma_start3A_39 : memref<80x16xf32, #tpu.memory_space<hbm>>) target(%dma_start3A_35 : memref<80x16xf32, #tpu.memory_space<vmem>>) target_semaphore(%arg18 : memref<!tpu.dma_semaphore, #tpu.memory_space<semaphore_mem>>)
    %dma_start3A_40 = arith.constant 1 : i32
    %dma_start3A_41 = arith.constant 1 : i32
    %dma_start3A_42 = arith.constant 0 : i32
    %dma_start3A_43 = arith.constant 0 : i32
    %dma_start3A_44 = tpu.memref_slice %arg15[%dma_start3A_41, %dma_start3A_42, %dma_start3A_43] : memref<4x80x64xf32, #tpu.memory_space<vmem>> -> memref<1x80x64xf32, #tpu.memory_space<vmem>>
    %dma_start3A_45 = tpu.memref_squeeze %dma_start3A_44 : memref<1x80x64xf32, #tpu.memory_space<vmem>> -> memref<80x64xf32, #tpu.memory_space<vmem>>
    %dma_start3A_46 = arith.constant 0 : i32
    %dma_start3A_47 = tpu.memref_slice %arg12[%dma_start3A_40, %dma_start3A_46] : memref<128x80xi32, #tpu.memory_space<vmem>> -> memref<1x80xi32, #tpu.memory_space<vmem>>
    %dma_start3A_48 = tpu.memref_squeeze %dma_start3A_47 : memref<1x80xi32, #tpu.memory_space<vmem>> -> memref<80xi32, #tpu.memory_space<vmem>>
    %dma_start3A_49 = arith.constant 0 : i32
    %dma_start3A_50 = arith.constant 0 : i32
    %dma_start3A_51 = tpu.memref_slice %arg7[%dma_start3A_49, %dma_start3A_50] : memref<10000x64xf32, #tpu.memory_space<hbm>> -> memref<10000x64xf32, #tpu.memory_space<hbm>>
    tpu.enqueue_indirect_dma source(%dma_start3A_51 : memref<10000x64xf32, #tpu.memory_space<hbm>>) target(%dma_start3A_45 : memref<80x64xf32, #tpu.memory_space<vmem>>) offsets(%dma_start3A_48 : memref<80xi32, #tpu.memory_space<vmem>>) semaphore(%arg19 : memref<!tpu.dma_semaphore, #tpu.memory_space<semaphore_mem>>)
    %add3A_52 = arith.constant 1 : i32
    %add3A_53 = arith.addi %mul3A_2, %add3A_52 : i32
    %min3A_54 = arith.constant 3999 : i32
    %min3A_55 = arith.minsi %add3A_53, %min3A_54 : i32
    %dma_start3A_56 = arith.constant 1 : i32
    %dma_start3A_57 = arith.constant 0 : i32
    %dma_start3A_58 = arith.constant 0 : i32
    %dma_start3A_59 = tpu.memref_slice %arg16[%dma_start3A_56, %dma_start3A_57, %dma_start3A_58] : memref<4x80x16xf32, #tpu.memory_space<vmem>> -> memref<1x80x16xf32, #tpu.memory_space<vmem>>
    %dma_start3A_60 = tpu.memref_squeeze %dma_start3A_59 : memref<1x80x16xf32, #tpu.memory_space<vmem>> -> memref<80x16xf32, #tpu.memory_space<vmem>>
    %dma_start3A_61 = arith.constant 0 : i32
    %dma_start3A_62 = arith.constant 0 : i32
    %dma_start3A_63 = tpu.memref_slice %arg5[%min3A_55, %dma_start3A_61, %dma_start3A_62] : memref<4000x80x16xf32, #tpu.memory_space<hbm>> -> memref<1x80x16xf32, #tpu.memory_space<hbm>>
    %dma_start3A_64 = tpu.memref_squeeze %dma_start3A_63 : memref<1x80x16xf32, #tpu.memory_space<hbm>> -> memref<80x16xf32, #tpu.memory_space<hbm>>
    %dma_start3A_65 = arith.constant 0 : i32
    %dma_start3A_66 = arith.constant 0 : i32
    %dma_start3A_67 = tpu.memref_slice %arg16[%dma_start3A_56, %dma_start3A_65, %dma_start3A_66] : memref<4x80x16xf32, #tpu.memory_space<vmem>> -> memref<1x80x16xf32, #tpu.memory_space<vmem>>
    %dma_start3A_68 = tpu.memref_squeeze %dma_start3A_67 : memref<1x80x16xf32, #tpu.memory_space<vmem>> -> memref<80x16xf32, #tpu.memory_space<vmem>>
    %dma_start3A_69 = arith.constant 0 : i32
    %dma_start3A_70 = arith.constant 0 : i32
    %dma_start3A_71 = tpu.memref_slice %arg5[%min3A_55, %dma_start3A_69, %dma_start3A_70] : memref<4000x80x16xf32, #tpu.memory_space<hbm>> -> memref<1x80x16xf32, #tpu.memory_space<hbm>>
    %dma_start3A_72 = tpu.memref_squeeze %dma_start3A_71 : memref<1x80x16xf32, #tpu.memory_space<hbm>> -> memref<80x16xf32, #tpu.memory_space<hbm>>
    tpu.enqueue_dma source(%dma_start3A_72 : memref<80x16xf32, #tpu.memory_space<hbm>>) target(%dma_start3A_68 : memref<80x16xf32, #tpu.memory_space<vmem>>) target_semaphore(%arg19 : memref<!tpu.dma_semaphore, #tpu.memory_space<semaphore_mem>>)
    %scan3A = arith.constant 0 : i32
    %scan3A_73 = arith.constant 0 : i32
    %scan3A_74 = arith.constant 32 : i32
    %scan3A_75 = arith.addi %scan3A_73, %scan3A_74 : i32
    %scan3A_76 = arith.constant 1 : i32
    scf.for %scan3A_144 = %scan3A_73 to %scan3A_75 step %scan3A_76  : i32 {
      %mul3A_145 = arith.constant 4 : i32
      %mul3A_146 = arith.muli %scan3A_144, %mul3A_145 : i32
      %add3A_147 = arith.constant 0 : i32
      %add3A_148 = arith.addi %mul3A_146, %add3A_147 : i32
      %dma_wait3A_149 = arith.constant 0 : i32
      %dma_wait3A_150 = arith.constant 0 : i32
      %dma_wait3A_151 = arith.constant 0 : i32
      %dma_wait3A_152 = tpu.memref_slice %arg15[%dma_wait3A_149, %dma_wait3A_150, %dma_wait3A_151] : memref<4x80x64xf32, #tpu.memory_space<vmem>> -> memref<1x80x64xf32, #tpu.memory_space<vmem>>
      %dma_wait3A_153 = tpu.memref_squeeze %dma_wait3A_152 : memref<1x80x64xf32, #tpu.memory_space<vmem>> -> memref<80x64xf32, #tpu.memory_space<vmem>>
      %dma_wait3A_154 = arith.constant 0 : i32
      %dma_wait3A_155 = tpu.memref_slice %arg12[%add3A_148, %dma_wait3A_154] : memref<128x80xi32, #tpu.memory_space<vmem>> -> memref<1x80xi32, #tpu.memory_space<vmem>>
      %dma_wait3A_156 = tpu.memref_squeeze %dma_wait3A_155 : memref<1x80xi32, #tpu.memory_space<vmem>> -> memref<80xi32, #tpu.memory_space<vmem>>
      %dma_wait3A_157 = arith.constant 0 : i32
      %dma_wait3A_158 = arith.constant 0 : i32
      %dma_wait3A_159 = tpu.memref_slice %arg7[%dma_wait3A_157, %dma_wait3A_158] : memref<10000x64xf32, #tpu.memory_space<hbm>> -> memref<10000x64xf32, #tpu.memory_space<hbm>>
      tpu.wait_indirect_dma semaphore(%arg18 : memref<!tpu.dma_semaphore, #tpu.memory_space<semaphore_mem>>) src(%dma_wait3A_159 : memref<10000x64xf32, #tpu.memory_space<hbm>>) dst(%dma_wait3A_153 : memref<80x64xf32, #tpu.memory_space<vmem>>)
      %add3A_160 = arith.addi %mul3A_2, %add3A_148 : i32
      %min3A_161 = arith.constant 3999 : i32
      %min3A_162 = arith.minsi %add3A_160, %min3A_161 : i32
      %dma_wait3A_163 = arith.constant 0 : i32
      %dma_wait3A_164 = arith.constant 0 : i32
      %dma_wait3A_165 = arith.constant 0 : i32
      %dma_wait3A_166 = tpu.memref_slice %arg16[%dma_wait3A_163, %dma_wait3A_164, %dma_wait3A_165] : memref<4x80x16xf32, #tpu.memory_space<vmem>> -> memref<1x80x16xf32, #tpu.memory_space<vmem>>
      %dma_wait3A_167 = tpu.memref_squeeze %dma_wait3A_166 : memref<1x80x16xf32, #tpu.memory_space<vmem>> -> memref<80x16xf32, #tpu.memory_space<vmem>>
      %dma_wait3A_168 = arith.constant 0 : i32
      %dma_wait3A_169 = arith.constant 0 : i32
      %dma_wait3A_170 = tpu.memref_slice %arg5[%min3A_162, %dma_wait3A_168, %dma_wait3A_169] : memref<4000x80x16xf32, #tpu.memory_space<hbm>> -> memref<1x80x16xf32, #tpu.memory_space<hbm>>
      %dma_wait3A_171 = tpu.memref_squeeze %dma_wait3A_170 : memref<1x80x16xf32, #tpu.memory_space<hbm>> -> memref<80x16xf32, #tpu.memory_space<hbm>>
      %dma_wait3A_172 = arith.constant 0 : i32
      %dma_wait3A_173 = arith.constant 0 : i32
      %dma_wait3A_174 = tpu.memref_slice %arg16[%dma_wait3A_163, %dma_wait3A_172, %dma_wait3A_173] : memref<4x80x16xf32, #tpu.memory_space<vmem>> -> memref<1x80x16xf32, #tpu.memory_space<vmem>>
      %dma_wait3A_175 = tpu.memref_squeeze %dma_wait3A_174 : memref<1x80x16xf32, #tpu.memory_space<vmem>> -> memref<80x16xf32, #tpu.memory_space<vmem>>
      %dma_wait3A_176 = arith.constant 0 : i32
      %dma_wait3A_177 = arith.constant 0 : i32
      %dma_wait3A_178 = tpu.memref_slice %arg5[%min3A_162, %dma_wait3A_176, %dma_wait3A_177] : memref<4000x80x16xf32, #tpu.memory_space<hbm>> -> memref<1x80x16xf32, #tpu.memory_space<hbm>>
      %dma_wait3A_179 = tpu.memref_squeeze %dma_wait3A_178 : memref<1x80x16xf32, #tpu.memory_space<hbm>> -> memref<80x16xf32, #tpu.memory_space<hbm>>
      tpu.wait_dma2 semaphore(%arg18 : memref<!tpu.dma_semaphore, #tpu.memory_space<semaphore_mem>>) src(%dma_wait3A_179 : memref<80x16xf32, #tpu.memory_space<hbm>>) dst(%dma_wait3A_175 : memref<80x16xf32, #tpu.memory_space<vmem>>)
      %dma_start3A_180 = arith.constant 0 : i32
      %dma_start3A_181 = arith.constant 0 : i32
      %dma_start3A_182 = arith.constant 0 : i32
      %dma_start3A_183 = tpu.memref_slice %arg15[%dma_start3A_180, %dma_start3A_181, %dma_start3A_182] : memref<4x80x64xf32, #tpu.memory_space<vmem>> -> memref<1x80x64xf32, #tpu.memory_space<vmem>>
      %dma_start3A_184 = tpu.memref_squeeze %dma_start3A_183 : memref<1x80x64xf32, #tpu.memory_space<vmem>> -> memref<80x64xf32, #tpu.memory_space<vmem>>
      %dma_start3A_185 = arith.constant 0 : i32
      %dma_start3A_186 = tpu.memref_slice %arg13[%add3A_148, %dma_start3A_185] : memref<128x80xi32, #tpu.memory_space<vmem>> -> memref<1x80xi32, #tpu.memory_space<vmem>>
      %dma_start3A_187 = tpu.memref_squeeze %dma_start3A_186 : memref<1x80xi32, #tpu.memory_space<vmem>> -> memref<80xi32, #tpu.memory_space<vmem>>
      %dma_start3A_188 = arith.constant 0 : i32
      %dma_start3A_189 = arith.constant 0 : i32
      %dma_start3A_190 = tpu.memref_slice %arg26[%dma_start3A_188, %dma_start3A_189] : memref<10112x64xf32, #tpu.memory_space<vmem_shared>> -> memref<10112x64xf32, #tpu.memory_space<vmem_shared>>
      tpu.enqueue_indirect_dma source(%dma_start3A_184 : memref<80x64xf32, #tpu.memory_space<vmem>>) target(%dma_start3A_190 : memref<10112x64xf32, #tpu.memory_space<vmem_shared>>) offsets(%dma_start3A_187 : memref<80xi32, #tpu.memory_space<vmem>>) semaphore(%arg22 : memref<!tpu.dma_semaphore, #tpu.memory_space<semaphore_mem>>) {add = true}
      %dma_start3A_191 = arith.constant 0 : i32
      %dma_start3A_192 = arith.constant 0 : i32
      %dma_start3A_193 = arith.constant 0 : i32
      %dma_start3A_194 = tpu.memref_slice %arg16[%dma_start3A_191, %dma_start3A_192, %dma_start3A_193] : memref<4x80x16xf32, #tpu.memory_space<vmem>> -> memref<1x80x16xf32, #tpu.memory_space<vmem>>
      %dma_start3A_195 = tpu.memref_squeeze %dma_start3A_194 : memref<1x80x16xf32, #tpu.memory_space<vmem>> -> memref<80x16xf32, #tpu.memory_space<vmem>>
      %dma_start3A_196 = arith.constant 0 : i32
      %dma_start3A_197 = tpu.memref_slice %arg13[%add3A_148, %dma_start3A_196] : memref<128x80xi32, #tpu.memory_space<vmem>> -> memref<1x80xi32, #tpu.memory_space<vmem>>
      %dma_start3A_198 = tpu.memref_squeeze %dma_start3A_197 : memref<1x80xi32, #tpu.memory_space<vmem>> -> memref<80xi32, #tpu.memory_space<vmem>>
      %dma_start3A_199 = arith.constant 0 : i32
      %dma_start3A_200 = arith.constant 0 : i32
      %dma_start3A_201 = tpu.memref_slice %arg27[%dma_start3A_199, %dma_start3A_200] : memref<20224x16xf32, #tpu.memory_space<vmem_shared>> -> memref<20224x16xf32, #tpu.memory_space<vmem_shared>>
      tpu.enqueue_indirect_dma source(%dma_start3A_195 : memref<80x16xf32, #tpu.memory_space<vmem>>) target(%dma_start3A_201 : memref<20224x16xf32, #tpu.memory_space<vmem_shared>>) offsets(%dma_start3A_198 : memref<80xi32, #tpu.memory_space<vmem>>) semaphore(%arg22 : memref<!tpu.dma_semaphore, #tpu.memory_space<semaphore_mem>>) {add = true}
      %dma_start3A_202 = arith.constant 0 : i32
      %dma_start3A_203 = tpu.memref_slice %arg14[%add3A_148, %dma_start3A_202] : memref<128x80xi32, #tpu.memory_space<vmem>> -> memref<1x80xi32, #tpu.memory_space<vmem>>
      %dma_start3A_204 = tpu.memref_squeeze %dma_start3A_203 : memref<1x80xi32, #tpu.memory_space<vmem>> -> memref<80xi32, #tpu.memory_space<vmem>>
      %dma_start3A_205 = arith.constant 0 : i32
      %dma_start3A_206 = arith.constant 0 : i32
      %dma_start3A_207 = tpu.memref_slice %arg27[%dma_start3A_205, %dma_start3A_206] : memref<20224x16xf32, #tpu.memory_space<vmem_shared>> -> memref<20224x16xf32, #tpu.memory_space<vmem_shared>>
      tpu.enqueue_indirect_dma source(%arg17 : memref<80x16xf32, #tpu.memory_space<vmem>>) target(%dma_start3A_207 : memref<20224x16xf32, #tpu.memory_space<vmem_shared>>) offsets(%dma_start3A_204 : memref<80xi32, #tpu.memory_space<vmem>>) semaphore(%arg22 : memref<!tpu.dma_semaphore, #tpu.memory_space<semaphore_mem>>) {add = true}
      %ge3A = arith.constant 2 : i32
      %ge3A_208 = arith.cmpi sge, %add3A_148, %ge3A : i32
      %convert_element_type3A = arith.extui %ge3A_208 : i1 to i32
      %cond3A = arith.constant 0 : i32
      %cond3A_209 = arith.cmpi ne, %convert_element_type3A, %cond3A : i32
      scf.if %cond3A_209 {
        %sub3A = arith.constant 2 : i32
        %sub3A_441 = arith.subi %add3A_148, %sub3A : i32
        %dma_wait3A_442 = arith.constant 2 : i32
        %dma_wait3A_443 = arith.constant 0 : i32
        %dma_wait3A_444 = arith.constant 0 : i32
        %dma_wait3A_445 = tpu.memref_slice %arg15[%dma_wait3A_442, %dma_wait3A_443, %dma_wait3A_444] : memref<4x80x64xf32, #tpu.memory_space<vmem>> -> memref<1x80x64xf32, #tpu.memory_space<vmem>>
        %dma_wait3A_446 = tpu.memref_squeeze %dma_wait3A_445 : memref<1x80x64xf32, #tpu.memory_space<vmem>> -> memref<80x64xf32, #tpu.memory_space<vmem>>
        %dma_wait3A_447 = arith.constant 0 : i32
        %dma_wait3A_448 = tpu.memref_slice %arg13[%sub3A_441, %dma_wait3A_447] : memref<128x80xi32, #tpu.memory_space<vmem>> -> memref<1x80xi32, #tpu.memory_space<vmem>>
        %dma_wait3A_449 = tpu.memref_squeeze %dma_wait3A_448 : memref<1x80xi32, #tpu.memory_space<vmem>> -> memref<80xi32, #tpu.memory_space<vmem>>
        %dma_wait3A_450 = arith.constant 0 : i32
        %dma_wait3A_451 = arith.constant 0 : i32
        %dma_wait3A_452 = tpu.memref_slice %arg26[%dma_wait3A_450, %dma_wait3A_451] : memref<10112x64xf32, #tpu.memory_space<vmem_shared>> -> memref<10112x64xf32, #tpu.memory_space<vmem_shared>>
        tpu.wait_indirect_dma semaphore(%arg24 : memref<!tpu.dma_semaphore, #tpu.memory_space<semaphore_mem>>) src(%dma_wait3A_446 : memref<80x64xf32, #tpu.memory_space<vmem>>) dst(%dma_wait3A_452 : memref<10112x64xf32, #tpu.memory_space<vmem_shared>>)
        %dma_wait3A_453 = arith.constant 2 : i32
        %dma_wait3A_454 = arith.constant 0 : i32
        %dma_wait3A_455 = arith.constant 0 : i32
        %dma_wait3A_456 = tpu.memref_slice %arg16[%dma_wait3A_453, %dma_wait3A_454, %dma_wait3A_455] : memref<4x80x16xf32, #tpu.memory_space<vmem>> -> memref<1x80x16xf32, #tpu.memory_space<vmem>>
        %dma_wait3A_457 = tpu.memref_squeeze %dma_wait3A_456 : memref<1x80x16xf32, #tpu.memory_space<vmem>> -> memref<80x16xf32, #tpu.memory_space<vmem>>
        %dma_wait3A_458 = arith.constant 0 : i32
        %dma_wait3A_459 = tpu.memref_slice %arg13[%sub3A_441, %dma_wait3A_458] : memref<128x80xi32, #tpu.memory_space<vmem>> -> memref<1x80xi32, #tpu.memory_space<vmem>>
        %dma_wait3A_460 = tpu.memref_squeeze %dma_wait3A_459 : memref<1x80xi32, #tpu.memory_space<vmem>> -> memref<80xi32, #tpu.memory_space<vmem>>
        %dma_wait3A_461 = arith.constant 0 : i32
        %dma_wait3A_462 = arith.constant 0 : i32
        %dma_wait3A_463 = tpu.memref_slice %arg27[%dma_wait3A_461, %dma_wait3A_462] : memref<20224x16xf32, #tpu.memory_space<vmem_shared>> -> memref<20224x16xf32, #tpu.memory_space<vmem_shared>>
        tpu.wait_indirect_dma semaphore(%arg24 : memref<!tpu.dma_semaphore, #tpu.memory_space<semaphore_mem>>) src(%dma_wait3A_457 : memref<80x16xf32, #tpu.memory_space<vmem>>) dst(%dma_wait3A_463 : memref<20224x16xf32, #tpu.memory_space<vmem_shared>>)
        %dma_wait3A_464 = arith.constant 0 : i32
        %dma_wait3A_465 = tpu.memref_slice %arg14[%sub3A_441, %dma_wait3A_464] : memref<128x80xi32, #tpu.memory_space<vmem>> -> memref<1x80xi32, #tpu.memory_space<vmem>>
        %dma_wait3A_466 = tpu.memref_squeeze %dma_wait3A_465 : memref<1x80xi32, #tpu.memory_space<vmem>> -> memref<80xi32, #tpu.memory_space<vmem>>
        %dma_wait3A_467 = arith.constant 0 : i32
        %dma_wait3A_468 = arith.constant 0 : i32
        %dma_wait3A_469 = tpu.memref_slice %arg27[%dma_wait3A_467, %dma_wait3A_468] : memref<20224x16xf32, #tpu.memory_space<vmem_shared>> -> memref<20224x16xf32, #tpu.memory_space<vmem_shared>>
        tpu.wait_indirect_dma semaphore(%arg24 : memref<!tpu.dma_semaphore, #tpu.memory_space<semaphore_mem>>) src(%arg17 : memref<80x16xf32, #tpu.memory_space<vmem>>) dst(%dma_wait3A_469 : memref<20224x16xf32, #tpu.memory_space<vmem_shared>>)
      } else {
      }
      %add3A_210 = arith.constant 2 : i32
      %add3A_211 = arith.addi %add3A_148, %add3A_210 : i32
      %lt3A = arith.constant 128 : i32
      %lt3A_212 = arith.cmpi slt, %add3A_211, %lt3A : i32
      %convert_element_type3A_213 = arith.extui %lt3A_212 : i1 to i32
      %cond3A_214 = arith.constant 0 : i32
      %cond3A_215 = arith.cmpi ne, %convert_element_type3A_213, %cond3A_214 : i32
      scf.if %cond3A_215 {
        %add3A_441 = arith.constant 2 : i32
        %add3A_442 = arith.addi %add3A_148, %add3A_441 : i32
        %dma_start3A_443 = arith.constant 2 : i32
        %dma_start3A_444 = arith.constant 0 : i32
        %dma_start3A_445 = arith.constant 0 : i32
        %dma_start3A_446 = tpu.memref_slice %arg15[%dma_start3A_443, %dma_start3A_444, %dma_start3A_445] : memref<4x80x64xf32, #tpu.memory_space<vmem>> -> memref<1x80x64xf32, #tpu.memory_space<vmem>>
        %dma_start3A_447 = tpu.memref_squeeze %dma_start3A_446 : memref<1x80x64xf32, #tpu.memory_space<vmem>> -> memref<80x64xf32, #tpu.memory_space<vmem>>
        %dma_start3A_448 = arith.constant 0 : i32
        %dma_start3A_449 = tpu.memref_slice %arg12[%add3A_442, %dma_start3A_448] : memref<128x80xi32, #tpu.memory_space<vmem>> -> memref<1x80xi32, #tpu.memory_space<vmem>>
        %dma_start3A_450 = tpu.memref_squeeze %dma_start3A_449 : memref<1x80xi32, #tpu.memory_space<vmem>> -> memref<80xi32, #tpu.memory_space<vmem>>
        %dma_start3A_451 = arith.constant 0 : i32
        %dma_start3A_452 = arith.constant 0 : i32
        %dma_start3A_453 = tpu.memref_slice %arg7[%dma_start3A_451, %dma_start3A_452] : memref<10000x64xf32, #tpu.memory_space<hbm>> -> memref<10000x64xf32, #tpu.memory_space<hbm>>
        tpu.enqueue_indirect_dma source(%dma_start3A_453 : memref<10000x64xf32, #tpu.memory_space<hbm>>) target(%dma_start3A_447 : memref<80x64xf32, #tpu.memory_space<vmem>>) offsets(%dma_start3A_450 : memref<80xi32, #tpu.memory_space<vmem>>) semaphore(%arg20 : memref<!tpu.dma_semaphore, #tpu.memory_space<semaphore_mem>>)
        %add3A_454 = arith.addi %mul3A_2, %add3A_442 : i32
        %min3A_455 = arith.constant 3999 : i32
        %min3A_456 = arith.minsi %add3A_454, %min3A_455 : i32
        %dma_start3A_457 = arith.constant 2 : i32
        %dma_start3A_458 = arith.constant 0 : i32
        %dma_start3A_459 = arith.constant 0 : i32
        %dma_start3A_460 = tpu.memref_slice %arg16[%dma_start3A_457, %dma_start3A_458, %dma_start3A_459] : memref<4x80x16xf32, #tpu.memory_space<vmem>> -> memref<1x80x16xf32, #tpu.memory_space<vmem>>
        %dma_start3A_461 = tpu.memref_squeeze %dma_start3A_460 : memref<1x80x16xf32, #tpu.memory_space<vmem>> -> memref<80x16xf32, #tpu.memory_space<vmem>>
        %dma_start3A_462 = arith.constant 0 : i32
        %dma_start3A_463 = arith.constant 0 : i32
        %dma_start3A_464 = tpu.memref_slice %arg5[%min3A_456, %dma_start3A_462, %dma_start3A_463] : memref<4000x80x16xf32, #tpu.memory_space<hbm>> -> memref<1x80x16xf32, #tpu.memory_space<hbm>>
        %dma_start3A_465 = tpu.memref_squeeze %dma_start3A_464 : memref<1x80x16xf32, #tpu.memory_space<hbm>> -> memref<80x16xf32, #tpu.memory_space<hbm>>
        %dma_start3A_466 = arith.constant 0 : i32
        %dma_start3A_467 = arith.constant 0 : i32
        %dma_start3A_468 = tpu.memref_slice %arg16[%dma_start3A_457, %dma_start3A_466, %dma_start3A_467] : memref<4x80x16xf32, #tpu.memory_space<vmem>> -> memref<1x80x16xf32, #tpu.memory_space<vmem>>
        %dma_start3A_469 = tpu.memref_squeeze %dma_start3A_468 : memref<1x80x16xf32, #tpu.memory_space<vmem>> -> memref<80x16xf32, #tpu.memory_space<vmem>>
        %dma_start3A_470 = arith.constant 0 : i32
        %dma_start3A_471 = arith.constant 0 : i32
        %dma_start3A_472 = tpu.memref_slice %arg5[%min3A_456, %dma_start3A_470, %dma_start3A_471] : memref<4000x80x16xf32, #tpu.memory_space<hbm>> -> memref<1x80x16xf32, #tpu.memory_space<hbm>>
        %dma_start3A_473 = tpu.memref_squeeze %dma_start3A_472 : memref<1x80x16xf32, #tpu.memory_space<hbm>> -> memref<80x16xf32, #tpu.memory_space<hbm>>
        tpu.enqueue_dma source(%dma_start3A_473 : memref<80x16xf32, #tpu.memory_space<hbm>>) target(%dma_start3A_469 : memref<80x16xf32, #tpu.memory_space<vmem>>) target_semaphore(%arg20 : memref<!tpu.dma_semaphore, #tpu.memory_space<semaphore_mem>>)
      } else {
      }
      %mul3A_216 = arith.constant 4 : i32
      %mul3A_217 = arith.muli %scan3A_144, %mul3A_216 : i32
      %add3A_218 = arith.constant 1 : i32
      %add3A_219 = arith.addi %mul3A_217, %add3A_218 : i32
      %dma_wait3A_220 = arith.constant 1 : i32
      %dma_wait3A_221 = arith.constant 0 : i32
      %dma_wait3A_222 = arith.constant 0 : i32
      %dma_wait3A_223 = tpu.memref_slice %arg15[%dma_wait3A_220, %dma_wait3A_221, %dma_wait3A_222] : memref<4x80x64xf32, #tpu.memory_space<vmem>> -> memref<1x80x64xf32, #tpu.memory_space<vmem>>
      %dma_wait3A_224 = tpu.memref_squeeze %dma_wait3A_223 : memref<1x80x64xf32, #tpu.memory_space<vmem>> -> memref<80x64xf32, #tpu.memory_space<vmem>>
      %dma_wait3A_225 = arith.constant 0 : i32
      %dma_wait3A_226 = tpu.memref_slice %arg12[%add3A_219, %dma_wait3A_225] : memref<128x80xi32, #tpu.memory_space<vmem>> -> memref<1x80xi32, #tpu.memory_space<vmem>>
      %dma_wait3A_227 = tpu.memref_squeeze %dma_wait3A_226 : memref<1x80xi32, #tpu.memory_space<vmem>> -> memref<80xi32, #tpu.memory_space<vmem>>
      %dma_wait3A_228 = arith.constant 0 : i32
      %dma_wait3A_229 = arith.constant 0 : i32
      %dma_wait3A_230 = tpu.memref_slice %arg7[%dma_wait3A_228, %dma_wait3A_229] : memref<10000x64xf32, #tpu.memory_space<hbm>> -> memref<10000x64xf32, #tpu.memory_space<hbm>>
      tpu.wait_indirect_dma semaphore(%arg19 : memref<!tpu.dma_semaphore, #tpu.memory_space<semaphore_mem>>) src(%dma_wait3A_230 : memref<10000x64xf32, #tpu.memory_space<hbm>>) dst(%dma_wait3A_224 : memref<80x64xf32, #tpu.memory_space<vmem>>)
      %add3A_231 = arith.addi %mul3A_2, %add3A_219 : i32
      %min3A_232 = arith.constant 3999 : i32
      %min3A_233 = arith.minsi %add3A_231, %min3A_232 : i32
      %dma_wait3A_234 = arith.constant 1 : i32
      %dma_wait3A_235 = arith.constant 0 : i32
      %dma_wait3A_236 = arith.constant 0 : i32
      %dma_wait3A_237 = tpu.memref_slice %arg16[%dma_wait3A_234, %dma_wait3A_235, %dma_wait3A_236] : memref<4x80x16xf32, #tpu.memory_space<vmem>> -> memref<1x80x16xf32, #tpu.memory_space<vmem>>
      %dma_wait3A_238 = tpu.memref_squeeze %dma_wait3A_237 : memref<1x80x16xf32, #tpu.memory_space<vmem>> -> memref<80x16xf32, #tpu.memory_space<vmem>>
      %dma_wait3A_239 = arith.constant 0 : i32
      %dma_wait3A_240 = arith.constant 0 : i32
      %dma_wait3A_241 = tpu.memref_slice %arg5[%min3A_233, %dma_wait3A_239, %dma_wait3A_240] : memref<4000x80x16xf32, #tpu.memory_space<hbm>> -> memref<1x80x16xf32, #tpu.memory_space<hbm>>
      %dma_wait3A_242 = tpu.memref_squeeze %dma_wait3A_241 : memref<1x80x16xf32, #tpu.memory_space<hbm>> -> memref<80x16xf32, #tpu.memory_space<hbm>>
      %dma_wait3A_243 = arith.constant 0 : i32
      %dma_wait3A_244 = arith.constant 0 : i32
      %dma_wait3A_245 = tpu.memref_slice %arg16[%dma_wait3A_234, %dma_wait3A_243, %dma_wait3A_244] : memref<4x80x16xf32, #tpu.memory_space<vmem>> -> memref<1x80x16xf32, #tpu.memory_space<vmem>>
      %dma_wait3A_246 = tpu.memref_squeeze %dma_wait3A_245 : memref<1x80x16xf32, #tpu.memory_space<vmem>> -> memref<80x16xf32, #tpu.memory_space<vmem>>
      %dma_wait3A_247 = arith.constant 0 : i32
      %dma_wait3A_248 = arith.constant 0 : i32
      %dma_wait3A_249 = tpu.memref_slice %arg5[%min3A_233, %dma_wait3A_247, %dma_wait3A_248] : memref<4000x80x16xf32, #tpu.memory_space<hbm>> -> memref<1x80x16xf32, #tpu.memory_space<hbm>>
      %dma_wait3A_250 = tpu.memref_squeeze %dma_wait3A_249 : memref<1x80x16xf32, #tpu.memory_space<hbm>> -> memref<80x16xf32, #tpu.memory_space<hbm>>
      tpu.wait_dma2 semaphore(%arg19 : memref<!tpu.dma_semaphore, #tpu.memory_space<semaphore_mem>>) src(%dma_wait3A_250 : memref<80x16xf32, #tpu.memory_space<hbm>>) dst(%dma_wait3A_246 : memref<80x16xf32, #tpu.memory_space<vmem>>)
      %dma_start3A_251 = arith.constant 1 : i32
      %dma_start3A_252 = arith.constant 0 : i32
      %dma_start3A_253 = arith.constant 0 : i32
      %dma_start3A_254 = tpu.memref_slice %arg15[%dma_start3A_251, %dma_start3A_252, %dma_start3A_253] : memref<4x80x64xf32, #tpu.memory_space<vmem>> -> memref<1x80x64xf32, #tpu.memory_space<vmem>>
      %dma_start3A_255 = tpu.memref_squeeze %dma_start3A_254 : memref<1x80x64xf32, #tpu.memory_space<vmem>> -> memref<80x64xf32, #tpu.memory_space<vmem>>
      %dma_start3A_256 = arith.constant 0 : i32
      %dma_start3A_257 = tpu.memref_slice %arg13[%add3A_219, %dma_start3A_256] : memref<128x80xi32, #tpu.memory_space<vmem>> -> memref<1x80xi32, #tpu.memory_space<vmem>>
      %dma_start3A_258 = tpu.memref_squeeze %dma_start3A_257 : memref<1x80xi32, #tpu.memory_space<vmem>> -> memref<80xi32, #tpu.memory_space<vmem>>
      %dma_start3A_259 = arith.constant 0 : i32
      %dma_start3A_260 = arith.constant 0 : i32
      %dma_start3A_261 = tpu.memref_slice %arg26[%dma_start3A_259, %dma_start3A_260] : memref<10112x64xf32, #tpu.memory_space<vmem_shared>> -> memref<10112x64xf32, #tpu.memory_space<vmem_shared>>
      tpu.enqueue_indirect_dma source(%dma_start3A_255 : memref<80x64xf32, #tpu.memory_space<vmem>>) target(%dma_start3A_261 : memref<10112x64xf32, #tpu.memory_space<vmem_shared>>) offsets(%dma_start3A_258 : memref<80xi32, #tpu.memory_space<vmem>>) semaphore(%arg23 : memref<!tpu.dma_semaphore, #tpu.memory_space<semaphore_mem>>) {add = true}
      %dma_start3A_262 = arith.constant 1 : i32
      %dma_start3A_263 = arith.constant 0 : i32
      %dma_start3A_264 = arith.constant 0 : i32
      %dma_start3A_265 = tpu.memref_slice %arg16[%dma_start3A_262, %dma_start3A_263, %dma_start3A_264] : memref<4x80x16xf32, #tpu.memory_space<vmem>> -> memref<1x80x16xf32, #tpu.memory_space<vmem>>
      %dma_start3A_266 = tpu.memref_squeeze %dma_start3A_265 : memref<1x80x16xf32, #tpu.memory_space<vmem>> -> memref<80x16xf32, #tpu.memory_space<vmem>>
      %dma_start3A_267 = arith.constant 0 : i32
      %dma_start3A_268 = tpu.memref_slice %arg13[%add3A_219, %dma_start3A_267] : memref<128x80xi32, #tpu.memory_space<vmem>> -> memref<1x80xi32, #tpu.memory_space<vmem>>
      %dma_start3A_269 = tpu.memref_squeeze %dma_start3A_268 : memref<1x80xi32, #tpu.memory_space<vmem>> -> memref<80xi32, #tpu.memory_space<vmem>>
      %dma_start3A_270 = arith.constant 0 : i32
      %dma_start3A_271 = arith.constant 0 : i32
      %dma_start3A_272 = tpu.memref_slice %arg27[%dma_start3A_270, %dma_start3A_271] : memref<20224x16xf32, #tpu.memory_space<vmem_shared>> -> memref<20224x16xf32, #tpu.memory_space<vmem_shared>>
      tpu.enqueue_indirect_dma source(%dma_start3A_266 : memref<80x16xf32, #tpu.memory_space<vmem>>) target(%dma_start3A_272 : memref<20224x16xf32, #tpu.memory_space<vmem_shared>>) offsets(%dma_start3A_269 : memref<80xi32, #tpu.memory_space<vmem>>) semaphore(%arg23 : memref<!tpu.dma_semaphore, #tpu.memory_space<semaphore_mem>>) {add = true}
      %dma_start3A_273 = arith.constant 0 : i32
      %dma_start3A_274 = tpu.memref_slice %arg14[%add3A_219, %dma_start3A_273] : memref<128x80xi32, #tpu.memory_space<vmem>> -> memref<1x80xi32, #tpu.memory_space<vmem>>
      %dma_start3A_275 = tpu.memref_squeeze %dma_start3A_274 : memref<1x80xi32, #tpu.memory_space<vmem>> -> memref<80xi32, #tpu.memory_space<vmem>>
      %dma_start3A_276 = arith.constant 0 : i32
      %dma_start3A_277 = arith.constant 0 : i32
      %dma_start3A_278 = tpu.memref_slice %arg27[%dma_start3A_276, %dma_start3A_277] : memref<20224x16xf32, #tpu.memory_space<vmem_shared>> -> memref<20224x16xf32, #tpu.memory_space<vmem_shared>>
      tpu.enqueue_indirect_dma source(%arg17 : memref<80x16xf32, #tpu.memory_space<vmem>>) target(%dma_start3A_278 : memref<20224x16xf32, #tpu.memory_space<vmem_shared>>) offsets(%dma_start3A_275 : memref<80xi32, #tpu.memory_space<vmem>>) semaphore(%arg23 : memref<!tpu.dma_semaphore, #tpu.memory_space<semaphore_mem>>) {add = true}
      %ge3A_279 = arith.constant 2 : i32
      %ge3A_280 = arith.cmpi sge, %add3A_219, %ge3A_279 : i32
      %convert_element_type3A_281 = arith.extui %ge3A_280 : i1 to i32
      %cond3A_282 = arith.constant 0 : i32
      %cond3A_283 = arith.cmpi ne, %convert_element_type3A_281, %cond3A_282 : i32
      scf.if %cond3A_283 {
        %sub3A = arith.constant 2 : i32
        %sub3A_441 = arith.subi %add3A_219, %sub3A : i32
        %dma_wait3A_442 = arith.constant 3 : i32
        %dma_wait3A_443 = arith.constant 0 : i32
        %dma_wait3A_444 = arith.constant 0 : i32
        %dma_wait3A_445 = tpu.memref_slice %arg15[%dma_wait3A_442, %dma_wait3A_443, %dma_wait3A_444] : memref<4x80x64xf32, #tpu.memory_space<vmem>> -> memref<1x80x64xf32, #tpu.memory_space<vmem>>
        %dma_wait3A_446 = tpu.memref_squeeze %dma_wait3A_445 : memref<1x80x64xf32, #tpu.memory_space<vmem>> -> memref<80x64xf32, #tpu.memory_space<vmem>>
        %dma_wait3A_447 = arith.constant 0 : i32
        %dma_wait3A_448 = tpu.memref_slice %arg13[%sub3A_441, %dma_wait3A_447] : memref<128x80xi32, #tpu.memory_space<vmem>> -> memref<1x80xi32, #tpu.memory_space<vmem>>
        %dma_wait3A_449 = tpu.memref_squeeze %dma_wait3A_448 : memref<1x80xi32, #tpu.memory_space<vmem>> -> memref<80xi32, #tpu.memory_space<vmem>>
        %dma_wait3A_450 = arith.constant 0 : i32
        %dma_wait3A_451 = arith.constant 0 : i32
        %dma_wait3A_452 = tpu.memref_slice %arg26[%dma_wait3A_450, %dma_wait3A_451] : memref<10112x64xf32, #tpu.memory_space<vmem_shared>> -> memref<10112x64xf32, #tpu.memory_space<vmem_shared>>
        tpu.wait_indirect_dma semaphore(%arg25 : memref<!tpu.dma_semaphore, #tpu.memory_space<semaphore_mem>>) src(%dma_wait3A_446 : memref<80x64xf32, #tpu.memory_space<vmem>>) dst(%dma_wait3A_452 : memref<10112x64xf32, #tpu.memory_space<vmem_shared>>)
        %dma_wait3A_453 = arith.constant 3 : i32
        %dma_wait3A_454 = arith.constant 0 : i32
        %dma_wait3A_455 = arith.constant 0 : i32
        %dma_wait3A_456 = tpu.memref_slice %arg16[%dma_wait3A_453, %dma_wait3A_454, %dma_wait3A_455] : memref<4x80x16xf32, #tpu.memory_space<vmem>> -> memref<1x80x16xf32, #tpu.memory_space<vmem>>
        %dma_wait3A_457 = tpu.memref_squeeze %dma_wait3A_456 : memref<1x80x16xf32, #tpu.memory_space<vmem>> -> memref<80x16xf32, #tpu.memory_space<vmem>>
        %dma_wait3A_458 = arith.constant 0 : i32
        %dma_wait3A_459 = tpu.memref_slice %arg13[%sub3A_441, %dma_wait3A_458] : memref<128x80xi32, #tpu.memory_space<vmem>> -> memref<1x80xi32, #tpu.memory_space<vmem>>
        %dma_wait3A_460 = tpu.memref_squeeze %dma_wait3A_459 : memref<1x80xi32, #tpu.memory_space<vmem>> -> memref<80xi32, #tpu.memory_space<vmem>>
        %dma_wait3A_461 = arith.constant 0 : i32
        %dma_wait3A_462 = arith.constant 0 : i32
        %dma_wait3A_463 = tpu.memref_slice %arg27[%dma_wait3A_461, %dma_wait3A_462] : memref<20224x16xf32, #tpu.memory_space<vmem_shared>> -> memref<20224x16xf32, #tpu.memory_space<vmem_shared>>
        tpu.wait_indirect_dma semaphore(%arg25 : memref<!tpu.dma_semaphore, #tpu.memory_space<semaphore_mem>>) src(%dma_wait3A_457 : memref<80x16xf32, #tpu.memory_space<vmem>>) dst(%dma_wait3A_463 : memref<20224x16xf32, #tpu.memory_space<vmem_shared>>)
        %dma_wait3A_464 = arith.constant 0 : i32
        %dma_wait3A_465 = tpu.memref_slice %arg14[%sub3A_441, %dma_wait3A_464] : memref<128x80xi32, #tpu.memory_space<vmem>> -> memref<1x80xi32, #tpu.memory_space<vmem>>
        %dma_wait3A_466 = tpu.memref_squeeze %dma_wait3A_465 : memref<1x80xi32, #tpu.memory_space<vmem>> -> memref<80xi32, #tpu.memory_space<vmem>>
        %dma_wait3A_467 = arith.constant 0 : i32
        %dma_wait3A_468 = arith.constant 0 : i32
        %dma_wait3A_469 = tpu.memref_slice %arg27[%dma_wait3A_467, %dma_wait3A_468] : memref<20224x16xf32, #tpu.memory_space<vmem_shared>> -> memref<20224x16xf32, #tpu.memory_space<vmem_shared>>
        tpu.wait_indirect_dma semaphore(%arg25 : memref<!tpu.dma_semaphore, #tpu.memory_space<semaphore_mem>>) src(%arg17 : memref<80x16xf32, #tpu.memory_space<vmem>>) dst(%dma_wait3A_469 : memref<20224x16xf32, #tpu.memory_space<vmem_shared>>)
      } else {
      }
      %add3A_284 = arith.constant 2 : i32
      %add3A_285 = arith.addi %add3A_219, %add3A_284 : i32
      %lt3A_286 = arith.constant 128 : i32
      %lt3A_287 = arith.cmpi slt, %add3A_285, %lt3A_286 : i32
      %convert_element_type3A_288 = arith.extui %lt3A_287 : i1 to i32
      %cond3A_289 = arith.constant 0 : i32
      %cond3A_290 = arith.cmpi ne, %convert_element_type3A_288, %cond3A_289 : i32
      scf.if %cond3A_290 {
        %add3A_441 = arith.constant 2 : i32
        %add3A_442 = arith.addi %add3A_219, %add3A_441 : i32
        %dma_start3A_443 = arith.constant 3 : i32
        %dma_start3A_444 = arith.constant 0 : i32
        %dma_start3A_445 = arith.constant 0 : i32
        %dma_start3A_446 = tpu.memref_slice %arg15[%dma_start3A_443, %dma_start3A_444, %dma_start3A_445] : memref<4x80x64xf32, #tpu.memory_space<vmem>> -> memref<1x80x64xf32, #tpu.memory_space<vmem>>
        %dma_start3A_447 = tpu.memref_squeeze %dma_start3A_446 : memref<1x80x64xf32, #tpu.memory_space<vmem>> -> memref<80x64xf32, #tpu.memory_space<vmem>>
        %dma_start3A_448 = arith.constant 0 : i32
        %dma_start3A_449 = tpu.memref_slice %arg12[%add3A_442, %dma_start3A_448] : memref<128x80xi32, #tpu.memory_space<vmem>> -> memref<1x80xi32, #tpu.memory_space<vmem>>
        %dma_start3A_450 = tpu.memref_squeeze %dma_start3A_449 : memref<1x80xi32, #tpu.memory_space<vmem>> -> memref<80xi32, #tpu.memory_space<vmem>>
        %dma_start3A_451 = arith.constant 0 : i32
        %dma_start3A_452 = arith.constant 0 : i32
        %dma_start3A_453 = tpu.memref_slice %arg7[%dma_start3A_451, %dma_start3A_452] : memref<10000x64xf32, #tpu.memory_space<hbm>> -> memref<10000x64xf32, #tpu.memory_space<hbm>>
        tpu.enqueue_indirect_dma source(%dma_start3A_453 : memref<10000x64xf32, #tpu.memory_space<hbm>>) target(%dma_start3A_447 : memref<80x64xf32, #tpu.memory_space<vmem>>) offsets(%dma_start3A_450 : memref<80xi32, #tpu.memory_space<vmem>>) semaphore(%arg21 : memref<!tpu.dma_semaphore, #tpu.memory_space<semaphore_mem>>)
        %add3A_454 = arith.addi %mul3A_2, %add3A_442 : i32
        %min3A_455 = arith.constant 3999 : i32
        %min3A_456 = arith.minsi %add3A_454, %min3A_455 : i32
        %dma_start3A_457 = arith.constant 3 : i32
        %dma_start3A_458 = arith.constant 0 : i32
        %dma_start3A_459 = arith.constant 0 : i32
        %dma_start3A_460 = tpu.memref_slice %arg16[%dma_start3A_457, %dma_start3A_458, %dma_start3A_459] : memref<4x80x16xf32, #tpu.memory_space<vmem>> -> memref<1x80x16xf32, #tpu.memory_space<vmem>>
        %dma_start3A_461 = tpu.memref_squeeze %dma_start3A_460 : memref<1x80x16xf32, #tpu.memory_space<vmem>> -> memref<80x16xf32, #tpu.memory_space<vmem>>
        %dma_start3A_462 = arith.constant 0 : i32
        %dma_start3A_463 = arith.constant 0 : i32
        %dma_start3A_464 = tpu.memref_slice %arg5[%min3A_456, %dma_start3A_462, %dma_start3A_463] : memref<4000x80x16xf32, #tpu.memory_space<hbm>> -> memref<1x80x16xf32, #tpu.memory_space<hbm>>
        %dma_start3A_465 = tpu.memref_squeeze %dma_start3A_464 : memref<1x80x16xf32, #tpu.memory_space<hbm>> -> memref<80x16xf32, #tpu.memory_space<hbm>>
        %dma_start3A_466 = arith.constant 0 : i32
        %dma_start3A_467 = arith.constant 0 : i32
        %dma_start3A_468 = tpu.memref_slice %arg16[%dma_start3A_457, %dma_start3A_466, %dma_start3A_467] : memref<4x80x16xf32, #tpu.memory_space<vmem>> -> memref<1x80x16xf32, #tpu.memory_space<vmem>>
        %dma_start3A_469 = tpu.memref_squeeze %dma_start3A_468 : memref<1x80x16xf32, #tpu.memory_space<vmem>> -> memref<80x16xf32, #tpu.memory_space<vmem>>
        %dma_start3A_470 = arith.constant 0 : i32
        %dma_start3A_471 = arith.constant 0 : i32
        %dma_start3A_472 = tpu.memref_slice %arg5[%min3A_456, %dma_start3A_470, %dma_start3A_471] : memref<4000x80x16xf32, #tpu.memory_space<hbm>> -> memref<1x80x16xf32, #tpu.memory_space<hbm>>
        %dma_start3A_473 = tpu.memref_squeeze %dma_start3A_472 : memref<1x80x16xf32, #tpu.memory_space<hbm>> -> memref<80x16xf32, #tpu.memory_space<hbm>>
        tpu.enqueue_dma source(%dma_start3A_473 : memref<80x16xf32, #tpu.memory_space<hbm>>) target(%dma_start3A_469 : memref<80x16xf32, #tpu.memory_space<vmem>>) target_semaphore(%arg21 : memref<!tpu.dma_semaphore, #tpu.memory_space<semaphore_mem>>)
      } else {
      }
      %mul3A_291 = arith.constant 4 : i32
      %mul3A_292 = arith.muli %scan3A_144, %mul3A_291 : i32
      %add3A_293 = arith.constant 2 : i32
      %add3A_294 = arith.addi %mul3A_292, %add3A_293 : i32
      %dma_wait3A_295 = arith.constant 2 : i32
      %dma_wait3A_296 = arith.constant 0 : i32
      %dma_wait3A_297 = arith.constant 0 : i32
      %dma_wait3A_298 = tpu.memref_slice %arg15[%dma_wait3A_295, %dma_wait3A_296, %dma_wait3A_297] : memref<4x80x64xf32, #tpu.memory_space<vmem>> -> memref<1x80x64xf32, #tpu.memory_space<vmem>>
      %dma_wait3A_299 = tpu.memref_squeeze %dma_wait3A_298 : memref<1x80x64xf32, #tpu.memory_space<vmem>> -> memref<80x64xf32, #tpu.memory_space<vmem>>
      %dma_wait3A_300 = arith.constant 0 : i32
      %dma_wait3A_301 = tpu.memref_slice %arg12[%add3A_294, %dma_wait3A_300] : memref<128x80xi32, #tpu.memory_space<vmem>> -> memref<1x80xi32, #tpu.memory_space<vmem>>
      %dma_wait3A_302 = tpu.memref_squeeze %dma_wait3A_301 : memref<1x80xi32, #tpu.memory_space<vmem>> -> memref<80xi32, #tpu.memory_space<vmem>>
      %dma_wait3A_303 = arith.constant 0 : i32
      %dma_wait3A_304 = arith.constant 0 : i32
      %dma_wait3A_305 = tpu.memref_slice %arg7[%dma_wait3A_303, %dma_wait3A_304] : memref<10000x64xf32, #tpu.memory_space<hbm>> -> memref<10000x64xf32, #tpu.memory_space<hbm>>
      tpu.wait_indirect_dma semaphore(%arg20 : memref<!tpu.dma_semaphore, #tpu.memory_space<semaphore_mem>>) src(%dma_wait3A_305 : memref<10000x64xf32, #tpu.memory_space<hbm>>) dst(%dma_wait3A_299 : memref<80x64xf32, #tpu.memory_space<vmem>>)
      %add3A_306 = arith.addi %mul3A_2, %add3A_294 : i32
      %min3A_307 = arith.constant 3999 : i32
      %min3A_308 = arith.minsi %add3A_306, %min3A_307 : i32
      %dma_wait3A_309 = arith.constant 2 : i32
      %dma_wait3A_310 = arith.constant 0 : i32
      %dma_wait3A_311 = arith.constant 0 : i32
      %dma_wait3A_312 = tpu.memref_slice %arg16[%dma_wait3A_309, %dma_wait3A_310, %dma_wait3A_311] : memref<4x80x16xf32, #tpu.memory_space<vmem>> -> memref<1x80x16xf32, #tpu.memory_space<vmem>>
      %dma_wait3A_313 = tpu.memref_squeeze %dma_wait3A_312 : memref<1x80x16xf32, #tpu.memory_space<vmem>> -> memref<80x16xf32, #tpu.memory_space<vmem>>
      %dma_wait3A_314 = arith.constant 0 : i32
      %dma_wait3A_315 = arith.constant 0 : i32
      %dma_wait3A_316 = tpu.memref_slice %arg5[%min3A_308, %dma_wait3A_314, %dma_wait3A_315] : memref<4000x80x16xf32, #tpu.memory_space<hbm>> -> memref<1x80x16xf32, #tpu.memory_space<hbm>>
      %dma_wait3A_317 = tpu.memref_squeeze %dma_wait3A_316 : memref<1x80x16xf32, #tpu.memory_space<hbm>> -> memref<80x16xf32, #tpu.memory_space<hbm>>
      %dma_wait3A_318 = arith.constant 0 : i32
      %dma_wait3A_319 = arith.constant 0 : i32
      %dma_wait3A_320 = tpu.memref_slice %arg16[%dma_wait3A_309, %dma_wait3A_318, %dma_wait3A_319] : memref<4x80x16xf32, #tpu.memory_space<vmem>> -> memref<1x80x16xf32, #tpu.memory_space<vmem>>
      %dma_wait3A_321 = tpu.memref_squeeze %dma_wait3A_320 : memref<1x80x16xf32, #tpu.memory_space<vmem>> -> memref<80x16xf32, #tpu.memory_space<vmem>>
      %dma_wait3A_322 = arith.constant 0 : i32
      %dma_wait3A_323 = arith.constant 0 : i32
      %dma_wait3A_324 = tpu.memref_slice %arg5[%min3A_308, %dma_wait3A_322, %dma_wait3A_323] : memref<4000x80x16xf32, #tpu.memory_space<hbm>> -> memref<1x80x16xf32, #tpu.memory_space<hbm>>
      %dma_wait3A_325 = tpu.memref_squeeze %dma_wait3A_324 : memref<1x80x16xf32, #tpu.memory_space<hbm>> -> memref<80x16xf32, #tpu.memory_space<hbm>>
      tpu.wait_dma2 semaphore(%arg20 : memref<!tpu.dma_semaphore, #tpu.memory_space<semaphore_mem>>) src(%dma_wait3A_325 : memref<80x16xf32, #tpu.memory_space<hbm>>) dst(%dma_wait3A_321 : memref<80x16xf32, #tpu.memory_space<vmem>>)
      %dma_start3A_326 = arith.constant 2 : i32
      %dma_start3A_327 = arith.constant 0 : i32
      %dma_start3A_328 = arith.constant 0 : i32
      %dma_start3A_329 = tpu.memref_slice %arg15[%dma_start3A_326, %dma_start3A_327, %dma_start3A_328] : memref<4x80x64xf32, #tpu.memory_space<vmem>> -> memref<1x80x64xf32, #tpu.memory_space<vmem>>
      %dma_start3A_330 = tpu.memref_squeeze %dma_start3A_329 : memref<1x80x64xf32, #tpu.memory_space<vmem>> -> memref<80x64xf32, #tpu.memory_space<vmem>>
      %dma_start3A_331 = arith.constant 0 : i32
      %dma_start3A_332 = tpu.memref_slice %arg13[%add3A_294, %dma_start3A_331] : memref<128x80xi32, #tpu.memory_space<vmem>> -> memref<1x80xi32, #tpu.memory_space<vmem>>
      %dma_start3A_333 = tpu.memref_squeeze %dma_start3A_332 : memref<1x80xi32, #tpu.memory_space<vmem>> -> memref<80xi32, #tpu.memory_space<vmem>>
      %dma_start3A_334 = arith.constant 0 : i32
      %dma_start3A_335 = arith.constant 0 : i32
      %dma_start3A_336 = tpu.memref_slice %arg26[%dma_start3A_334, %dma_start3A_335] : memref<10112x64xf32, #tpu.memory_space<vmem_shared>> -> memref<10112x64xf32, #tpu.memory_space<vmem_shared>>
      tpu.enqueue_indirect_dma source(%dma_start3A_330 : memref<80x64xf32, #tpu.memory_space<vmem>>) target(%dma_start3A_336 : memref<10112x64xf32, #tpu.memory_space<vmem_shared>>) offsets(%dma_start3A_333 : memref<80xi32, #tpu.memory_space<vmem>>) semaphore(%arg24 : memref<!tpu.dma_semaphore, #tpu.memory_space<semaphore_mem>>) {add = true}
      %dma_start3A_337 = arith.constant 2 : i32
      %dma_start3A_338 = arith.constant 0 : i32
      %dma_start3A_339 = arith.constant 0 : i32
      %dma_start3A_340 = tpu.memref_slice %arg16[%dma_start3A_337, %dma_start3A_338, %dma_start3A_339] : memref<4x80x16xf32, #tpu.memory_space<vmem>> -> memref<1x80x16xf32, #tpu.memory_space<vmem>>
      %dma_start3A_341 = tpu.memref_squeeze %dma_start3A_340 : memref<1x80x16xf32, #tpu.memory_space<vmem>> -> memref<80x16xf32, #tpu.memory_space<vmem>>
      %dma_start3A_342 = arith.constant 0 : i32
      %dma_start3A_343 = tpu.memref_slice %arg13[%add3A_294, %dma_start3A_342] : memref<128x80xi32, #tpu.memory_space<vmem>> -> memref<1x80xi32, #tpu.memory_space<vmem>>
      %dma_start3A_344 = tpu.memref_squeeze %dma_start3A_343 : memref<1x80xi32, #tpu.memory_space<vmem>> -> memref<80xi32, #tpu.memory_space<vmem>>
      %dma_start3A_345 = arith.constant 0 : i32
      %dma_start3A_346 = arith.constant 0 : i32
      %dma_start3A_347 = tpu.memref_slice %arg27[%dma_start3A_345, %dma_start3A_346] : memref<20224x16xf32, #tpu.memory_space<vmem_shared>> -> memref<20224x16xf32, #tpu.memory_space<vmem_shared>>
      tpu.enqueue_indirect_dma source(%dma_start3A_341 : memref<80x16xf32, #tpu.memory_space<vmem>>) target(%dma_start3A_347 : memref<20224x16xf32, #tpu.memory_space<vmem_shared>>) offsets(%dma_start3A_344 : memref<80xi32, #tpu.memory_space<vmem>>) semaphore(%arg24 : memref<!tpu.dma_semaphore, #tpu.memory_space<semaphore_mem>>) {add = true}
      %dma_start3A_348 = arith.constant 0 : i32
      %dma_start3A_349 = tpu.memref_slice %arg14[%add3A_294, %dma_start3A_348] : memref<128x80xi32, #tpu.memory_space<vmem>> -> memref<1x80xi32, #tpu.memory_space<vmem>>
      %dma_start3A_350 = tpu.memref_squeeze %dma_start3A_349 : memref<1x80xi32, #tpu.memory_space<vmem>> -> memref<80xi32, #tpu.memory_space<vmem>>
      %dma_start3A_351 = arith.constant 0 : i32
      %dma_start3A_352 = arith.constant 0 : i32
      %dma_start3A_353 = tpu.memref_slice %arg27[%dma_start3A_351, %dma_start3A_352] : memref<20224x16xf32, #tpu.memory_space<vmem_shared>> -> memref<20224x16xf32, #tpu.memory_space<vmem_shared>>
      tpu.enqueue_indirect_dma source(%arg17 : memref<80x16xf32, #tpu.memory_space<vmem>>) target(%dma_start3A_353 : memref<20224x16xf32, #tpu.memory_space<vmem_shared>>) offsets(%dma_start3A_350 : memref<80xi32, #tpu.memory_space<vmem>>) semaphore(%arg24 : memref<!tpu.dma_semaphore, #tpu.memory_space<semaphore_mem>>) {add = true}
      %ge3A_354 = arith.constant 2 : i32
      %ge3A_355 = arith.cmpi sge, %add3A_294, %ge3A_354 : i32
      %convert_element_type3A_356 = arith.extui %ge3A_355 : i1 to i32
      %cond3A_357 = arith.constant 0 : i32
      %cond3A_358 = arith.cmpi ne, %convert_element_type3A_356, %cond3A_357 : i32
      scf.if %cond3A_358 {
        %sub3A = arith.constant 2 : i32
        %sub3A_441 = arith.subi %add3A_294, %sub3A : i32
        %dma_wait3A_442 = arith.constant 0 : i32
        %dma_wait3A_443 = arith.constant 0 : i32
        %dma_wait3A_444 = arith.constant 0 : i32
        %dma_wait3A_445 = tpu.memref_slice %arg15[%dma_wait3A_442, %dma_wait3A_443, %dma_wait3A_444] : memref<4x80x64xf32, #tpu.memory_space<vmem>> -> memref<1x80x64xf32, #tpu.memory_space<vmem>>
        %dma_wait3A_446 = tpu.memref_squeeze %dma_wait3A_445 : memref<1x80x64xf32, #tpu.memory_space<vmem>> -> memref<80x64xf32, #tpu.memory_space<vmem>>
        %dma_wait3A_447 = arith.constant 0 : i32
        %dma_wait3A_448 = tpu.memref_slice %arg13[%sub3A_441, %dma_wait3A_447] : memref<128x80xi32, #tpu.memory_space<vmem>> -> memref<1x80xi32, #tpu.memory_space<vmem>>
        %dma_wait3A_449 = tpu.memref_squeeze %dma_wait3A_448 : memref<1x80xi32, #tpu.memory_space<vmem>> -> memref<80xi32, #tpu.memory_space<vmem>>
        %dma_wait3A_450 = arith.constant 0 : i32
        %dma_wait3A_451 = arith.constant 0 : i32
        %dma_wait3A_452 = tpu.memref_slice %arg26[%dma_wait3A_450, %dma_wait3A_451] : memref<10112x64xf32, #tpu.memory_space<vmem_shared>> -> memref<10112x64xf32, #tpu.memory_space<vmem_shared>>
        tpu.wait_indirect_dma semaphore(%arg22 : memref<!tpu.dma_semaphore, #tpu.memory_space<semaphore_mem>>) src(%dma_wait3A_446 : memref<80x64xf32, #tpu.memory_space<vmem>>) dst(%dma_wait3A_452 : memref<10112x64xf32, #tpu.memory_space<vmem_shared>>)
        %dma_wait3A_453 = arith.constant 0 : i32
        %dma_wait3A_454 = arith.constant 0 : i32
        %dma_wait3A_455 = arith.constant 0 : i32
        %dma_wait3A_456 = tpu.memref_slice %arg16[%dma_wait3A_453, %dma_wait3A_454, %dma_wait3A_455] : memref<4x80x16xf32, #tpu.memory_space<vmem>> -> memref<1x80x16xf32, #tpu.memory_space<vmem>>
        %dma_wait3A_457 = tpu.memref_squeeze %dma_wait3A_456 : memref<1x80x16xf32, #tpu.memory_space<vmem>> -> memref<80x16xf32, #tpu.memory_space<vmem>>
        %dma_wait3A_458 = arith.constant 0 : i32
        %dma_wait3A_459 = tpu.memref_slice %arg13[%sub3A_441, %dma_wait3A_458] : memref<128x80xi32, #tpu.memory_space<vmem>> -> memref<1x80xi32, #tpu.memory_space<vmem>>
        %dma_wait3A_460 = tpu.memref_squeeze %dma_wait3A_459 : memref<1x80xi32, #tpu.memory_space<vmem>> -> memref<80xi32, #tpu.memory_space<vmem>>
        %dma_wait3A_461 = arith.constant 0 : i32
        %dma_wait3A_462 = arith.constant 0 : i32
        %dma_wait3A_463 = tpu.memref_slice %arg27[%dma_wait3A_461, %dma_wait3A_462] : memref<20224x16xf32, #tpu.memory_space<vmem_shared>> -> memref<20224x16xf32, #tpu.memory_space<vmem_shared>>
        tpu.wait_indirect_dma semaphore(%arg22 : memref<!tpu.dma_semaphore, #tpu.memory_space<semaphore_mem>>) src(%dma_wait3A_457 : memref<80x16xf32, #tpu.memory_space<vmem>>) dst(%dma_wait3A_463 : memref<20224x16xf32, #tpu.memory_space<vmem_shared>>)
        %dma_wait3A_464 = arith.constant 0 : i32
        %dma_wait3A_465 = tpu.memref_slice %arg14[%sub3A_441, %dma_wait3A_464] : memref<128x80xi32, #tpu.memory_space<vmem>> -> memref<1x80xi32, #tpu.memory_space<vmem>>
        %dma_wait3A_466 = tpu.memref_squeeze %dma_wait3A_465 : memref<1x80xi32, #tpu.memory_space<vmem>> -> memref<80xi32, #tpu.memory_space<vmem>>
        %dma_wait3A_467 = arith.constant 0 : i32
        %dma_wait3A_468 = arith.constant 0 : i32
        %dma_wait3A_469 = tpu.memref_slice %arg27[%dma_wait3A_467, %dma_wait3A_468] : memref<20224x16xf32, #tpu.memory_space<vmem_shared>> -> memref<20224x16xf32, #tpu.memory_space<vmem_shared>>
        tpu.wait_indirect_dma semaphore(%arg22 : memref<!tpu.dma_semaphore, #tpu.memory_space<semaphore_mem>>) src(%arg17 : memref<80x16xf32, #tpu.memory_space<vmem>>) dst(%dma_wait3A_469 : memref<20224x16xf32, #tpu.memory_space<vmem_shared>>)
      } else {
      }
      %add3A_359 = arith.constant 2 : i32
      %add3A_360 = arith.addi %add3A_294, %add3A_359 : i32
      %lt3A_361 = arith.constant 128 : i32
      %lt3A_362 = arith.cmpi slt, %add3A_360, %lt3A_361 : i32
      %convert_element_type3A_363 = arith.extui %lt3A_362 : i1 to i32
      %cond3A_364 = arith.constant 0 : i32
      %cond3A_365 = arith.cmpi ne, %convert_element_type3A_363, %cond3A_364 : i32
      scf.if %cond3A_365 {
        %add3A_441 = arith.constant 2 : i32
        %add3A_442 = arith.addi %add3A_294, %add3A_441 : i32
        %dma_start3A_443 = arith.constant 0 : i32
        %dma_start3A_444 = arith.constant 0 : i32
        %dma_start3A_445 = arith.constant 0 : i32
        %dma_start3A_446 = tpu.memref_slice %arg15[%dma_start3A_443, %dma_start3A_444, %dma_start3A_445] : memref<4x80x64xf32, #tpu.memory_space<vmem>> -> memref<1x80x64xf32, #tpu.memory_space<vmem>>
        %dma_start3A_447 = tpu.memref_squeeze %dma_start3A_446 : memref<1x80x64xf32, #tpu.memory_space<vmem>> -> memref<80x64xf32, #tpu.memory_space<vmem>>
        %dma_start3A_448 = arith.constant 0 : i32
        %dma_start3A_449 = tpu.memref_slice %arg12[%add3A_442, %dma_start3A_448] : memref<128x80xi32, #tpu.memory_space<vmem>> -> memref<1x80xi32, #tpu.memory_space<vmem>>
        %dma_start3A_450 = tpu.memref_squeeze %dma_start3A_449 : memref<1x80xi32, #tpu.memory_space<vmem>> -> memref<80xi32, #tpu.memory_space<vmem>>
        %dma_start3A_451 = arith.constant 0 : i32
        %dma_start3A_452 = arith.constant 0 : i32
        %dma_start3A_453 = tpu.memref_slice %arg7[%dma_start3A_451, %dma_start3A_452] : memref<10000x64xf32, #tpu.memory_space<hbm>> -> memref<10000x64xf32, #tpu.memory_space<hbm>>
        tpu.enqueue_indirect_dma source(%dma_start3A_453 : memref<10000x64xf32, #tpu.memory_space<hbm>>) target(%dma_start3A_447 : memref<80x64xf32, #tpu.memory_space<vmem>>) offsets(%dma_start3A_450 : memref<80xi32, #tpu.memory_space<vmem>>) semaphore(%arg18 : memref<!tpu.dma_semaphore, #tpu.memory_space<semaphore_mem>>)
        %add3A_454 = arith.addi %mul3A_2, %add3A_442 : i32
        %min3A_455 = arith.constant 3999 : i32
        %min3A_456 = arith.minsi %add3A_454, %min3A_455 : i32
        %dma_start3A_457 = arith.constant 0 : i32
        %dma_start3A_458 = arith.constant 0 : i32
        %dma_start3A_459 = arith.constant 0 : i32
        %dma_start3A_460 = tpu.memref_slice %arg16[%dma_start3A_457, %dma_start3A_458, %dma_start3A_459] : memref<4x80x16xf32, #tpu.memory_space<vmem>> -> memref<1x80x16xf32, #tpu.memory_space<vmem>>
        %dma_start3A_461 = tpu.memref_squeeze %dma_start3A_460 : memref<1x80x16xf32, #tpu.memory_space<vmem>> -> memref<80x16xf32, #tpu.memory_space<vmem>>
        %dma_start3A_462 = arith.constant 0 : i32
        %dma_start3A_463 = arith.constant 0 : i32
        %dma_start3A_464 = tpu.memref_slice %arg5[%min3A_456, %dma_start3A_462, %dma_start3A_463] : memref<4000x80x16xf32, #tpu.memory_space<hbm>> -> memref<1x80x16xf32, #tpu.memory_space<hbm>>
        %dma_start3A_465 = tpu.memref_squeeze %dma_start3A_464 : memref<1x80x16xf32, #tpu.memory_space<hbm>> -> memref<80x16xf32, #tpu.memory_space<hbm>>
        %dma_start3A_466 = arith.constant 0 : i32
        %dma_start3A_467 = arith.constant 0 : i32
        %dma_start3A_468 = tpu.memref_slice %arg16[%dma_start3A_457, %dma_start3A_466, %dma_start3A_467] : memref<4x80x16xf32, #tpu.memory_space<vmem>> -> memref<1x80x16xf32, #tpu.memory_space<vmem>>
        %dma_start3A_469 = tpu.memref_squeeze %dma_start3A_468 : memref<1x80x16xf32, #tpu.memory_space<vmem>> -> memref<80x16xf32, #tpu.memory_space<vmem>>
        %dma_start3A_470 = arith.constant 0 : i32
        %dma_start3A_471 = arith.constant 0 : i32
        %dma_start3A_472 = tpu.memref_slice %arg5[%min3A_456, %dma_start3A_470, %dma_start3A_471] : memref<4000x80x16xf32, #tpu.memory_space<hbm>> -> memref<1x80x16xf32, #tpu.memory_space<hbm>>
        %dma_start3A_473 = tpu.memref_squeeze %dma_start3A_472 : memref<1x80x16xf32, #tpu.memory_space<hbm>> -> memref<80x16xf32, #tpu.memory_space<hbm>>
        tpu.enqueue_dma source(%dma_start3A_473 : memref<80x16xf32, #tpu.memory_space<hbm>>) target(%dma_start3A_469 : memref<80x16xf32, #tpu.memory_space<vmem>>) target_semaphore(%arg18 : memref<!tpu.dma_semaphore, #tpu.memory_space<semaphore_mem>>)
      } else {
      }
      %mul3A_366 = arith.constant 4 : i32
      %mul3A_367 = arith.muli %scan3A_144, %mul3A_366 : i32
      %add3A_368 = arith.constant 3 : i32
      %add3A_369 = arith.addi %mul3A_367, %add3A_368 : i32
      %dma_wait3A_370 = arith.constant 3 : i32
      %dma_wait3A_371 = arith.constant 0 : i32
      %dma_wait3A_372 = arith.constant 0 : i32
      %dma_wait3A_373 = tpu.memref_slice %arg15[%dma_wait3A_370, %dma_wait3A_371, %dma_wait3A_372] : memref<4x80x64xf32, #tpu.memory_space<vmem>> -> memref<1x80x64xf32, #tpu.memory_space<vmem>>
      %dma_wait3A_374 = tpu.memref_squeeze %dma_wait3A_373 : memref<1x80x64xf32, #tpu.memory_space<vmem>> -> memref<80x64xf32, #tpu.memory_space<vmem>>
      %dma_wait3A_375 = arith.constant 0 : i32
      %dma_wait3A_376 = tpu.memref_slice %arg12[%add3A_369, %dma_wait3A_375] : memref<128x80xi32, #tpu.memory_space<vmem>> -> memref<1x80xi32, #tpu.memory_space<vmem>>
      %dma_wait3A_377 = tpu.memref_squeeze %dma_wait3A_376 : memref<1x80xi32, #tpu.memory_space<vmem>> -> memref<80xi32, #tpu.memory_space<vmem>>
      %dma_wait3A_378 = arith.constant 0 : i32
      %dma_wait3A_379 = arith.constant 0 : i32
      %dma_wait3A_380 = tpu.memref_slice %arg7[%dma_wait3A_378, %dma_wait3A_379] : memref<10000x64xf32, #tpu.memory_space<hbm>> -> memref<10000x64xf32, #tpu.memory_space<hbm>>
      tpu.wait_indirect_dma semaphore(%arg21 : memref<!tpu.dma_semaphore, #tpu.memory_space<semaphore_mem>>) src(%dma_wait3A_380 : memref<10000x64xf32, #tpu.memory_space<hbm>>) dst(%dma_wait3A_374 : memref<80x64xf32, #tpu.memory_space<vmem>>)
      %add3A_381 = arith.addi %mul3A_2, %add3A_369 : i32
      %min3A_382 = arith.constant 3999 : i32
      %min3A_383 = arith.minsi %add3A_381, %min3A_382 : i32
      %dma_wait3A_384 = arith.constant 3 : i32
      %dma_wait3A_385 = arith.constant 0 : i32
      %dma_wait3A_386 = arith.constant 0 : i32
      %dma_wait3A_387 = tpu.memref_slice %arg16[%dma_wait3A_384, %dma_wait3A_385, %dma_wait3A_386] : memref<4x80x16xf32, #tpu.memory_space<vmem>> -> memref<1x80x16xf32, #tpu.memory_space<vmem>>
      %dma_wait3A_388 = tpu.memref_squeeze %dma_wait3A_387 : memref<1x80x16xf32, #tpu.memory_space<vmem>> -> memref<80x16xf32, #tpu.memory_space<vmem>>
      %dma_wait3A_389 = arith.constant 0 : i32
      %dma_wait3A_390 = arith.constant 0 : i32
      %dma_wait3A_391 = tpu.memref_slice %arg5[%min3A_383, %dma_wait3A_389, %dma_wait3A_390] : memref<4000x80x16xf32, #tpu.memory_space<hbm>> -> memref<1x80x16xf32, #tpu.memory_space<hbm>>
      %dma_wait3A_392 = tpu.memref_squeeze %dma_wait3A_391 : memref<1x80x16xf32, #tpu.memory_space<hbm>> -> memref<80x16xf32, #tpu.memory_space<hbm>>
      %dma_wait3A_393 = arith.constant 0 : i32
      %dma_wait3A_394 = arith.constant 0 : i32
      %dma_wait3A_395 = tpu.memref_slice %arg16[%dma_wait3A_384, %dma_wait3A_393, %dma_wait3A_394] : memref<4x80x16xf32, #tpu.memory_space<vmem>> -> memref<1x80x16xf32, #tpu.memory_space<vmem>>
      %dma_wait3A_396 = tpu.memref_squeeze %dma_wait3A_395 : memref<1x80x16xf32, #tpu.memory_space<vmem>> -> memref<80x16xf32, #tpu.memory_space<vmem>>
      %dma_wait3A_397 = arith.constant 0 : i32
      %dma_wait3A_398 = arith.constant 0 : i32
      %dma_wait3A_399 = tpu.memref_slice %arg5[%min3A_383, %dma_wait3A_397, %dma_wait3A_398] : memref<4000x80x16xf32, #tpu.memory_space<hbm>> -> memref<1x80x16xf32, #tpu.memory_space<hbm>>
      %dma_wait3A_400 = tpu.memref_squeeze %dma_wait3A_399 : memref<1x80x16xf32, #tpu.memory_space<hbm>> -> memref<80x16xf32, #tpu.memory_space<hbm>>
      tpu.wait_dma2 semaphore(%arg21 : memref<!tpu.dma_semaphore, #tpu.memory_space<semaphore_mem>>) src(%dma_wait3A_400 : memref<80x16xf32, #tpu.memory_space<hbm>>) dst(%dma_wait3A_396 : memref<80x16xf32, #tpu.memory_space<vmem>>)
      %dma_start3A_401 = arith.constant 3 : i32
      %dma_start3A_402 = arith.constant 0 : i32
      %dma_start3A_403 = arith.constant 0 : i32
      %dma_start3A_404 = tpu.memref_slice %arg15[%dma_start3A_401, %dma_start3A_402, %dma_start3A_403] : memref<4x80x64xf32, #tpu.memory_space<vmem>> -> memref<1x80x64xf32, #tpu.memory_space<vmem>>
      %dma_start3A_405 = tpu.memref_squeeze %dma_start3A_404 : memref<1x80x64xf32, #tpu.memory_space<vmem>> -> memref<80x64xf32, #tpu.memory_space<vmem>>
      %dma_start3A_406 = arith.constant 0 : i32
      %dma_start3A_407 = tpu.memref_slice %arg13[%add3A_369, %dma_start3A_406] : memref<128x80xi32, #tpu.memory_space<vmem>> -> memref<1x80xi32, #tpu.memory_space<vmem>>
      %dma_start3A_408 = tpu.memref_squeeze %dma_start3A_407 : memref<1x80xi32, #tpu.memory_space<vmem>> -> memref<80xi32, #tpu.memory_space<vmem>>
      %dma_start3A_409 = arith.constant 0 : i32
      %dma_start3A_410 = arith.constant 0 : i32
      %dma_start3A_411 = tpu.memref_slice %arg26[%dma_start3A_409, %dma_start3A_410] : memref<10112x64xf32, #tpu.memory_space<vmem_shared>> -> memref<10112x64xf32, #tpu.memory_space<vmem_shared>>
      tpu.enqueue_indirect_dma source(%dma_start3A_405 : memref<80x64xf32, #tpu.memory_space<vmem>>) target(%dma_start3A_411 : memref<10112x64xf32, #tpu.memory_space<vmem_shared>>) offsets(%dma_start3A_408 : memref<80xi32, #tpu.memory_space<vmem>>) semaphore(%arg25 : memref<!tpu.dma_semaphore, #tpu.memory_space<semaphore_mem>>) {add = true}
      %dma_start3A_412 = arith.constant 3 : i32
      %dma_start3A_413 = arith.constant 0 : i32
      %dma_start3A_414 = arith.constant 0 : i32
      %dma_start3A_415 = tpu.memref_slice %arg16[%dma_start3A_412, %dma_start3A_413, %dma_start3A_414] : memref<4x80x16xf32, #tpu.memory_space<vmem>> -> memref<1x80x16xf32, #tpu.memory_space<vmem>>
      %dma_start3A_416 = tpu.memref_squeeze %dma_start3A_415 : memref<1x80x16xf32, #tpu.memory_space<vmem>> -> memref<80x16xf32, #tpu.memory_space<vmem>>
      %dma_start3A_417 = arith.constant 0 : i32
      %dma_start3A_418 = tpu.memref_slice %arg13[%add3A_369, %dma_start3A_417] : memref<128x80xi32, #tpu.memory_space<vmem>> -> memref<1x80xi32, #tpu.memory_space<vmem>>
      %dma_start3A_419 = tpu.memref_squeeze %dma_start3A_418 : memref<1x80xi32, #tpu.memory_space<vmem>> -> memref<80xi32, #tpu.memory_space<vmem>>
      %dma_start3A_420 = arith.constant 0 : i32
      %dma_start3A_421 = arith.constant 0 : i32
      %dma_start3A_422 = tpu.memref_slice %arg27[%dma_start3A_420, %dma_start3A_421] : memref<20224x16xf32, #tpu.memory_space<vmem_shared>> -> memref<20224x16xf32, #tpu.memory_space<vmem_shared>>
      tpu.enqueue_indirect_dma source(%dma_start3A_416 : memref<80x16xf32, #tpu.memory_space<vmem>>) target(%dma_start3A_422 : memref<20224x16xf32, #tpu.memory_space<vmem_shared>>) offsets(%dma_start3A_419 : memref<80xi32, #tpu.memory_space<vmem>>) semaphore(%arg25 : memref<!tpu.dma_semaphore, #tpu.memory_space<semaphore_mem>>) {add = true}
      %dma_start3A_423 = arith.constant 0 : i32
      %dma_start3A_424 = tpu.memref_slice %arg14[%add3A_369, %dma_start3A_423] : memref<128x80xi32, #tpu.memory_space<vmem>> -> memref<1x80xi32, #tpu.memory_space<vmem>>
      %dma_start3A_425 = tpu.memref_squeeze %dma_start3A_424 : memref<1x80xi32, #tpu.memory_space<vmem>> -> memref<80xi32, #tpu.memory_space<vmem>>
      %dma_start3A_426 = arith.constant 0 : i32
      %dma_start3A_427 = arith.constant 0 : i32
      %dma_start3A_428 = tpu.memref_slice %arg27[%dma_start3A_426, %dma_start3A_427] : memref<20224x16xf32, #tpu.memory_space<vmem_shared>> -> memref<20224x16xf32, #tpu.memory_space<vmem_shared>>
      tpu.enqueue_indirect_dma source(%arg17 : memref<80x16xf32, #tpu.memory_space<vmem>>) target(%dma_start3A_428 : memref<20224x16xf32, #tpu.memory_space<vmem_shared>>) offsets(%dma_start3A_425 : memref<80xi32, #tpu.memory_space<vmem>>) semaphore(%arg25 : memref<!tpu.dma_semaphore, #tpu.memory_space<semaphore_mem>>) {add = true}
      %ge3A_429 = arith.constant 2 : i32
      %ge3A_430 = arith.cmpi sge, %add3A_369, %ge3A_429 : i32
      %convert_element_type3A_431 = arith.extui %ge3A_430 : i1 to i32
      %cond3A_432 = arith.constant 0 : i32
      %cond3A_433 = arith.cmpi ne, %convert_element_type3A_431, %cond3A_432 : i32
      scf.if %cond3A_433 {
        %sub3A = arith.constant 2 : i32
        %sub3A_441 = arith.subi %add3A_369, %sub3A : i32
        %dma_wait3A_442 = arith.constant 1 : i32
        %dma_wait3A_443 = arith.constant 0 : i32
        %dma_wait3A_444 = arith.constant 0 : i32
        %dma_wait3A_445 = tpu.memref_slice %arg15[%dma_wait3A_442, %dma_wait3A_443, %dma_wait3A_444] : memref<4x80x64xf32, #tpu.memory_space<vmem>> -> memref<1x80x64xf32, #tpu.memory_space<vmem>>
        %dma_wait3A_446 = tpu.memref_squeeze %dma_wait3A_445 : memref<1x80x64xf32, #tpu.memory_space<vmem>> -> memref<80x64xf32, #tpu.memory_space<vmem>>
        %dma_wait3A_447 = arith.constant 0 : i32
        %dma_wait3A_448 = tpu.memref_slice %arg13[%sub3A_441, %dma_wait3A_447] : memref<128x80xi32, #tpu.memory_space<vmem>> -> memref<1x80xi32, #tpu.memory_space<vmem>>
        %dma_wait3A_449 = tpu.memref_squeeze %dma_wait3A_448 : memref<1x80xi32, #tpu.memory_space<vmem>> -> memref<80xi32, #tpu.memory_space<vmem>>
        %dma_wait3A_450 = arith.constant 0 : i32
        %dma_wait3A_451 = arith.constant 0 : i32
        %dma_wait3A_452 = tpu.memref_slice %arg26[%dma_wait3A_450, %dma_wait3A_451] : memref<10112x64xf32, #tpu.memory_space<vmem_shared>> -> memref<10112x64xf32, #tpu.memory_space<vmem_shared>>
        tpu.wait_indirect_dma semaphore(%arg23 : memref<!tpu.dma_semaphore, #tpu.memory_space<semaphore_mem>>) src(%dma_wait3A_446 : memref<80x64xf32, #tpu.memory_space<vmem>>) dst(%dma_wait3A_452 : memref<10112x64xf32, #tpu.memory_space<vmem_shared>>)
        %dma_wait3A_453 = arith.constant 1 : i32
        %dma_wait3A_454 = arith.constant 0 : i32
        %dma_wait3A_455 = arith.constant 0 : i32
        %dma_wait3A_456 = tpu.memref_slice %arg16[%dma_wait3A_453, %dma_wait3A_454, %dma_wait3A_455] : memref<4x80x16xf32, #tpu.memory_space<vmem>> -> memref<1x80x16xf32, #tpu.memory_space<vmem>>
        %dma_wait3A_457 = tpu.memref_squeeze %dma_wait3A_456 : memref<1x80x16xf32, #tpu.memory_space<vmem>> -> memref<80x16xf32, #tpu.memory_space<vmem>>
        %dma_wait3A_458 = arith.constant 0 : i32
        %dma_wait3A_459 = tpu.memref_slice %arg13[%sub3A_441, %dma_wait3A_458] : memref<128x80xi32, #tpu.memory_space<vmem>> -> memref<1x80xi32, #tpu.memory_space<vmem>>
        %dma_wait3A_460 = tpu.memref_squeeze %dma_wait3A_459 : memref<1x80xi32, #tpu.memory_space<vmem>> -> memref<80xi32, #tpu.memory_space<vmem>>
        %dma_wait3A_461 = arith.constant 0 : i32
        %dma_wait3A_462 = arith.constant 0 : i32
        %dma_wait3A_463 = tpu.memref_slice %arg27[%dma_wait3A_461, %dma_wait3A_462] : memref<20224x16xf32, #tpu.memory_space<vmem_shared>> -> memref<20224x16xf32, #tpu.memory_space<vmem_shared>>
        tpu.wait_indirect_dma semaphore(%arg23 : memref<!tpu.dma_semaphore, #tpu.memory_space<semaphore_mem>>) src(%dma_wait3A_457 : memref<80x16xf32, #tpu.memory_space<vmem>>) dst(%dma_wait3A_463 : memref<20224x16xf32, #tpu.memory_space<vmem_shared>>)
        %dma_wait3A_464 = arith.constant 0 : i32
        %dma_wait3A_465 = tpu.memref_slice %arg14[%sub3A_441, %dma_wait3A_464] : memref<128x80xi32, #tpu.memory_space<vmem>> -> memref<1x80xi32, #tpu.memory_space<vmem>>
        %dma_wait3A_466 = tpu.memref_squeeze %dma_wait3A_465 : memref<1x80xi32, #tpu.memory_space<vmem>> -> memref<80xi32, #tpu.memory_space<vmem>>
        %dma_wait3A_467 = arith.constant 0 : i32
        %dma_wait3A_468 = arith.constant 0 : i32
        %dma_wait3A_469 = tpu.memref_slice %arg27[%dma_wait3A_467, %dma_wait3A_468] : memref<20224x16xf32, #tpu.memory_space<vmem_shared>> -> memref<20224x16xf32, #tpu.memory_space<vmem_shared>>
        tpu.wait_indirect_dma semaphore(%arg23 : memref<!tpu.dma_semaphore, #tpu.memory_space<semaphore_mem>>) src(%arg17 : memref<80x16xf32, #tpu.memory_space<vmem>>) dst(%dma_wait3A_469 : memref<20224x16xf32, #tpu.memory_space<vmem_shared>>)
      } else {
      }
      %add3A_434 = arith.constant 2 : i32
      %add3A_435 = arith.addi %add3A_369, %add3A_434 : i32
      %lt3A_436 = arith.constant 128 : i32
      %lt3A_437 = arith.cmpi slt, %add3A_435, %lt3A_436 : i32
      %convert_element_type3A_438 = arith.extui %lt3A_437 : i1 to i32
      %cond3A_439 = arith.constant 0 : i32
      %cond3A_440 = arith.cmpi ne, %convert_element_type3A_438, %cond3A_439 : i32
      scf.if %cond3A_440 {
        %add3A_441 = arith.constant 2 : i32
        %add3A_442 = arith.addi %add3A_369, %add3A_441 : i32
        %dma_start3A_443 = arith.constant 1 : i32
        %dma_start3A_444 = arith.constant 0 : i32
        %dma_start3A_445 = arith.constant 0 : i32
        %dma_start3A_446 = tpu.memref_slice %arg15[%dma_start3A_443, %dma_start3A_444, %dma_start3A_445] : memref<4x80x64xf32, #tpu.memory_space<vmem>> -> memref<1x80x64xf32, #tpu.memory_space<vmem>>
        %dma_start3A_447 = tpu.memref_squeeze %dma_start3A_446 : memref<1x80x64xf32, #tpu.memory_space<vmem>> -> memref<80x64xf32, #tpu.memory_space<vmem>>
        %dma_start3A_448 = arith.constant 0 : i32
        %dma_start3A_449 = tpu.memref_slice %arg12[%add3A_442, %dma_start3A_448] : memref<128x80xi32, #tpu.memory_space<vmem>> -> memref<1x80xi32, #tpu.memory_space<vmem>>
        %dma_start3A_450 = tpu.memref_squeeze %dma_start3A_449 : memref<1x80xi32, #tpu.memory_space<vmem>> -> memref<80xi32, #tpu.memory_space<vmem>>
        %dma_start3A_451 = arith.constant 0 : i32
        %dma_start3A_452 = arith.constant 0 : i32
        %dma_start3A_453 = tpu.memref_slice %arg7[%dma_start3A_451, %dma_start3A_452] : memref<10000x64xf32, #tpu.memory_space<hbm>> -> memref<10000x64xf32, #tpu.memory_space<hbm>>
        tpu.enqueue_indirect_dma source(%dma_start3A_453 : memref<10000x64xf32, #tpu.memory_space<hbm>>) target(%dma_start3A_447 : memref<80x64xf32, #tpu.memory_space<vmem>>) offsets(%dma_start3A_450 : memref<80xi32, #tpu.memory_space<vmem>>) semaphore(%arg19 : memref<!tpu.dma_semaphore, #tpu.memory_space<semaphore_mem>>)
        %add3A_454 = arith.addi %mul3A_2, %add3A_442 : i32
        %min3A_455 = arith.constant 3999 : i32
        %min3A_456 = arith.minsi %add3A_454, %min3A_455 : i32
        %dma_start3A_457 = arith.constant 1 : i32
        %dma_start3A_458 = arith.constant 0 : i32
        %dma_start3A_459 = arith.constant 0 : i32
        %dma_start3A_460 = tpu.memref_slice %arg16[%dma_start3A_457, %dma_start3A_458, %dma_start3A_459] : memref<4x80x16xf32, #tpu.memory_space<vmem>> -> memref<1x80x16xf32, #tpu.memory_space<vmem>>
        %dma_start3A_461 = tpu.memref_squeeze %dma_start3A_460 : memref<1x80x16xf32, #tpu.memory_space<vmem>> -> memref<80x16xf32, #tpu.memory_space<vmem>>
        %dma_start3A_462 = arith.constant 0 : i32
        %dma_start3A_463 = arith.constant 0 : i32
        %dma_start3A_464 = tpu.memref_slice %arg5[%min3A_456, %dma_start3A_462, %dma_start3A_463] : memref<4000x80x16xf32, #tpu.memory_space<hbm>> -> memref<1x80x16xf32, #tpu.memory_space<hbm>>
        %dma_start3A_465 = tpu.memref_squeeze %dma_start3A_464 : memref<1x80x16xf32, #tpu.memory_space<hbm>> -> memref<80x16xf32, #tpu.memory_space<hbm>>
        %dma_start3A_466 = arith.constant 0 : i32
        %dma_start3A_467 = arith.constant 0 : i32
        %dma_start3A_468 = tpu.memref_slice %arg16[%dma_start3A_457, %dma_start3A_466, %dma_start3A_467] : memref<4x80x16xf32, #tpu.memory_space<vmem>> -> memref<1x80x16xf32, #tpu.memory_space<vmem>>
        %dma_start3A_469 = tpu.memref_squeeze %dma_start3A_468 : memref<1x80x16xf32, #tpu.memory_space<vmem>> -> memref<80x16xf32, #tpu.memory_space<vmem>>
        %dma_start3A_470 = arith.constant 0 : i32
        %dma_start3A_471 = arith.constant 0 : i32
        %dma_start3A_472 = tpu.memref_slice %arg5[%min3A_456, %dma_start3A_470, %dma_start3A_471] : memref<4000x80x16xf32, #tpu.memory_space<hbm>> -> memref<1x80x16xf32, #tpu.memory_space<hbm>>
        %dma_start3A_473 = tpu.memref_squeeze %dma_start3A_472 : memref<1x80x16xf32, #tpu.memory_space<hbm>> -> memref<80x16xf32, #tpu.memory_space<hbm>>
        tpu.enqueue_dma source(%dma_start3A_473 : memref<80x16xf32, #tpu.memory_space<hbm>>) target(%dma_start3A_469 : memref<80x16xf32, #tpu.memory_space<vmem>>) target_semaphore(%arg19 : memref<!tpu.dma_semaphore, #tpu.memory_space<semaphore_mem>>)
      } else {
      }
    }
    %scan3A_77 = arith.constant 32 : i32
    %dma_wait3A = arith.constant 2 : i32
    %dma_wait3A_78 = arith.constant 126 : i32
    %dma_wait3A_79 = arith.constant 0 : i32
    %dma_wait3A_80 = arith.constant 0 : i32
    %dma_wait3A_81 = tpu.memref_slice %arg15[%dma_wait3A, %dma_wait3A_79, %dma_wait3A_80] : memref<4x80x64xf32, #tpu.memory_space<vmem>> -> memref<1x80x64xf32, #tpu.memory_space<vmem>>
    %dma_wait3A_82 = tpu.memref_squeeze %dma_wait3A_81 : memref<1x80x64xf32, #tpu.memory_space<vmem>> -> memref<80x64xf32, #tpu.memory_space<vmem>>
    %dma_wait3A_83 = arith.constant 0 : i32
    %dma_wait3A_84 = tpu.memref_slice %arg13[%dma_wait3A_78, %dma_wait3A_83] : memref<128x80xi32, #tpu.memory_space<vmem>> -> memref<1x80xi32, #tpu.memory_space<vmem>>
    %dma_wait3A_85 = tpu.memref_squeeze %dma_wait3A_84 : memref<1x80xi32, #tpu.memory_space<vmem>> -> memref<80xi32, #tpu.memory_space<vmem>>
    %dma_wait3A_86 = arith.constant 0 : i32
    %dma_wait3A_87 = arith.constant 0 : i32
    %dma_wait3A_88 = tpu.memref_slice %arg26[%dma_wait3A_86, %dma_wait3A_87] : memref<10112x64xf32, #tpu.memory_space<vmem_shared>> -> memref<10112x64xf32, #tpu.memory_space<vmem_shared>>
    tpu.wait_indirect_dma semaphore(%arg24 : memref<!tpu.dma_semaphore, #tpu.memory_space<semaphore_mem>>) src(%dma_wait3A_82 : memref<80x64xf32, #tpu.memory_space<vmem>>) dst(%dma_wait3A_88 : memref<10112x64xf32, #tpu.memory_space<vmem_shared>>)
    %dma_wait3A_89 = arith.constant 2 : i32
    %dma_wait3A_90 = arith.constant 126 : i32
    %dma_wait3A_91 = arith.constant 0 : i32
    %dma_wait3A_92 = arith.constant 0 : i32
    %dma_wait3A_93 = tpu.memref_slice %arg16[%dma_wait3A_89, %dma_wait3A_91, %dma_wait3A_92] : memref<4x80x16xf32, #tpu.memory_space<vmem>> -> memref<1x80x16xf32, #tpu.memory_space<vmem>>
    %dma_wait3A_94 = tpu.memref_squeeze %dma_wait3A_93 : memref<1x80x16xf32, #tpu.memory_space<vmem>> -> memref<80x16xf32, #tpu.memory_space<vmem>>
    %dma_wait3A_95 = arith.constant 0 : i32
    %dma_wait3A_96 = tpu.memref_slice %arg13[%dma_wait3A_90, %dma_wait3A_95] : memref<128x80xi32, #tpu.memory_space<vmem>> -> memref<1x80xi32, #tpu.memory_space<vmem>>
    %dma_wait3A_97 = tpu.memref_squeeze %dma_wait3A_96 : memref<1x80xi32, #tpu.memory_space<vmem>> -> memref<80xi32, #tpu.memory_space<vmem>>
    %dma_wait3A_98 = arith.constant 0 : i32
    %dma_wait3A_99 = arith.constant 0 : i32
    %dma_wait3A_100 = tpu.memref_slice %arg27[%dma_wait3A_98, %dma_wait3A_99] : memref<20224x16xf32, #tpu.memory_space<vmem_shared>> -> memref<20224x16xf32, #tpu.memory_space<vmem_shared>>
    tpu.wait_indirect_dma semaphore(%arg24 : memref<!tpu.dma_semaphore, #tpu.memory_space<semaphore_mem>>) src(%dma_wait3A_94 : memref<80x16xf32, #tpu.memory_space<vmem>>) dst(%dma_wait3A_100 : memref<20224x16xf32, #tpu.memory_space<vmem_shared>>)
    %dma_wait3A_101 = arith.constant 126 : i32
    %dma_wait3A_102 = arith.constant 0 : i32
    %dma_wait3A_103 = tpu.memref_slice %arg14[%dma_wait3A_101, %dma_wait3A_102] : memref<128x80xi32, #tpu.memory_space<vmem>> -> memref<1x80xi32, #tpu.memory_space<vmem>>
    %dma_wait3A_104 = tpu.memref_squeeze %dma_wait3A_103 : memref<1x80xi32, #tpu.memory_space<vmem>> -> memref<80xi32, #tpu.memory_space<vmem>>
    %dma_wait3A_105 = arith.constant 0 : i32
    %dma_wait3A_106 = arith.constant 0 : i32
    %dma_wait3A_107 = tpu.memref_slice %arg27[%dma_wait3A_105, %dma_wait3A_106] : memref<20224x16xf32, #tpu.memory_space<vmem_shared>> -> memref<20224x16xf32, #tpu.memory_space<vmem_shared>>
    tpu.wait_indirect_dma semaphore(%arg24 : memref<!tpu.dma_semaphore, #tpu.memory_space<semaphore_mem>>) src(%arg17 : memref<80x16xf32, #tpu.memory_space<vmem>>) dst(%dma_wait3A_107 : memref<20224x16xf32, #tpu.memory_space<vmem_shared>>)
    %dma_wait3A_108 = arith.constant 3 : i32
    %dma_wait3A_109 = arith.constant 127 : i32
    %dma_wait3A_110 = arith.constant 0 : i32
    %dma_wait3A_111 = arith.constant 0 : i32
    %dma_wait3A_112 = tpu.memref_slice %arg15[%dma_wait3A_108, %dma_wait3A_110, %dma_wait3A_111] : memref<4x80x64xf32, #tpu.memory_space<vmem>> -> memref<1x80x64xf32, #tpu.memory_space<vmem>>
    %dma_wait3A_113 = tpu.memref_squeeze %dma_wait3A_112 : memref<1x80x64xf32, #tpu.memory_space<vmem>> -> memref<80x64xf32, #tpu.memory_space<vmem>>
    %dma_wait3A_114 = arith.constant 0 : i32
    %dma_wait3A_115 = tpu.memref_slice %arg13[%dma_wait3A_109, %dma_wait3A_114] : memref<128x80xi32, #tpu.memory_space<vmem>> -> memref<1x80xi32, #tpu.memory_space<vmem>>
    %dma_wait3A_116 = tpu.memref_squeeze %dma_wait3A_115 : memref<1x80xi32, #tpu.memory_space<vmem>> -> memref<80xi32, #tpu.memory_space<vmem>>
    %dma_wait3A_117 = arith.constant 0 : i32
    %dma_wait3A_118 = arith.constant 0 : i32
    %dma_wait3A_119 = tpu.memref_slice %arg26[%dma_wait3A_117, %dma_wait3A_118] : memref<10112x64xf32, #tpu.memory_space<vmem_shared>> -> memref<10112x64xf32, #tpu.memory_space<vmem_shared>>
    tpu.wait_indirect_dma semaphore(%arg25 : memref<!tpu.dma_semaphore, #tpu.memory_space<semaphore_mem>>) src(%dma_wait3A_113 : memref<80x64xf32, #tpu.memory_space<vmem>>) dst(%dma_wait3A_119 : memref<10112x64xf32, #tpu.memory_space<vmem_shared>>)
    %dma_wait3A_120 = arith.constant 3 : i32
    %dma_wait3A_121 = arith.constant 127 : i32
    %dma_wait3A_122 = arith.constant 0 : i32
    %dma_wait3A_123 = arith.constant 0 : i32
    %dma_wait3A_124 = tpu.memref_slice %arg16[%dma_wait3A_120, %dma_wait3A_122, %dma_wait3A_123] : memref<4x80x16xf32, #tpu.memory_space<vmem>> -> memref<1x80x16xf32, #tpu.memory_space<vmem>>
    %dma_wait3A_125 = tpu.memref_squeeze %dma_wait3A_124 : memref<1x80x16xf32, #tpu.memory_space<vmem>> -> memref<80x16xf32, #tpu.memory_space<vmem>>
    %dma_wait3A_126 = arith.constant 0 : i32
    %dma_wait3A_127 = tpu.memref_slice %arg13[%dma_wait3A_121, %dma_wait3A_126] : memref<128x80xi32, #tpu.memory_space<vmem>> -> memref<1x80xi32, #tpu.memory_space<vmem>>
    %dma_wait3A_128 = tpu.memref_squeeze %dma_wait3A_127 : memref<1x80xi32, #tpu.memory_space<vmem>> -> memref<80xi32, #tpu.memory_space<vmem>>
    %dma_wait3A_129 = arith.constant 0 : i32
    %dma_wait3A_130 = arith.constant 0 : i32
    %dma_wait3A_131 = tpu.memref_slice %arg27[%dma_wait3A_129, %dma_wait3A_130] : memref<20224x16xf32, #tpu.memory_space<vmem_shared>> -> memref<20224x16xf32, #tpu.memory_space<vmem_shared>>
    tpu.wait_indirect_dma semaphore(%arg25 : memref<!tpu.dma_semaphore, #tpu.memory_space<semaphore_mem>>) src(%dma_wait3A_125 : memref<80x16xf32, #tpu.memory_space<vmem>>) dst(%dma_wait3A_131 : memref<20224x16xf32, #tpu.memory_space<vmem_shared>>)
    %dma_wait3A_132 = arith.constant 127 : i32
    %dma_wait3A_133 = arith.constant 0 : i32
    %dma_wait3A_134 = tpu.memref_slice %arg14[%dma_wait3A_132, %dma_wait3A_133] : memref<128x80xi32, #tpu.memory_space<vmem>> -> memref<1x80xi32, #tpu.memory_space<vmem>>
    %dma_wait3A_135 = tpu.memref_squeeze %dma_wait3A_134 : memref<1x80xi32, #tpu.memory_space<vmem>> -> memref<80xi32, #tpu.memory_space<vmem>>
    %dma_wait3A_136 = arith.constant 0 : i32
    %dma_wait3A_137 = arith.constant 0 : i32
    %dma_wait3A_138 = tpu.memref_slice %arg27[%dma_wait3A_136, %dma_wait3A_137] : memref<20224x16xf32, #tpu.memory_space<vmem_shared>> -> memref<20224x16xf32, #tpu.memory_space<vmem_shared>>
    tpu.wait_indirect_dma semaphore(%arg25 : memref<!tpu.dma_semaphore, #tpu.memory_space<semaphore_mem>>) src(%arg17 : memref<80x16xf32, #tpu.memory_space<vmem>>) dst(%dma_wait3A_138 : memref<20224x16xf32, #tpu.memory_space<vmem_shared>>)
    %barrier3A_139 = arith.constant 0 : index
    tpu.barrier barrier_id(%barrier3A_139)
    "tpu.region"() ({
      %run_scoped3A = tpu.sem_alloc : memref<!tpu.dma_semaphore, #tpu.memory_space<semaphore_mem>>
      %dma_start3A_144 = arith.constant 0 : i32
      %dma_start3A_145 = arith.constant 0 : i32
      %dma_start3A_146 = tpu.memref_slice %arg10[%arg0, %dma_start3A_144, %dma_start3A_145] : memref<2x10112x64xf32, #tpu.memory_space<hbm>> -> memref<1x10112x64xf32, #tpu.memory_space<hbm>>
      %dma_start3A_147 = tpu.memref_squeeze %dma_start3A_146 : memref<1x10112x64xf32, #tpu.memory_space<hbm>> -> memref<10112x64xf32, #tpu.memory_space<hbm>>
      %dma_start3A_148 = arith.constant 0 : i32
      %dma_start3A_149 = tpu.memref_slice %dma_start3A_147[%mul3A_4, %dma_start3A_148] : memref<10112x64xf32, #tpu.memory_space<hbm>> -> memref<632x64xf32, #tpu.memory_space<hbm>>
      %dma_start3A_150 = arith.constant 0 : i32
      %dma_start3A_151 = tpu.memref_slice %arg26[%mul3A_4, %dma_start3A_150] : memref<10112x64xf32, #tpu.memory_space<vmem_shared>> -> memref<632x64xf32, #tpu.memory_space<vmem_shared>>
      tpu.enqueue_dma source(%dma_start3A_151 : memref<632x64xf32, #tpu.memory_space<vmem_shared>>) target(%dma_start3A_149 : memref<632x64xf32, #tpu.memory_space<hbm>>) target_semaphore(%run_scoped3A : memref<!tpu.dma_semaphore, #tpu.memory_space<semaphore_mem>>)
      %dma_wait3A_152 = arith.constant 0 : i32
      %dma_wait3A_153 = arith.constant 0 : i32
      %dma_wait3A_154 = tpu.memref_slice %arg10[%arg0, %dma_wait3A_152, %dma_wait3A_153] : memref<2x10112x64xf32, #tpu.memory_space<hbm>> -> memref<1x10112x64xf32, #tpu.memory_space<hbm>>
      %dma_wait3A_155 = tpu.memref_squeeze %dma_wait3A_154 : memref<1x10112x64xf32, #tpu.memory_space<hbm>> -> memref<10112x64xf32, #tpu.memory_space<hbm>>
      %dma_wait3A_156 = arith.constant 0 : i32
      %dma_wait3A_157 = tpu.memref_slice %dma_wait3A_155[%mul3A_4, %dma_wait3A_156] : memref<10112x64xf32, #tpu.memory_space<hbm>> -> memref<632x64xf32, #tpu.memory_space<hbm>>
      %dma_wait3A_158 = arith.constant 0 : i32
      %dma_wait3A_159 = tpu.memref_slice %arg26[%mul3A_4, %dma_wait3A_158] : memref<10112x64xf32, #tpu.memory_space<vmem_shared>> -> memref<632x64xf32, #tpu.memory_space<vmem_shared>>
      tpu.wait_dma2 semaphore(%run_scoped3A : memref<!tpu.dma_semaphore, #tpu.memory_space<semaphore_mem>>) src(%dma_wait3A_159 : memref<632x64xf32, #tpu.memory_space<vmem_shared>>) dst(%dma_wait3A_157 : memref<632x64xf32, #tpu.memory_space<hbm>>)
      tpu.yield
    }) : () -> ()
    %mul3A_140 = arith.constant 2 : i32
    %mul3A_141 = arith.muli %mul3A_140, %mul3A_4 : i32
    %mul3A_142 = arith.constant 2 : i32
    %mul3A_143 = arith.muli %mul3A_142, %mul3A_4 : i32
    "tpu.region"() ({
      %run_scoped3A = tpu.sem_alloc : memref<!tpu.dma_semaphore, #tpu.memory_space<semaphore_mem>>
      %dma_start3A_144 = arith.constant 0 : i32
      %dma_start3A_145 = arith.constant 0 : i32
      %dma_start3A_146 = tpu.memref_slice %arg11[%arg0, %dma_start3A_144, %dma_start3A_145] : memref<2x20224x16xf32, #tpu.memory_space<hbm>> -> memref<1x20224x16xf32, #tpu.memory_space<hbm>>
      %dma_start3A_147 = tpu.memref_squeeze %dma_start3A_146 : memref<1x20224x16xf32, #tpu.memory_space<hbm>> -> memref<20224x16xf32, #tpu.memory_space<hbm>>
      %dma_start3A_148 = arith.constant 0 : i32
      %dma_start3A_149 = tpu.memref_slice %dma_start3A_147[%mul3A_143, %dma_start3A_148] : memref<20224x16xf32, #tpu.memory_space<hbm>> -> memref<1264x16xf32, #tpu.memory_space<hbm>>
      %dma_start3A_150 = arith.constant 0 : i32
      %dma_start3A_151 = tpu.memref_slice %arg27[%mul3A_141, %dma_start3A_150] : memref<20224x16xf32, #tpu.memory_space<vmem_shared>> -> memref<1264x16xf32, #tpu.memory_space<vmem_shared>>
      tpu.enqueue_dma source(%dma_start3A_151 : memref<1264x16xf32, #tpu.memory_space<vmem_shared>>) target(%dma_start3A_149 : memref<1264x16xf32, #tpu.memory_space<hbm>>) target_semaphore(%run_scoped3A : memref<!tpu.dma_semaphore, #tpu.memory_space<semaphore_mem>>)
      %dma_wait3A_152 = arith.constant 0 : i32
      %dma_wait3A_153 = arith.constant 0 : i32
      %dma_wait3A_154 = tpu.memref_slice %arg11[%arg0, %dma_wait3A_152, %dma_wait3A_153] : memref<2x20224x16xf32, #tpu.memory_space<hbm>> -> memref<1x20224x16xf32, #tpu.memory_space<hbm>>
      %dma_wait3A_155 = tpu.memref_squeeze %dma_wait3A_154 : memref<1x20224x16xf32, #tpu.memory_space<hbm>> -> memref<20224x16xf32, #tpu.memory_space<hbm>>
      %dma_wait3A_156 = arith.constant 0 : i32
      %dma_wait3A_157 = tpu.memref_slice %dma_wait3A_155[%mul3A_143, %dma_wait3A_156] : memref<20224x16xf32, #tpu.memory_space<hbm>> -> memref<1264x16xf32, #tpu.memory_space<hbm>>
      %dma_wait3A_158 = arith.constant 0 : i32
      %dma_wait3A_159 = tpu.memref_slice %arg27[%mul3A_141, %dma_wait3A_158] : memref<20224x16xf32, #tpu.memory_space<vmem_shared>> -> memref<1264x16xf32, #tpu.memory_space<vmem_shared>>
      tpu.wait_dma2 semaphore(%run_scoped3A : memref<!tpu.dma_semaphore, #tpu.memory_space<semaphore_mem>>) src(%dma_wait3A_159 : memref<1264x16xf32, #tpu.memory_space<vmem_shared>>) dst(%dma_wait3A_157 : memref<1264x16xf32, #tpu.memory_space<hbm>>)
      tpu.yield
    }) : () -> ()
    return
  }
}

module attributes {stable_mosaic.version = 14 : i64} {
  func.func @_enc_body(%arg0: i32, %arg1: memref<1000x128xf32, #tpu.memory_space<vmem>>, %arg2: memref<128x64xf32, #tpu.memory_space<vmem>>, %arg3: memref<1x64xf32, #tpu.memory_space<vmem>>, %arg4: memref<1000x64xf32, #tpu.memory_space<vmem>>) attributes {dimension_semantics = [#tpu.dimension_semantics<arbitrary>], iteration_bounds = array<i64: 10>, scalar_prefetch = 0 : i64, scratch_operands = 0 : i64, tpu.core_type = #tpu.core_type<tc>, window_params = [{transform_indices = @transform_0, window_bounds = array<i64: 1000, 128>}, {pipeline_mode = #tpu.pipeline_mode<synchronous>, transform_indices = @transform_1, window_bounds = array<i64: 128, 64>}, {pipeline_mode = #tpu.pipeline_mode<synchronous>, transform_indices = @transform_2, window_bounds = array<i64: 1, 64>}, {transform_indices = @transform_3, window_bounds = array<i64: 1000, 64>}]} {
    %get3A = arith.constant 0 : index
    %get3A_0 = arith.constant 0 : index
    %get3A_1 = vector.load %arg1[%get3A, %get3A_0] : memref<1000x128xf32, #tpu.memory_space<vmem>>, vector<1000x128xf32>
    %get3A_2 = arith.constant 0 : index
    %get3A_3 = arith.constant 0 : index
    %get3A_4 = vector.load %arg2[%get3A_2, %get3A_3] : memref<128x64xf32, #tpu.memory_space<vmem>>, vector<128x64xf32>
    %dot_general3A = arith.constant dense<0.000000e+00> : vector<1000x64xf32>
    %dot_general3A_5 = tpu.matmul %get3A_1, %get3A_4, %dot_general3A {dimension_numbers = #tpu.dot_dimension_numbers<[1], [0], [0], [1], [0, 0, 1, 1], [], []>, transpose_lhs_hint = false} : vector<1000x128xf32>, vector<128x64xf32>, vector<1000x64xf32> -> vector<1000x64xf32>
    %get3A_6 = arith.constant 0 : index
    %get3A_7 = arith.constant 0 : index
    %get3A_8 = vector.load %arg3[%get3A_6, %get3A_7] : memref<1x64xf32, #tpu.memory_space<vmem>>, vector<1x64xf32>
    %add3A = vector.broadcast %get3A_8 : vector<1x64xf32> to vector<1000x64xf32>
    %add3A_9 = arith.addf %dot_general3A_5, %add3A : vector<1000x64xf32>
    %swap3A = arith.constant 0 : index
    %swap3A_10 = arith.constant 0 : index
    %swap3A_11 = vector.load %arg4[%swap3A, %swap3A_10] : memref<1000x64xf32, #tpu.memory_space<vmem>>, vector<1000x64xf32>
    tpu.vector_store %arg4[%swap3A, %swap3A_10], %add3A_9 {strides = array<i32>} : memref<1000x64xf32, #tpu.memory_space<vmem>>, vector<1000x64xf32>,
    return
  }
  func.func @transform_0(%arg0: i32) -> (i32, i32) {
    %c0_i32 = arith.constant 0 : i32
    %c0_i32_0 = arith.constant 0 : i32
    return %arg0, %c0_i32 : i32, i32
  }
  func.func @transform_1(%arg0: i32) -> (i32, i32) {
    %c0_i32 = arith.constant 0 : i32
    %c0_i32_0 = arith.constant 0 : i32
    %c0_i32_1 = arith.constant 0 : i32
    return %c0_i32, %c0_i32_0 : i32, i32
  }
  func.func @transform_2(%arg0: i32) -> (i32, i32) {
    %c0_i32 = arith.constant 0 : i32
    %c0_i32_0 = arith.constant 0 : i32
    %c0_i32_1 = arith.constant 0 : i32
    return %c0_i32, %c0_i32_0 : i32, i32
  }
  func.func @transform_3(%arg0: i32) -> (i32, i32) {
    %c0_i32 = arith.constant 0 : i32
    %c0_i32_0 = arith.constant 0 : i32
    return %arg0, %c0_i32 : i32, i32
  }
}

module attributes {stable_mosaic.version = 14 : i64} {
  func.func @_comb_body(%arg0: i32, %arg1: memref<1000x64xf32, #tpu.memory_space<vmem>>, %arg2: memref<2x1000x64xf32, #tpu.memory_space<vmem>>, %arg3: memref<2x1000x16xf32, #tpu.memory_space<vmem>>, %arg4: memref<2x1000x16xf32, #tpu.memory_space<vmem>>, %arg5: memref<64x64xf32, #tpu.memory_space<vmem>>, %arg6: memref<64x64xf32, #tpu.memory_space<vmem>>, %arg7: memref<16x64xf32, #tpu.memory_space<vmem>>, %arg8: memref<2x64xf32, #tpu.memory_space<vmem>>, %arg9: memref<1000x64xf32, #tpu.memory_space<vmem>>) attributes {dimension_semantics = [#tpu.dimension_semantics<arbitrary>], iteration_bounds = array<i64: 10>, scalar_prefetch = 0 : i64, scratch_operands = 0 : i64, tpu.core_type = #tpu.core_type<tc>, window_params = [{transform_indices = @transform_0, window_bounds = array<i64: 1000, 64>}, {transform_indices = @transform_1, window_bounds = array<i64: 2, 1000, 64>}, {transform_indices = @transform_2, window_bounds = array<i64: 2, 1000, 16>}, {transform_indices = @transform_3, window_bounds = array<i64: 2, 1000, 16>}, {pipeline_mode = #tpu.pipeline_mode<synchronous>, transform_indices = @transform_4, window_bounds = array<i64: 64, 64>}, {pipeline_mode = #tpu.pipeline_mode<synchronous>, transform_indices = @transform_5, window_bounds = array<i64: 64, 64>}, {pipeline_mode = #tpu.pipeline_mode<synchronous>, transform_indices = @transform_6, window_bounds = array<i64: 16, 64>}, {pipeline_mode = #tpu.pipeline_mode<synchronous>, transform_indices = @transform_7, window_bounds = array<i64: 2, 64>}, {transform_indices = @transform_8, window_bounds = array<i64: 1000, 64>}]} {
    %get3A = arith.constant 0 : index
    %get3A_0 = arith.constant 0 : index
    %get3A_1 = arith.constant 0 : index
    %get3A_2 = vector.load %arg2[%get3A, %get3A_0, %get3A_1] : memref<2x1000x64xf32, #tpu.memory_space<vmem>>, vector<1x1000x64xf32>
    %get3A_3 = vector.shape_cast %get3A_2 : vector<1x1000x64xf32> to vector<1000x64xf32>
    %get3A_4 = arith.constant 1 : index
    %get3A_5 = arith.constant 0 : index
    %get3A_6 = arith.constant 0 : index
    %get3A_7 = vector.load %arg2[%get3A_4, %get3A_5, %get3A_6] : memref<2x1000x64xf32, #tpu.memory_space<vmem>>, vector<1x1000x64xf32>
    %get3A_8 = vector.shape_cast %get3A_7 : vector<1x1000x64xf32> to vector<1000x64xf32>
    %add3A = arith.addf %get3A_3, %get3A_8 : vector<1000x64xf32>
    %convert_element_type3A = arith.truncf %add3A : vector<1000x64xf32> to vector<1000x64xbf16>
    %convert_element_type3A_9 = arith.extf %convert_element_type3A : vector<1000x64xbf16> to vector<1000x64xf32>
    %get3A_10 = arith.constant 0 : index
    %get3A_11 = arith.constant 0 : index
    %get3A_12 = arith.constant 0 : index
    %get3A_13 = vector.load %arg3[%get3A_10, %get3A_11, %get3A_12] : memref<2x1000x16xf32, #tpu.memory_space<vmem>>, vector<1x1000x16xf32>
    %get3A_14 = vector.shape_cast %get3A_13 : vector<1x1000x16xf32> to vector<1000x16xf32>
    %get3A_15 = arith.constant 1 : index
    %get3A_16 = arith.constant 0 : index
    %get3A_17 = arith.constant 0 : index
    %get3A_18 = vector.load %arg3[%get3A_15, %get3A_16, %get3A_17] : memref<2x1000x16xf32, #tpu.memory_space<vmem>>, vector<1x1000x16xf32>
    %get3A_19 = vector.shape_cast %get3A_18 : vector<1x1000x16xf32> to vector<1000x16xf32>
    %add3A_20 = arith.addf %get3A_14, %get3A_19 : vector<1000x16xf32>
    %convert_element_type3A_21 = arith.truncf %add3A_20 : vector<1000x16xf32> to vector<1000x16xbf16>
    %convert_element_type3A_22 = arith.extf %convert_element_type3A_21 : vector<1000x16xbf16> to vector<1000x16xf32>
    %get3A_23 = arith.constant 0 : index
    %get3A_24 = arith.constant 0 : index
    %get3A_25 = arith.constant 0 : index
    %get3A_26 = vector.load %arg4[%get3A_23, %get3A_24, %get3A_25] : memref<2x1000x16xf32, #tpu.memory_space<vmem>>, vector<1x1000x1xf32>
    %get3A_27 = vector.shape_cast %get3A_26 : vector<1x1000x1xf32> to vector<1000x1xf32>
    %get3A_28 = arith.constant 1 : index
    %get3A_29 = arith.constant 0 : index
    %get3A_30 = arith.constant 0 : index
    %get3A_31 = vector.load %arg4[%get3A_28, %get3A_29, %get3A_30] : memref<2x1000x16xf32, #tpu.memory_space<vmem>>, vector<1x1000x1xf32>
    %get3A_32 = vector.shape_cast %get3A_31 : vector<1x1000x1xf32> to vector<1000x1xf32>
    %add3A_33 = arith.addf %get3A_27, %get3A_32 : vector<1000x1xf32>
    %get3A_34 = arith.constant 0 : index
    %get3A_35 = arith.constant 0 : index
    %get3A_36 = vector.load %arg1[%get3A_34, %get3A_35] : memref<1000x64xf32, #tpu.memory_space<vmem>>, vector<1000x64xf32>
    %convert_element_type3A_37 = arith.truncf %get3A_36 : vector<1000x64xf32> to vector<1000x64xbf16>
    %convert_element_type3A_38 = arith.extf %convert_element_type3A_37 : vector<1000x64xbf16> to vector<1000x64xf32>
    %get3A_39 = arith.constant 0 : index
    %get3A_40 = arith.constant 0 : index
    %get3A_41 = vector.load %arg5[%get3A_39, %get3A_40] : memref<64x64xf32, #tpu.memory_space<vmem>>, vector<64x64xf32>
    %dot_general3A = arith.constant dense<0.000000e+00> : vector<1000x64xf32>
    %dot_general3A_42 = tpu.matmul %convert_element_type3A_38, %get3A_41, %dot_general3A {dimension_numbers = #tpu.dot_dimension_numbers<[1], [0], [0], [1], [0, 0, 1, 1], [], []>, precision = #tpu.contract_precision<fp32>, transpose_lhs_hint = false} : vector<1000x64xf32>, vector<64x64xf32>, vector<1000x64xf32> -> vector<1000x64xf32>
    %get3A_43 = arith.constant 0 : index
    %get3A_44 = arith.constant 0 : index
    %get3A_45 = vector.load %arg8[%get3A_43, %get3A_44] : memref<2x64xf32, #tpu.memory_space<vmem>>, vector<1x64xf32>
    %add3A_46 = vector.broadcast %get3A_45 : vector<1x64xf32> to vector<1000x64xf32>
    %add3A_47 = arith.addf %dot_general3A_42, %add3A_46 : vector<1000x64xf32>
    %mul3A = vector.broadcast %add3A_33 : vector<1000x1xf32> to vector<1000x64xf32>
    %mul3A_48 = arith.mulf %mul3A, %add3A_47 : vector<1000x64xf32>
    %get3A_49 = arith.constant 0 : index
    %get3A_50 = arith.constant 0 : index
    %get3A_51 = vector.load %arg6[%get3A_49, %get3A_50] : memref<64x64xf32, #tpu.memory_space<vmem>>, vector<64x64xf32>
    %dot_general3A_52 = arith.constant dense<0.000000e+00> : vector<1000x64xf32>
    %dot_general3A_53 = tpu.matmul %convert_element_type3A_9, %get3A_51, %dot_general3A_52 {dimension_numbers = #tpu.dot_dimension_numbers<[1], [0], [0], [1], [0, 0, 1, 1], [], []>, precision = #tpu.contract_precision<fp32>, transpose_lhs_hint = false} : vector<1000x64xf32>, vector<64x64xf32>, vector<1000x64xf32> -> vector<1000x64xf32>
    %add3A_54 = arith.addf %mul3A_48, %dot_general3A_53 : vector<1000x64xf32>
    %get3A_55 = arith.constant 0 : index
    %get3A_56 = arith.constant 0 : index
    %get3A_57 = vector.load %arg7[%get3A_55, %get3A_56] : memref<16x64xf32, #tpu.memory_space<vmem>>, vector<16x64xf32>
    %dot_general3A_58 = arith.constant dense<0.000000e+00> : vector<1000x64xf32>
    %dot_general3A_59 = tpu.matmul %convert_element_type3A_22, %get3A_57, %dot_general3A_58 {dimension_numbers = #tpu.dot_dimension_numbers<[1], [0], [0], [1], [0, 0, 1, 1], [], []>, precision = #tpu.contract_precision<fp32>, transpose_lhs_hint = false} : vector<1000x16xf32>, vector<16x64xf32>, vector<1000x64xf32> -> vector<1000x64xf32>
    %add3A_60 = arith.addf %add3A_54, %dot_general3A_59 : vector<1000x64xf32>
    %get3A_61 = arith.constant 1 : index
    %get3A_62 = arith.constant 0 : index
    %get3A_63 = vector.load %arg8[%get3A_61, %get3A_62] : memref<2x64xf32, #tpu.memory_space<vmem>>, vector<1x64xf32>
    %add3A_64 = vector.broadcast %get3A_63 : vector<1x64xf32> to vector<1000x64xf32>
    %add3A_65 = arith.addf %add3A_60, %add3A_64 : vector<1000x64xf32>
    %swap3A = arith.constant 0 : index
    %swap3A_66 = arith.constant 0 : index
    %swap3A_67 = vector.load %arg9[%swap3A, %swap3A_66] : memref<1000x64xf32, #tpu.memory_space<vmem>>, vector<1000x64xf32>
    tpu.vector_store %arg9[%swap3A, %swap3A_66], %add3A_65 {strides = array<i32>} : memref<1000x64xf32, #tpu.memory_space<vmem>>, vector<1000x64xf32>,
    return
  }
  func.func @transform_0(%arg0: i32) -> (i32, i32) {
    %c0_i32 = arith.constant 0 : i32
    %c0_i32_0 = arith.constant 0 : i32
    return %arg0, %c0_i32 : i32, i32
  }
  func.func @transform_1(%arg0: i32) -> (i32, i32, i32) {
    %c0_i32 = arith.constant 0 : i32
    %c0_i32_0 = arith.constant 0 : i32
    %c0_i32_1 = arith.constant 0 : i32
    return %c0_i32, %arg0, %c0_i32_0 : i32, i32, i32
  }
  func.func @transform_2(%arg0: i32) -> (i32, i32, i32) {
    %c0_i32 = arith.constant 0 : i32
    %c0_i32_0 = arith.constant 0 : i32
    %c0_i32_1 = arith.constant 0 : i32
    return %c0_i32, %arg0, %c0_i32_0 : i32, i32, i32
  }
  func.func @transform_3(%arg0: i32) -> (i32, i32, i32) {
    %c0_i32 = arith.constant 0 : i32
    %c0_i32_0 = arith.constant 0 : i32
    %c0_i32_1 = arith.constant 0 : i32
    return %c0_i32, %arg0, %c0_i32_0 : i32, i32, i32
  }
  func.func @transform_4(%arg0: i32) -> (i32, i32) {
    %c0_i32 = arith.constant 0 : i32
    %c0_i32_0 = arith.constant 0 : i32
    %c0_i32_1 = arith.constant 0 : i32
    return %c0_i32, %c0_i32_0 : i32, i32
  }
  func.func @transform_5(%arg0: i32) -> (i32, i32) {
    %c0_i32 = arith.constant 0 : i32
    %c0_i32_0 = arith.constant 0 : i32
    %c0_i32_1 = arith.constant 0 : i32
    return %c0_i32, %c0_i32_0 : i32, i32
  }
  func.func @transform_6(%arg0: i32) -> (i32, i32) {
    %c0_i32 = arith.constant 0 : i32
    %c0_i32_0 = arith.constant 0 : i32
    %c0_i32_1 = arith.constant 0 : i32
    return %c0_i32, %c0_i32_0 : i32, i32
  }
  func.func @transform_7(%arg0: i32) -> (i32, i32) {
    %c0_i32 = arith.constant 0 : i32
    %c0_i32_0 = arith.constant 0 : i32
    %c0_i32_1 = arith.constant 0 : i32
    return %c0_i32, %c0_i32_0 : i32, i32
  }
  func.func @transform_8(%arg0: i32) -> (i32, i32) {
    %c0_i32 = arith.constant 0 : i32
    %c0_i32_0 = arith.constant 0 : i32
    return %arg0, %c0_i32 : i32, i32
  }
}

module attributes {stable_mosaic.version = 14 : i64} {
  func.func @_narrow_body(%arg0: i32, %arg1: memref<1000x64xf32, #tpu.memory_space<vmem>>, %arg2: memref<64x2xf32, #tpu.memory_space<vmem>>, %arg3: memref<1x2xf32, #tpu.memory_space<vmem>>, %arg4: memref<1000x16xf32, #tpu.memory_space<vmem>>) attributes {dimension_semantics = [#tpu.dimension_semantics<arbitrary>], iteration_bounds = array<i64: 10>, scalar_prefetch = 0 : i64, scratch_operands = 0 : i64, tpu.core_type = #tpu.core_type<tc>, window_params = [{transform_indices = @transform_0, window_bounds = array<i64: 1000, 64>}, {pipeline_mode = #tpu.pipeline_mode<synchronous>, transform_indices = @transform_1, window_bounds = array<i64: 64, 2>}, {pipeline_mode = #tpu.pipeline_mode<synchronous>, transform_indices = @transform_2, window_bounds = array<i64: 1, 2>}, {transform_indices = @transform_3, window_bounds = array<i64: 1000, 16>}]} {
    %get3A = arith.constant 0 : index
    %get3A_0 = arith.constant 0 : index
    %get3A_1 = vector.load %arg1[%get3A, %get3A_0] : memref<1000x64xf32, #tpu.memory_space<vmem>>, vector<1000x64xf32>
    %convert_element_type3A = arith.truncf %get3A_1 : vector<1000x64xf32> to vector<1000x64xbf16>
    %convert_element_type3A_2 = arith.extf %convert_element_type3A : vector<1000x64xbf16> to vector<1000x64xf32>
    %get3A_3 = arith.constant 0 : index
    %get3A_4 = arith.constant 0 : index
    %get3A_5 = vector.load %arg2[%get3A_3, %get3A_4] : memref<64x2xf32, #tpu.memory_space<vmem>>, vector<64x2xf32>
    %dot_general3A = arith.constant dense<0.000000e+00> : vector<1000x2xf32>
    %dot_general3A_6 = tpu.matmul %convert_element_type3A_2, %get3A_5, %dot_general3A {dimension_numbers = #tpu.dot_dimension_numbers<[1], [0], [0], [1], [0, 0, 1, 1], [], []>, precision = #tpu.contract_precision<fp32>, transpose_lhs_hint = false} : vector<1000x64xf32>, vector<64x2xf32>, vector<1000x2xf32> -> vector<1000x2xf32>
    %get3A_7 = arith.constant 0 : index
    %get3A_8 = arith.constant 0 : index
    %get3A_9 = vector.load %arg3[%get3A_7, %get3A_8] : memref<1x2xf32, #tpu.memory_space<vmem>>, vector<1x2xf32>
    %add3A = vector.broadcast %get3A_9 : vector<1x2xf32> to vector<1000x2xf32>
    %add3A_10 = arith.addf %dot_general3A_6, %add3A : vector<1000x2xf32>
    %broadcast_in_dim3A = arith.constant 0.000000e+00 : f32
    %broadcast_in_dim3A_11 = vector.broadcast %broadcast_in_dim3A : f32 to vector<1000x14xf32>
    %concatenate3A = tpu.concatenate %add3A_10, %broadcast_in_dim3A_11 in 1 : vector<1000x2xf32>, vector<1000x14xf32> -> vector<1000x16xf32>
    %swap3A = arith.constant 0 : index
    %swap3A_12 = arith.constant 0 : index
    %swap3A_13 = vector.load %arg4[%swap3A, %swap3A_12] : memref<1000x16xf32, #tpu.memory_space<vmem>>, vector<1000x16xf32>
    tpu.vector_store %arg4[%swap3A, %swap3A_12], %concatenate3A {strides = array<i32>} : memref<1000x16xf32, #tpu.memory_space<vmem>>, vector<1000x16xf32>,
    return
  }
  func.func @transform_0(%arg0: i32) -> (i32, i32) {
    %c0_i32 = arith.constant 0 : i32
    %c0_i32_0 = arith.constant 0 : i32
    return %arg0, %c0_i32 : i32, i32
  }
  func.func @transform_1(%arg0: i32) -> (i32, i32) {
    %c0_i32 = arith.constant 0 : i32
    %c0_i32_0 = arith.constant 0 : i32
    %c0_i32_1 = arith.constant 0 : i32
    return %c0_i32, %c0_i32_0 : i32, i32
  }
  func.func @transform_2(%arg0: i32) -> (i32, i32) {
    %c0_i32 = arith.constant 0 : i32
    %c0_i32_0 = arith.constant 0 : i32
    %c0_i32_1 = arith.constant 0 : i32
    return %c0_i32, %c0_i32_0 : i32, i32
  }
  func.func @transform_3(%arg0: i32) -> (i32, i32) {
    %c0_i32 = arith.constant 0 : i32
    %c0_i32_0 = arith.constant 0 : i32
    return %arg0, %c0_i32 : i32, i32
  }
}

module attributes {stable_mosaic.version = 14 : i64} {
  func.func @_final_body(%arg0: i32, %arg1: memref<1000x16xf32, #tpu.memory_space<vmem>>, %arg2: memref<2x1000x16xf32, #tpu.memory_space<vmem>>, %arg3: memref<2x1000x16xf32, #tpu.memory_space<vmem>>, %arg4: memref<2x1000x16xf32, #tpu.memory_space<vmem>>, %arg5: memref<16x1xf32, #tpu.memory_space<vmem>>, %arg6: memref<1000x1xi32, #tpu.memory_space<vmem>>, %arg7: memref<1x1xf32, #tpu.memory_space<vmem>>, %arg8: memref<1x16xf32, #tpu.memory_space<vmem>>, %arg9: memref<2x16xf32, #tpu.memory_space<vmem>>) attributes {dimension_semantics = [#tpu.dimension_semantics<arbitrary>], iteration_bounds = array<i64: 10>, scalar_prefetch = 0 : i64, scratch_operands = 1 : i64, tpu.core_type = #tpu.core_type<tc>, window_params = [{transform_indices = @transform_0, window_bounds = array<i64: 1000, 16>}, {transform_indices = @transform_1, window_bounds = array<i64: 2, 1000, 16>}, {transform_indices = @transform_2, window_bounds = array<i64: 2, 1000, 16>}, {transform_indices = @transform_3, window_bounds = array<i64: 2, 1000, 16>}, {pipeline_mode = #tpu.pipeline_mode<synchronous>, transform_indices = @transform_4, window_bounds = array<i64: 16, 1>}, {transform_indices = @transform_5, window_bounds = array<i64: 1000, 1>}, {pipeline_mode = #tpu.pipeline_mode<synchronous>, transform_indices = @transform_6, window_bounds = array<i64: 1, 1>}, {pipeline_mode = #tpu.pipeline_mode<synchronous>, transform_indices = @transform_7, window_bounds = array<i64: 1, 16>}]} {
    %get3A = arith.constant 0 : index
    %get3A_0 = arith.constant 0 : index
    %get3A_1 = arith.constant 0 : index
    %get3A_2 = vector.load %arg3[%get3A, %get3A_0, %get3A_1] : memref<2x1000x16xf32, #tpu.memory_space<vmem>>, vector<1x1000x16xf32>
    %get3A_3 = vector.shape_cast %get3A_2 : vector<1x1000x16xf32> to vector<1000x16xf32>
    %get3A_4 = arith.constant 1 : index
    %get3A_5 = arith.constant 0 : index
    %get3A_6 = arith.constant 0 : index
    %get3A_7 = vector.load %arg3[%get3A_4, %get3A_5, %get3A_6] : memref<2x1000x16xf32, #tpu.memory_space<vmem>>, vector<1x1000x16xf32>
    %get3A_8 = vector.shape_cast %get3A_7 : vector<1x1000x16xf32> to vector<1000x16xf32>
    %add3A = arith.addf %get3A_3, %get3A_8 : vector<1000x16xf32>
    %get3A_9 = arith.constant 0 : index
    %get3A_10 = arith.constant 0 : index
    %get3A_11 = arith.constant 0 : index
    %get3A_12 = vector.load %arg4[%get3A_9, %get3A_10, %get3A_11] : memref<2x1000x16xf32, #tpu.memory_space<vmem>>, vector<1x1000x1xf32>
    %get3A_13 = vector.shape_cast %get3A_12 : vector<1x1000x1xf32> to vector<1000x1xf32>
    %get3A_14 = arith.constant 1 : index
    %get3A_15 = arith.constant 0 : index
    %get3A_16 = arith.constant 0 : index
    %get3A_17 = vector.load %arg4[%get3A_14, %get3A_15, %get3A_16] : memref<2x1000x16xf32, #tpu.memory_space<vmem>>, vector<1x1000x1xf32>
    %get3A_18 = vector.shape_cast %get3A_17 : vector<1x1000x1xf32> to vector<1000x1xf32>
    %add3A_19 = arith.addf %get3A_13, %get3A_18 : vector<1000x1xf32>
    %get3A_20 = arith.constant 0 : index
    %get3A_21 = arith.constant 0 : index
    %get3A_22 = arith.constant 0 : index
    %get3A_23 = vector.load %arg2[%get3A_20, %get3A_21, %get3A_22] : memref<2x1000x16xf32, #tpu.memory_space<vmem>>, vector<1x1000x1xf32>
    %get3A_24 = vector.shape_cast %get3A_23 : vector<1x1000x1xf32> to vector<1000x1xf32>
    %get3A_25 = arith.constant 1 : index
    %get3A_26 = arith.constant 0 : index
    %get3A_27 = arith.constant 0 : index
    %get3A_28 = vector.load %arg2[%get3A_25, %get3A_26, %get3A_27] : memref<2x1000x16xf32, #tpu.memory_space<vmem>>, vector<1x1000x1xf32>
    %get3A_29 = vector.shape_cast %get3A_28 : vector<1x1000x1xf32> to vector<1000x1xf32>
    %add3A_30 = arith.addf %get3A_24, %get3A_29 : vector<1000x1xf32>
    %get3A_31 = arith.constant 0 : index
    %get3A_32 = arith.constant 1 : index
    %get3A_33 = vector.load %arg1[%get3A_31, %get3A_32] : memref<1000x16xf32, #tpu.memory_space<vmem>>, vector<1000x1xf32>
    %mul3A = arith.mulf %add3A_19, %get3A_33 : vector<1000x1xf32>
    %add3A_34 = arith.addf %mul3A, %add3A_30 : vector<1000x1xf32>
    %convert_element_type3A = arith.truncf %add3A : vector<1000x16xf32> to vector<1000x16xbf16>
    %convert_element_type3A_35 = arith.extf %convert_element_type3A : vector<1000x16xbf16> to vector<1000x16xf32>
    %get3A_36 = arith.constant 0 : index
    %get3A_37 = arith.constant 0 : index
    %get3A_38 = vector.load %arg5[%get3A_36, %get3A_37] : memref<16x1xf32, #tpu.memory_space<vmem>>, vector<16x1xf32>
    %dot_general3A = arith.constant dense<0.000000e+00> : vector<1000x1xf32>
    %dot_general3A_39 = tpu.matmul %convert_element_type3A_35, %get3A_38, %dot_general3A {dimension_numbers = #tpu.dot_dimension_numbers<[1], [0], [0], [1], [0, 0, 1, 1], [], []>, precision = #tpu.contract_precision<fp32>, transpose_lhs_hint = false} : vector<1000x16xf32>, vector<16x1xf32>, vector<1000x1xf32> -> vector<1000x1xf32>
    %add3A_40 = arith.addf %add3A_34, %dot_general3A_39 : vector<1000x1xf32>
    %iota3A = tpu.iota {dimensions = array<i32: 1>} : vector<1000x16xi32>
    %get3A_41 = arith.constant 0 : index
    %get3A_42 = arith.constant 0 : index
    %get3A_43 = vector.load %arg6[%get3A_41, %get3A_42] : memref<1000x1xi32, #tpu.memory_space<vmem>>, vector<1000x1xi32>
    %eq3A = vector.broadcast %get3A_43 : vector<1000x1xi32> to vector<1000x16xi32>
    %eq3A_44 = arith.cmpi eq, %eq3A, %iota3A : vector<1000x16xi32>
    %convert_element_type3A_45 = arith.extui %eq3A_44 : vector<1000x16xi1> to vector<1000x16xi32>
    %convert_element_type3A_46 = arith.sitofp %convert_element_type3A_45 : vector<1000x16xi32> to vector<1000x16xf32>
    %mul3A_47 = vector.broadcast %add3A_40 : vector<1000x1xf32> to vector<1000x16xf32>
    %mul3A_48 = arith.mulf %convert_element_type3A_46, %mul3A_47 : vector<1000x16xf32>
    %reduce_sum3A = arith.constant dense<0.000000e+00> : vector<16xf32>
    %reduce_sum3A_49 = vector.multi_reduction <add>, %mul3A_48, %reduce_sum3A [0] : vector<1000x16xf32> to vector<16xf32>
    %broadcast_in_dim3A = vector.shape_cast %reduce_sum3A_49 : vector<16xf32> to vector<1x16xf32>
    %reduce_sum3A_50 = arith.constant dense<0.000000e+00> : vector<16xf32>
    %reduce_sum3A_51 = vector.multi_reduction <add>, %convert_element_type3A_46, %reduce_sum3A_50 [0] : vector<1000x16xf32> to vector<16xf32>
    %broadcast_in_dim3A_52 = vector.shape_cast %reduce_sum3A_51 : vector<16xf32> to vector<1x16xf32>
    %concatenate3A = tpu.concatenate %broadcast_in_dim3A, %broadcast_in_dim3A_52 in 0 : vector<1x16xf32>, vector<1x16xf32> -> vector<2x16xf32>
    %eq3A_53 = arith.constant 0 : i32
    %eq3A_54 = arith.cmpi eq, %arg0, %eq3A_53 : i32
    %convert_element_type3A_55 = arith.extui %eq3A_54 : i1 to i32
    %cond3A = arith.constant 0 : i32
    %cond3A_56 = arith.cmpi ne, %convert_element_type3A_55, %cond3A : i32
    scf.if %cond3A_56 {
      %broadcast_in_dim3A_68 = arith.constant 0.000000e+00 : f32
      %broadcast_in_dim3A_69 = vector.broadcast %broadcast_in_dim3A_68 : f32 to vector<2x16xf32>
      %swap3A_70 = arith.constant 0 : index
      %swap3A_71 = arith.constant 0 : index
      %swap3A_72 = vector.load %arg9[%swap3A_70, %swap3A_71] : memref<2x16xf32, #tpu.memory_space<vmem>>, vector<2x16xf32>
      tpu.vector_store %arg9[%swap3A_70, %swap3A_71], %broadcast_in_dim3A_69 {strides = array<i32>} : memref<2x16xf32, #tpu.memory_space<vmem>>, vector<2x16xf32>,
    } else {
    }
    %get3A_57 = arith.constant 0 : index
    %get3A_58 = arith.constant 0 : index
    %get3A_59 = vector.load %arg9[%get3A_57, %get3A_58] : memref<2x16xf32, #tpu.memory_space<vmem>>, vector<2x16xf32>
    %add3A_60 = arith.addf %get3A_59, %concatenate3A : vector<2x16xf32>
    %swap3A = arith.constant 0 : index
    %swap3A_61 = arith.constant 0 : index
    %swap3A_62 = vector.load %arg9[%swap3A, %swap3A_61] : memref<2x16xf32, #tpu.memory_space<vmem>>, vector<2x16xf32>
    tpu.vector_store %arg9[%swap3A, %swap3A_61], %add3A_60 {strides = array<i32>} : memref<2x16xf32, #tpu.memory_space<vmem>>, vector<2x16xf32>,
    %eq3A_63 = arith.constant 9 : i32
    %eq3A_64 = arith.cmpi eq, %arg0, %eq3A_63 : i32
    %convert_element_type3A_65 = arith.extui %eq3A_64 : i1 to i32
    %cond3A_66 = arith.constant 0 : i32
    %cond3A_67 = arith.cmpi ne, %convert_element_type3A_65, %cond3A_66 : i32
    scf.if %cond3A_67 {
      %get3A_68 = arith.constant 0 : index
      %get3A_69 = arith.constant 0 : index
      %get3A_70 = vector.load %arg9[%get3A_68, %get3A_69] : memref<2x16xf32, #tpu.memory_space<vmem>>, vector<2x16xf32>
      %slice3A = vector.extract_strided_slice %get3A_70 {offsets = [0, 0], sizes = [1, 16], strides = [1, 1]} : vector<2x16xf32> to vector<1x16xf32>
      %slice3A_71 = vector.extract_strided_slice %get3A_70 {offsets = [1, 0], sizes = [1, 16], strides = [1, 1]} : vector<2x16xf32> to vector<1x16xf32>
      %max3A = arith.constant 1.000000e+00 : f32
      %max3A_72 = vector.broadcast %max3A : f32 to vector<1x16xf32>
      %max3A_73 = arith.maximumf %slice3A_71, %max3A_72 : vector<1x16xf32>
      %div3A = arith.divf %slice3A, %max3A_73 : vector<1x16xf32>
      %get3A_74 = arith.constant 0 : index
      %get3A_75 = arith.constant 0 : index
      %get3A_76 = vector.load %arg7[%get3A_74, %get3A_75] : memref<1x1xf32, #tpu.memory_space<vmem>>, vector<1x1xf32>
      %add3A_77 = vector.broadcast %get3A_76 : vector<1x1xf32> to vector<1x16xf32>
      %add3A_78 = arith.addf %div3A, %add3A_77 : vector<1x16xf32>
      %swap3A_79 = arith.constant 0 : index
      %swap3A_80 = arith.constant 0 : index
      %swap3A_81 = vector.load %arg8[%swap3A_79, %swap3A_80] : memref<1x16xf32, #tpu.memory_space<vmem>>, vector<1x16xf32>
      tpu.vector_store %arg8[%swap3A_79, %swap3A_80], %add3A_78 {strides = array<i32>} : memref<1x16xf32, #tpu.memory_space<vmem>>, vector<1x16xf32>,
    } else {
    }
    return
  }
  func.func @transform_0(%arg0: i32) -> (i32, i32) {
    %c0_i32 = arith.constant 0 : i32
    %c0_i32_0 = arith.constant 0 : i32
    return %arg0, %c0_i32 : i32, i32
  }
  func.func @transform_1(%arg0: i32) -> (i32, i32, i32) {
    %c0_i32 = arith.constant 0 : i32
    %c0_i32_0 = arith.constant 0 : i32
    %c0_i32_1 = arith.constant 0 : i32
    return %c0_i32, %arg0, %c0_i32_0 : i32, i32, i32
  }
  func.func @transform_2(%arg0: i32) -> (i32, i32, i32) {
    %c0_i32 = arith.constant 0 : i32
    %c0_i32_0 = arith.constant 0 : i32
    %c0_i32_1 = arith.constant 0 : i32
    return %c0_i32, %arg0, %c0_i32_0 : i32, i32, i32
  }
  func.func @transform_3(%arg0: i32) -> (i32, i32, i32) {
    %c0_i32 = arith.constant 0 : i32
    %c0_i32_0 = arith.constant 0 : i32
    %c0_i32_1 = arith.constant 0 : i32
    return %c0_i32, %arg0, %c0_i32_0 : i32, i32, i32
  }
  func.func @transform_4(%arg0: i32) -> (i32, i32) {
    %c0_i32 = arith.constant 0 : i32
    %c0_i32_0 = arith.constant 0 : i32
    %c0_i32_1 = arith.constant 0 : i32
    return %c0_i32, %c0_i32_0 : i32, i32
  }
  func.func @transform_5(%arg0: i32) -> (i32, i32) {
    %c0_i32 = arith.constant 0 : i32
    %c0_i32_0 = arith.constant 0 : i32
    return %arg0, %c0_i32 : i32, i32
  }
  func.func @transform_6(%arg0: i32) -> (i32, i32) {
    %c0_i32 = arith.constant 0 : i32
    %c0_i32_0 = arith.constant 0 : i32
    %c0_i32_1 = arith.constant 0 : i32
    return %c0_i32, %c0_i32_0 : i32, i32
  }
  func.func @transform_7(%arg0: i32) -> (i32, i32) {
    %c0_i32 = arith.constant 0 : i32
    %c0_i32_0 = arith.constant 0 : i32
    %c0_i32_1 = arith.constant 0 : i32
    return %c0_i32, %c0_i32_0 : i32, i32
  }
}

</mosaic_0001>

<sc_bundles>
// kernel: kernel.10.cloned.1.call-start
scs
__scs_entry_jumppad:
0x0: {  	(pc) =	sbr.rel $0x88, $3  }
0x1: {  	(tag) =	ssettag $0x0;
	lr =	simm.s32 $0x1  }
0x2: {  	[smem:$0x3F7B] =	sst lr;
	_ =	strace $0xD0000000  }
0x3: {  	_ = 	snop  }
0x4: {  	_ = 	snop  }
0x5: {  	_ = 	snop  }
0x6: {  	_ = 	snop  }
0x7: {  	_ = 	snop  }
__scs_overlays_trampoline_lowered:
0x8: {  	[smem:$0x3F8A] =	sst s0  }
0x9: {  	[smem:$0x3F8B] =	sst s1  }
0xa: {  	[smem:$0x3F8C] =	sst s2  }
0xb: {  	[smem:$0x3F8D] =	sst s3  }
0xc: {  	[smem:$0x3F8E] =	sst s4  }
0xd: {  	[smem:$0x3F8F] =	sst s5  }
0xe: {  	[smem:$0x3F90] =	sst s6  }
0xf: {  	[smem:$0x3F91] =	sst s7  }
0x10: {  	[smem:$0x3F92] =	sst s8  }
0x11: {  	[smem:$0x3F93] =	sst s9;
	s0 =	simm.s32 @!p0 $0x0  }
0x12: {  	s1 =	sld [smem:$0x3F79];
	s0 =	simm.s32 @p0 $0x1  }
0x13: {  	[smem:$0x3F94] =	sst s0;
	s0 =	simm.s32 @!p1 $0x0  }
0x14: {  	s2 =	sld [smem:$0x3F78];
	s0 =	simm.s32 @p1 $0x1  }
0x15: {  	[smem:$0x3F95] =	sst s0;
	s0 =	simm.s32 @!p2 $0x0  }
0x16: {  	s3 =	sld [smem:$0x3FDB];
	s0 =	simm.s32 @p2 $0x1  }
0x17: {  	s4 =	simm.s32 $0x1BF5;
	[smem:$0x3F97] =	sst s0  }
0x18: {  	s0 =	sld [smem:$0x3F7A];
	_ =	swait.ge [sflag:s4], $0x0  }
0x19: {  	s7 =	sld [smem:$0x3F7B]  }
0x1a: {  	s8 =	sadd.s32 $0xFFFFE003, lr  }
0x1b: {  	s9 =	sadd.s32 $0xFFFFFEF7, lr;
	s5 =	simm.s32 $0xFFFFFFFF;
	p2 =	slt.u32 s8, $0xFFFFF086  }
0x1c: {  	p1 =	slt.u32 s9, $0xF7A;
	s5 =	simm.s32 @!p2 $0x0  }
0x1d: {  	s5 =	simm.s32 @p1 $0x1;
	p0 =	seq.s32 s7, s2  }
0x1e: {  	s7 =	smul.u32 @!p0 $0xF7A, s2;
	p2 =	seq.s32 @!p0 s5, $0x0  }
0x1f: {  	s9 =	smul.u32 $0xF7A, s1;
	s8 =	simm.s32 @!p0 $0x1BF5;
	p2 =	por !p2, p0  }
0x20: {  	[sflag:s8] =	ssyncset.s32 @!p0 $0xFFFFF086;
	s6 =	sadd.s32 @!p0 s3, s7;
	s7 =	simm.s32 @!p0 $0x108  }
0x21: {  	s3 =	sadd.s32 s3, s9;
	s6 =	sadd.s32 @!p0 $0x88, s6;
	s7 =	simm.s32 @p2 $0x1082  }
0x22: {  	[simem:s7], [sflag:s8] =	dma.local @!p0 [hbm:s6], $0xF7A  }
0x23: {  	s9 =	sor.u32 $0xD0000000, s2;
	s6 =	simm.s32 $0x108;
	_ =	swait.ge @!p0 [sflag:s8], $0x0  }
0x24: {  	s3 =	sadd.s32 $0x88, s3;
	s6 =	simm.s32 @!p1 $0x1082;
	[sflag:s4] =	ssyncset.s32 $0xFFFFF086  }
0x25: {  	[simem:s6], [sflag:s4] =	dma.local [hbm:s3], $0xF7A  }
0x26: {  	[smem:$0x3F7B] =	sst s1;
	(tag) =	ssettag s2;
	_ =	strace s9  }
0x27: {  	s1 =	sld [smem:$0x3F8B]  }
0x28: {  	s2 =	sld [smem:$0x3F8C]  }
0x29: {  	s4 =	sld [smem:$0x3F8E]  }
0x2a: {  	p0 =	seq.s32 s5, $0x0;
	s5 =	sld [smem:$0x3F8F]  }
0x2b: {  	s6 =	sld [smem:$0x3F90]  }
0x2c: {  	s7 =	sld [smem:$0x3F91]  }
0x2d: {  	s3 =	simm.s32 $0x108;
	s8 =	sld [smem:$0x3F92]  }
0x2e: {  	s3 =	simm.s32 @!p0 $0x1082;
	s9 =	sld [smem:$0x3F93]  }
0x2f: {  	lr =	sadd.s32 s0, s3;
	s0 =	sld [smem:$0x3F8A]  }
0x30: {  	s3 =	sld [smem:$0x3F8D]  }
0x31: {  	[smem:$0x3F96] =	sst s10  }
0x32: {  	s10 =	sld [smem:$0x3F94];
	_ =	sdelay $0x3  }
0x33: {  	p0 =	seq.s32 s10, $0x1;
	s10 =	sld [smem:$0x3F96];
	_ =	sdelay $0x3  }
0x34: {  	[smem:$0x3F96] =	sst s10  }
0x35: {  	s10 =	sld [smem:$0x3F95];
	_ =	sdelay $0x3  }
0x36: {  	p1 =	seq.s32 s10, $0x1;
	s10 =	sld [smem:$0x3F96];
	_ =	sdelay $0x3  }
0x37: {  	[smem:$0x3F96] =	sst s10  }
0x38: {  	s10 =	sld [smem:$0x3F97]  }
0x39: {  	_ = 	snop;
	(pc) =	sbr.ind lr, $3  }
0x3a: {  	_ = 	snop  }
0x3b: {  	_ = 	snop  }
0x3c: {  	p2 =	seq.s32 s10, $0x1;
	s10 =	sld [smem:$0x3F96]  }
0x3d: {  	_ =	shalt  }
0x3e: {  	_ =	shalt  }
0x3f: {  	_ =	shalt  }
0x40: {  	_ =	shalt  }
0x41: {  	_ =	shalt  }
0x42: {  	_ =	shalt  }
0x43: {  	_ =	shalt  }
0x44: {  	_ =	shalt  }
0x45: {  	_ =	shalt  }
0x46: {  	_ =	shalt  }
0x47: {  	_ =	shalt  }
0x48: {  	_ =	shalt  }
0x49: {  	_ =	shalt  }
0x4a: {  	_ =	shalt  }
0x4b: {  	_ =	shalt  }
0x4c: {  	_ =	shalt  }
0x4d: {  	_ =	shalt  }
0x4e: {  	_ =	shalt  }
0x4f: {  	_ =	shalt  }
0x50: {  	_ =	shalt  }
0x51: {  	_ =	shalt  }
0x52: {  	_ =	shalt  }
0x53: {  	_ =	shalt  }
0x54: {  	_ =	shalt  }
0x55: {  	_ =	shalt  }
0x56: {  	_ =	shalt  }
0x57: {  	_ =	shalt  }
0x58: {  	_ =	shalt  }
0x59: {  	_ =	shalt  }
0x5a: {  	_ =	shalt  }
0x5b: {  	_ =	shalt  }
0x5c: {  	_ =	shalt  }
0x5d: {  	_ =	shalt  }
0x5e: {  	_ =	shalt  }
0x5f: {  	_ =	shalt  }
0x60: {  	_ =	shalt  }
0x61: {  	_ =	shalt  }
0x62: {  	_ =	shalt  }
0x63: {  	_ =	shalt  }
0x64: {  	_ =	shalt  }
0x65: {  	_ =	shalt  }
0x66: {  	_ =	shalt  }
0x67: {  	_ =	shalt  }
0x68: {  	_ =	shalt  }
0x69: {  	_ =	shalt  }
0x6a: {  	_ =	shalt  }
0x6b: {  	_ =	shalt  }
0x6c: {  	_ =	shalt  }
0x6d: {  	_ =	shalt  }
0x6e: {  	_ =	shalt  }
0x6f: {  	_ =	shalt  }
0x70: {  	_ =	shalt  }
0x71: {  	_ =	shalt  }
0x72: {  	_ =	shalt  }
0x73: {  	_ =	shalt  }
0x74: {  	_ =	shalt  }
0x75: {  	_ =	shalt  }
0x76: {  	_ =	shalt  }
0x77: {  	_ =	shalt  }
0x78: {  	_ =	shalt  }
0x79: {  	_ =	shalt  }
0x7a: {  	_ =	shalt  }
0x7b: {  	_ =	shalt  }
0x7c: {  	_ =	shalt  }
0x7d: {  	_ =	shalt  }
0x7e: {  	_ =	shalt  }
0x7f: {  	_ =	shalt  }
0x80: {  	_ =	shalt  }
0x81: {  	_ =	shalt  }
0x82: {  	_ =	shalt  }
0x83: {  	_ =	shalt  }
0x84: {  	_ =	shalt  }
0x85: {  	_ =	shalt  }
0x86: {  	_ =	shalt  }
0x87: {  	_ =	shalt  }
.Lfunc_end0:
.L_simem_size_0:
called_computation_lowered:
.L_overlay_start_0:
0x88: {  	s2 =	sld [smem:$0x3FD9]  }
0x89: {  	s3 =	sld [smem:$0x3FFE];
	_ =	sdelay $0x1  }
0x8a: {  	s1 =	srdreg.scid  }
0x8b: {  	s0 =	sand.u32 $0x1, s1  }
0x8c: {  	s16 =	sshll.u32 s0, $0xA;
	s2 =	sadd.s32 s3, s2  }
0x8d: {  	s2 =	sadd.s32 s2, s16  }
0x8e: {  	[smem:$0x3FA2] =	sst s2  }
0x8f: {  	_ = 	snop  }
0x90: {  	(tm) =	ssettm $0x1  }
0x91: {  	s17 =	sld [smem:$0x3FFB];
	_ =	sdelay $0x3  }
0x92: {  	_ =	strace s17  }
0x93: {  	s2 =	sld [smem:$0x3FFC];
	_ =	sdelay $0x3  }
0x94: {  	_ =	strace s2  }
0x95: {  	s2 =	sld [smem:$0x3FFD];
	_ =	sdelay $0x3  }
0x96: {  	_ =	strace s2  }
0x97: {  	_ =	strace $0x8FFFFFFF  }
0x98: {  	s18 =	sld [smem:$0x3FDB];
	_ =	sdelay $0x1  }
0x99: {  	s19 =	simm.s32 $_scs_section_size  }
0x9a: {  	s4 =	simm.s32 $_size__tile_overlayer_lowered;
	s5 =	simm.s32 $_tile_overlayer_lowered  }
0x9b: {  	s22 =	simm.s32 $0x1BFF;
	s21 =	sshll.u32 s5, $0x1;
	s2 =	sadd.s32 s19, s18  }
0x9c: {  	s6 =	simm.s32 $0x0;
	s20 =	sshll.u32 s4, $0x1;
	s4 =	sadd.s32 s21, s2  }
0x9d: {  	[timem:s6], [sflag:s22] =	dma.local [hbm:s4], s20  }
0x9e: {  	_ =	swait.ge [sflag:s22], s20  }
0x9f: {  	s3 =	ssub.s32 $0x0, s20;
	[sflag:s22] =	ssyncset.done $0x0  }
0xa0: {  	[sflag:s22] =	ssyncadd.s32 s3;
	_ =	sdelay $0x1  }
0xa1: {  	s23 =	simm.s32 $0x1B8B  }
0xa2: {  	_ =	swait.ge [sflag:s23], $0x1  }
0xa3: {  	[sflag:s23] =	ssyncset.done $0x0  }
0xa4: {  	s25 =	simm.s32 $0x1B8E;
	s24 =	sld [smem:$0x3FFE];
	[sflag:s23] =	ssyncadd.s32 $0xFFFFFFFF  }
0xa5: {  	s26 =	simm.s32 $execute0_lowered;
	[smem:$0x3FD2] =	sst s25  }
0xa6: {  	s4 =	sshll.u32 s26, $0x1;
	_ =	strace $0x80000046;
	[dreg:$0x1] =	wrdreg $0xFFFFFFFF  }
0xa7: {  	s28 =	simm.s32 $_size_execute0_lowered;
	s2 =	sadd.s32 s2, s4;
	[dreg:$0x0] =	wrdreg $0x0  }
0xa8: {  	s4 =	sshll.u32 s28, $0x1;
	[dreg:$0x2] =	wrdreg s2  }
0xa9: {  	[dreg:$0x3] =	wrdreg s4  }
0xaa: {  	[dreg:$0x4] =	wrdreg $0xC0  }
0xab: {  	_ =	task [dreg:s6], $0x5FFFF  }
0xac: {  	[dreg:$0x1] =	wrdreg $0xFFFFFFFF  }
0xad: {  	[dreg:$0x0] =	wrdreg $0x60  }
0xae: {  	[dreg:$0x2] =	wrdreg s24  }
0xaf: {  	[dreg:$0x3] =	wrdreg $0xE1000  }
0xb0: {  	[dreg:$0x4] =	wrdreg $0x17F000  }
0xb1: {  	[dreg:$0x5] =	wrdreg $0x9  }
0xb2: {  	_ =	task.clear_ibuf [dreg:s6], $0x6FFFF;
	_ =	strace $0x90000046  }
0xb3: {  	s29 =	simm.s32 $0x9;
	_ =	strace $0x80000048  }
0xb4: {  	_ =	swait.ge [sflag:s29], $0x1  }
0xb5: {  	[sflag:s29] =	ssyncadd.s32 $0xFFFFFFFF  }
0xb6: {  	_ =	strace $0x90000048  }
0xb7: {  	_ =	sfence  }
0xb8: {  	s30 =	sld [smem:$0x0];
	_ =	sdelay $0x2  }
0xb9: {  	s31 =	sshll.u32 s1, $0xD;
	s1 =	sshrl.u32 s1, $0x2  }
0xba: {  	s3 =	sand.u32 $0x4000, s31;
	s1 =	sadd.s32 s1, s30  }
0xbb: {  	s0 =	sor.u32 s3, s0;
	s1 =	sshll.u32 s1, $0x11  }
0xbc: {  	s0 =	sor.u32 s1, s0  }
0xbd: {  	s0 =	sadd.s32 $0x8F2B, s0  }
0xbe: {  	[sflag:s0] =	ssyncadd.remote.s32 $0x1  }
0xbf: {  	_ =	sfence.sel $0xFFFF  }
0xc0: {  	[dreg:$0x0] =	wrdreg $0xFFFFFFFF;
	(pc) =	sbr.abs _section_cstart, $3  }
0xc1: {  	[dreg:$0x1] =	wrdreg $0xFFFFFFFF  }
0xc2: {  	_ =	task.clear_ibuf [dreg:s6], $0x2FFFF;
	_ =	strace $0x9FFFFFFF  }
0xc3: {  	(tm) =	ssettm $0x7FFFFFFF  }
tec
execute0_lowered:
.L_overlay_start_1:
0x0: {  	(tag) =	ssettag $0x1  }
0x1: {  	s1 =	rddreg [dreg:$0x0]  }
0x2: {  	s0 =	srdreg.scid;
	s2 =	rddreg [dreg:$0x1]  }
0x3: {  	s18 =	stileid.u32;
	s3 =	rddreg [dreg:$0x2]  }
0x4: {  	s28 =	simm.s32 $0x7800;
	s29 =	simm.s32 $0xC800;
	s30 =	simm.s32 $0x8C00  }
0x5: {  	s31 =	simm.s32 $0xCD00;
	s0 =	sand.u32 $0x1, s0;
	s8 =	smul.u32 $0x9E00, s18  }
0x6: {  	s4 =	sshll.u32 s18, $0x8;
	s7 =	sadd.s32 $0x17600, s1;
	s12 =	smul.u32 $0x4F00, s18  }
0x7: {  	s26 =	sshll.u32 s18, $0x6;
	s5 =	sshll.u32 s0, $0x7;
	s13 =	smul.u32 $0x13C00, s0  }
0x8: {  	s15 =	smul.u32 $0x9E00, s0;
	s0 =	ssub.s32 $0x2, s0;
	s18 =	sor.u32 $0x1C09, s26  }
0x9: {  	s6 =	sor.u32 s5, s4;
	s4 =	simm.s32 $0x0;
	s11 =	sshrl.u32 s8, $0x3  }
0xa: {  	s14 =	sshrl.u32 s12, $0x3;
	s17 =	sshrl.u32 s0, $0x1;
	s8 =	sadd.s32 s8, s2  }
0xb: {  	s5 =	smul.u32 $0xA, s6;
	[smem:$0x7FF] =	sst s4;
	s10 =	sadd.s32 s11, s1  }
0xc: {  	s16 =	sadd.s32 s14, s1;
	s13 =	sadd.s32 s13, s1;
	s0 =	ssub.s32 s0, s17  }
0xd: {  	s17 =	sadd.s32 s12, s3;
	s24 =	sor.u32 $0x2, s6;
	s12 =	simm.s32 $0x4  }
0xe: {  	_ =	strace $0x80000047;
	[dreg:$0x4] =	wrdreg s7;
	s7 =	sadd.s32 $0x17800, s1  }
0xf: {  	[dreg:$0x5] =	wrdreg s8;
	s25 =	sadd.s32 $0x35200, s10;
	s10 =	smul.u32 $0xA0, s6  }
0x10: {  	[dreg:$0x8] =	wrdreg s17;
	s19 =	sadd.s32 $0x48E00, s16;
	s23 =	sadd.s32 $0x52C00, s13  }
0x11: {  	s0 =	smax.u32 s0, $0x1;
	[dreg:$0x10] =	wrdreg s24;
	s6 =	simm.s32 $0xB400  }
0x12: {  	s13 =	simm.s32 $0x6;
	s16 =	simm.s32 $0x8;
	[dreg:$0x7] =	wrdreg s18  }
0x13: {  	s17 =	simm.s32 $0x0;
	s9 =	sadd.s32 s5, s1;
	[dreg:$0x6] =	wrdreg s25  }
0x14: {  	s5 =	sadd.s32 $0x4F9600, s1;
	s1 =	sadd.s32 s15, s1;
	[dreg:$0x9] =	wrdreg s19  }
0x15: {  	[dreg:$0xf] =	wrdreg s0;
	s25 =	sadd.s32 s11, s23;
	s0 =	simm.s32 $0xA000  }
0x16: {  	s23 =	simm.s32 $0xD200;
	s20 =	sadd.s32 $0x2B200, s9;
	[dreg:$0x11] =	wrdreg s25  }
0x17: {  	s11 =	simm.s32 $0x5;
	s21 =	sadd.s32 $0x3600, s9;
	[dreg:$0xa] =	wrdreg s20  }
0x18: {  	s22 =	sadd.s32 s5, s10;
	s9 =	sadd.s32 $0xD600, s9;
	[dreg:$0xb] =	wrdreg s21  }
.Ltmp0:
0x19: {  	s1 =	sadd.s32 $0x7A400, s1;
	[dreg:$0xd] =	wrdreg s9;
	(pc) =	sbr.rel .LBB2_1-.Ltmp0, $4  }
0x1a: {  	s25 =	simm.s32 $0x2;
	[dreg:$0xc] =	wrdreg s22;
	s8 =	sadd.s32 $0xA0, s22  }
0x1b: {  	s20 =	simm.s32 $0x9;
	s21 =	simm.s32 $0xDC00;
	s26 =	sadd.s32 s14, s1  }
0x1c: {  	s1 =	simm.s32 $0x1;
	s9 =	simm.s32 $0x3;
	[dreg:$0xe] =	wrdreg s8  }
0x1d: {  	[dreg:$0x12] =	wrdreg s26;
	s26 =	simm.s32 $0x50;
	s8 =	simm.s32 $0xD700  }
.LBB2_4:
0x1e: {  	s10 =	simm.s32 $0x7  }
0x1f: {  	_ =	swait.ge [sflag:s10], $0x1400  }
0x20: {  	[sflag:s10] =	ssyncset.done $0x0  }
0x21: {  	[sflag:s10] =	ssyncadd.s32 $0xFFFFEC00  }
0x22: {  	_ =	swait.ge [sflag:s10], $0x500  }
0x23: {  	[sflag:s10] =	ssyncset.done $0x0  }
0x24: {  	[sflag:s10] =	ssyncadd.s32 $0xFFFFFB00  }
0x25: {  	_ =	swait.ge [sflag:s10], $0x500  }
0x26: {  	[sflag:s10] =	ssyncset.done $0x0  }
0x27: {  	[sflag:s10] =	ssyncadd.s32 $0xFFFFFB00  }
0x28: {  	_ =	swait.ge [sflag:s16], $0x1400  }
0x29: {  	[sflag:s16] =	ssyncset.done $0x0  }
0x2a: {  	[sflag:s16] =	ssyncadd.s32 $0xFFFFEC00  }
0x2b: {  	_ =	swait.ge [sflag:s16], $0x500  }
0x2c: {  	[sflag:s16] =	ssyncset.done $0x0  }
0x2d: {  	[sflag:s16] =	ssyncadd.s32 $0xFFFFFB00  }
0x2e: {  	_ =	swait.ge [sflag:s16], $0x500  }
0x2f: {  	[sflag:s16] =	ssyncset.done $0x0  }
0x30: {  	[sflag:s16] =	ssyncadd.s32 $0xFFFFFB00  }
0x31: {  	[bflag:$0x0] =	sbarrier.arrive $0xFFFF  }
0x32: {  	s18 =	rddreg [dreg:$0x7]  }
0x33: {  	s15 =	rddreg [dreg:$0x11]  }
0x34: {  	s14 =	rddreg [dreg:$0x13]  }
0x35: {  	[hbm:s15], [sflag:s18] =	dma.local [spmem:s14], $0x13C0  }
0x36: {  	_ =	swait.ge [sflag:s20], $0x13C0  }
0x37: {  	[sflag:s20] =	ssyncset.done $0x0;
	s19 =	rddreg [dreg:$0x12]  }
0x38: {  	s22 =	rddreg [dreg:$0x14];
	[sflag:s20] =	ssyncadd.s32 $0xFFFFEC40  }
0x39: {  	[hbm:s19], [sflag:s18] =	dma.local [spmem:s22], $0x9E0  }
0x3a: {  	_ =	swait.ge [sflag:s20], $0x9E0  }
0x3b: {  	s17 =	sadd.s32 $0x1, s17;
	s24 =	rddreg [dreg:$0xf]  }
0x3c: {  	p0 =	sne.s32 s17, s24  }
.Ltmp1:
0x3d: {  	_ = 	snop;
	(pc) =	sbr.rel @!p0 .LBB2_5-.Ltmp1, $3  }
0x3e: {  	_ =	sdelay $0x1  }
0x3f: {  	[sflag:s20] =	ssyncset.done $0x0  }
0x40: {  	[sflag:s20] =	ssyncadd.s32 $0xFFFFF620  }
.LBB2_1:
0x41: {  	s10 =	rddreg [dreg:$0x5]  }
0x42: {  	s24 =	rddreg [dreg:$0x6];
	s14 =	sshrl.u32 s10, $0x3  }
0x43: {  	[dreg:$0x13] =	wrdreg s14  }
0x44: {  	[spmem:s14], [sflag:s18] =	dma.local [hbm:s24], $0x13C0  }
0x45: {  	_ =	swait.ge [sflag:s20], $0x13C0  }
0x46: {  	s14 =	rddreg [dreg:$0x8]  }
0x47: {  	[sflag:s20] =	ssyncset.done $0x0;
	s19 =	rddreg [dreg:$0x9];
	s15 =	sshrl.u32 s14, $0x3  }
0x48: {  	[sflag:s20] =	ssyncadd.s32 $0xFFFFEC40;
	[dreg:$0x14] =	wrdreg s15  }
0x49: {  	[spmem:s15], [sflag:s18] =	dma.local [hbm:s19], $0x9E0  }
0x4a: {  	_ =	swait.ge [sflag:s20], $0x9E0  }
0x4b: {  	[sflag:s20] =	ssyncset.done $0x0  }
0x4c: {  	s22 =	rddreg [dreg:$0x4];
	[sflag:s20] =	ssyncadd.s32 $0xFFFFF620  }
0x4d: {  	[tilespmem:s21], [sflag:$0x9] =	stream.linear.gather [hbm4b:s22+s4], $0x500, $0x38;
	[tilespmem:$0x1CE00] =	vst v63  }
0x4e: {  	_ =	swait.ge [sflag:s20], $0x500  }
0x4f: {  	[sflag:s20] =	ssyncset.done $0x0  }
0x50: {  	s24 =	rddreg [dreg:$0xa];
	[sflag:s20] =	ssyncadd.s32 $0xFFFFFB00  }
0x51: {  	[tilespmem:s4], [sflag:$0x9] =	stream.linear.gather [hbm4b:s24+s4], $0x2800, $0x38;
	[tilespmem:$0x1CE00] =	vst v63  }
0x52: {  	_ =	swait.ge [sflag:s20], $0x2800  }
0x53: {  	[sflag:s20] =	ssyncset.done $0x0  }
0x54: {  	s15 =	simm.s32 $0x2800;
	s14 =	rddreg [dreg:$0xb];
	[sflag:s20] =	ssyncadd.s32 $0xFFFFD800  }
0x55: {  	[tilespmem:s15], [sflag:$0x9] =	stream.linear.gather [hbm4b:s14+s4], $0x2800, $0x38;
	[tilespmem:$0x1CE00] =	vst v63  }
0x56: {  	_ =	swait.ge [sflag:s20], $0x2800  }
0x57: {  	[sflag:s20] =	ssyncset.done $0x0  }
0x58: {  	s19 =	simm.s32 $0x5000;
	s18 =	rddreg [dreg:$0xd];
	[sflag:s20] =	ssyncadd.s32 $0xFFFFD800  }
0x59: {  	[tilespmem:s19], [sflag:$0x9] =	stream.linear.gather [hbm4b:s18+s4], $0x2800, $0x38;
	[tilespmem:$0x1CE00] =	vst v63  }
0x5a: {  	_ =	swait.ge [sflag:s20], $0x2800  }
0x5b: {  	[sflag:s20] =	ssyncset.done $0x0  }
0x5c: {  	[sflag:s20] =	ssyncadd.s32 $0xFFFFD800  }
0x5d: {  	[bflag:$0x0] =	sbarrier.arrive $0xFFFF  }
0x5e: {  	[tilespmem:s28], [sflag:$0x1] =	stream.indirect.gather [hbm4b:s7+s26], $0x40, s4, s26, $0xb8;
	[tilespmem:$0x1CE00] =	vst v63  }
0x5f: {  	s22 =	rddreg [dreg:$0xc]  }
0x60: {  	[tilespmem:s29], [sflag:$0x1] =	stream.linear.gather [hbm4b:s22+s4], $0x500, $0x38;
	[tilespmem:$0x1CE00] =	vst v63  }
0x61: {  	s24 =	rddreg [dreg:$0xe]  }
0x62: {  	[tilespmem:s30], [sflag:$0x2] =	stream.indirect.gather [hbm4b:s7+s26], $0x40, s26, s26, $0xb8;
	[tilespmem:$0x1CE00] =	vst v63  }
0x63: {  	s15 =	rddreg [dreg:$0x10];
	s22 =	simm.s32 $0x0  }
0x64: {  	[tilespmem:s31], [sflag:$0x2] =	stream.linear.gather [hbm4b:s24+s4], $0x500, $0x38;
	[tilespmem:$0x1CE00] =	vst v63  }
.LBB2_2:
0x65: {  	_ =	swait.ge [sflag:s1], $0x1400  }
0x66: {  	[sflag:s1] =	ssyncset.done $0x0  }
0x67: {  	[sflag:s1] =	ssyncadd.s32 $0xFFFFEC00  }
0x68: {  	_ =	swait.ge [sflag:s1], $0x500  }
0x69: {  	s24 =	sshra.s32 s22, $0x2;
	[sflag:s1] =	ssyncset.done $0x0  }
0x6a: {  	s18 =	sadd.s32 $0x2800, s24;
	[sflag:s1] =	ssyncadd.s32 $0xFFFFFB00  }
0x6b: {  	[spmem:s2] =	stream.indirect.scatter.add.f32 [tilespmem:s28], [sflag:$0x5], $0x40, s18, s26, $0xb8;
	[tilespmem:$0x1CE00] =	vst v63  }
0x6c: {  	p0 =	seq.s32 s22, $0x0  }
0x6d: {  	[spmem:s3] =	stream.indirect.scatter.add.f32 [tilespmem:s29], [sflag:$0x5], $0x10, s18, s26, $0xb8;
	[tilespmem:$0x1CE00] =	vst v63  }
0x6e: {  	s19 =	sadd.s32 $0x5000, s24;
	s18 =	simm.s32 @!p0 $0x7  }
0x6f: {  	[spmem:s3] =	stream.indirect.scatter.add.f32 [tilespmem:s21], [sflag:$0x5], $0x10, s19, s26, $0xb8;
	[tilespmem:$0x1CE00] =	vst v63  }
0x70: {  	_ =	swait.ge @!p0 [sflag:s18], $0x1400  }
0x71: {  	[sflag:s18] =	ssyncset.done @!p0 $0x0  }
0x72: {  	[sflag:s18] =	ssyncadd.s32 @!p0 $0xFFFFEC00  }
0x73: {  	_ =	swait.ge @!p0 [sflag:s18], $0x500  }
0x74: {  	[sflag:s18] =	ssyncset.done @!p0 $0x0  }
0x75: {  	[sflag:s18] =	ssyncadd.s32 @!p0 $0xFFFFFB00  }
0x76: {  	p1 =	slt.s32 s15, $0xF9F;
	s19 =	smov.u32 s15;
	_ =	swait.ge @!p0 [sflag:s18], $0x500  }
0x77: {  	s19 =	simm.s32 @!p1 $0xF9F;
	[sflag:s18] =	ssyncset.done @!p0 $0x0  }
0x78: {  	s10 =	sadd.s32 $0xA0, s24;
	s19 =	smul.u32 $0xA0, s19;
	[sflag:s18] =	ssyncadd.s32 @!p0 $0xFFFFFB00  }
0x79: {  	[tilespmem:s0], [sflag:$0x3] =	stream.indirect.gather [hbm4b:s7+s26], $0x40, s10, s26, $0xb8;
	[tilespmem:$0x1CE00] =	vst v63  }
0x7a: {  	s14 =	sadd.s32 s5, s19  }
0x7b: {  	[tilespmem:s23], [sflag:$0x3] =	stream.linear.gather [hbm4b:s14+s4], $0x500, $0x38;
	[tilespmem:$0x1CE00] =	vst v63  }
0x7c: {  	_ =	swait.ge [sflag:s25], $0x1400  }
0x7d: {  	[sflag:s25] =	ssyncset.done $0x0  }
0x7e: {  	[sflag:s25] =	ssyncadd.s32 $0xFFFFEC00  }
0x7f: {  	_ =	swait.ge [sflag:s25], $0x500  }
0x80: {  	[sflag:s25] =	ssyncset.done $0x0  }
0x81: {  	s19 =	sadd.s32 $0x2850, s24;
	[sflag:s25] =	ssyncadd.s32 $0xFFFFFB00  }
0x82: {  	[spmem:s2] =	stream.indirect.scatter.add.f32 [tilespmem:s30], [sflag:$0x6], $0x40, s19, s26, $0xb8;
	[tilespmem:$0x1CE00] =	vst v63  }
0x83: {  	_ = 	snop  }
0x84: {  	[spmem:s3] =	stream.indirect.scatter.add.f32 [tilespmem:s31], [sflag:$0x6], $0x10, s19, s26, $0xb8;
	[tilespmem:$0x1CE00] =	vst v63  }
0x85: {  	s18 =	simm.s32 @!p0 $0x8;
	s10 =	sadd.s32 $0x5050, s24  }
0x86: {  	[spmem:s3] =	stream.indirect.scatter.add.f32 [tilespmem:s21], [sflag:$0x6], $0x10, s10, s26, $0xb8;
	[tilespmem:$0x1CE00] =	vst v63  }
0x87: {  	_ =	swait.ge @!p0 [sflag:s18], $0x1400  }
0x88: {  	[sflag:s18] =	ssyncset.done @!p0 $0x0  }
0x89: {  	[sflag:s18] =	ssyncadd.s32 @!p0 $0xFFFFEC00  }
0x8a: {  	_ =	swait.ge @!p0 [sflag:s18], $0x500  }
0x8b: {  	[sflag:s18] =	ssyncset.done @!p0 $0x0  }
0x8c: {  	s19 =	sadd.s32 $0x1, s15;
	[sflag:s18] =	ssyncadd.s32 @!p0 $0xFFFFFB00  }
0x8d: {  	p1 =	slt.s32 s19, $0xF9F;
	_ =	swait.ge @!p0 [sflag:s18], $0x500  }
0x8e: {  	s19 =	simm.s32 @!p1 $0xF9F;
	[sflag:s18] =	ssyncset.done @!p0 $0x0  }
0x8f: {  	s14 =	sadd.s32 $0xF0, s24;
	s19 =	smul.u32 $0xA0, s19;
	[sflag:s18] =	ssyncadd.s32 @!p0 $0xFFFFFB00  }
0x90: {  	[tilespmem:s6], [sflag:$0x4] =	stream.indirect.gather [hbm4b:s7+s26], $0x40, s14, s26, $0xb8;
	[tilespmem:$0x1CE00] =	vst v63  }
0x91: {  	s19 =	sadd.s32 s5, s19  }
0x92: {  	[tilespmem:s8], [sflag:$0x4] =	stream.linear.gather [hbm4b:s19+s4], $0x500, $0x38;
	[tilespmem:$0x1CE00] =	vst v63  }
0x93: {  	_ =	swait.ge [sflag:s9], $0x1400  }
0x94: {  	[sflag:s9] =	ssyncset.done $0x0  }
0x95: {  	[sflag:s9] =	ssyncadd.s32 $0xFFFFEC00  }
0x96: {  	_ =	swait.ge [sflag:s9], $0x500  }
0x97: {  	[sflag:s9] =	ssyncset.done $0x0  }
0x98: {  	s10 =	sadd.s32 $0x28A0, s24;
	[sflag:s9] =	ssyncadd.s32 $0xFFFFFB00  }
0x99: {  	[spmem:s2] =	stream.indirect.scatter.add.f32 [tilespmem:s0], [sflag:$0x7], $0x40, s10, s26, $0xb8;
	[tilespmem:$0x1CE00] =	vst v63  }
0x9a: {  	_ = 	snop  }
0x9b: {  	[spmem:s3] =	stream.indirect.scatter.add.f32 [tilespmem:s23], [sflag:$0x7], $0x10, s10, s26, $0xb8;
	[tilespmem:$0x1CE00] =	vst v63  }
0x9c: {  	s14 =	sadd.s32 $0x50A0, s24  }
0x9d: {  	[spmem:s3] =	stream.indirect.scatter.add.f32 [tilespmem:s21], [sflag:$0x7], $0x10, s14, s26, $0xb8;
	[tilespmem:$0x1CE00] =	vst v63  }
0x9e: {  	_ =	swait.ge [sflag:s11], $0x1400  }
0x9f: {  	[sflag:s11] =	ssyncset.done $0x0  }
0xa0: {  	p0 =	seq.s32 s22, $0x9B00;
	[sflag:s11] =	ssyncadd.s32 $0xFFFFEC00  }
0xa1: {  	s18 =	sadd.s32 @!p0 $0x2, s15;
	_ =	swait.ge [sflag:s11], $0x500  }
0xa2: {  	p1 =	slt.s32 @!p0 s18, $0xF9F;
	[sflag:s11] =	ssyncset.done $0x0  }
0xa3: {  	p1 =	por !p1, p0;
	[sflag:s11] =	ssyncadd.s32 $0xFFFFFB00  }
0xa4: {  	s19 =	sshra.s32 @!p0 s22, $0x2;
	s18 =	simm.s32 @p1 $0xF9F;
	_ =	swait.ge [sflag:s11], $0x500  }
0xa5: {  	s19 =	sadd.s32 @!p0 $0x140, s19;
	s18 =	smul.u32 @!p0 $0xA0, s18;
	[sflag:s11] =	ssyncset.done $0x0  }
0xa6: {  	s10 =	simm.s32 @!p0 $0x50;
	s14 =	simm.s32 @!p0 $0x7800;
	[sflag:s11] =	ssyncadd.s32 $0xFFFFFB00  }
0xa7: {  	[tilespmem:s14], [sflag:$0x1] =	stream.indirect.gather @!p0 [hbm4b:s7+s10], $0x40, s19, s10, $0xb8;
	[tilespmem:$0x1CE00] =	vst v63  }
0xa8: {  	s10 =	sadd.s32 @!p0 s5, s18;
	s14 =	simm.s32 @!p0 $0x0;
	s18 =	simm.s32 @!p0 $0xC800  }
0xa9: {  	[tilespmem:s18], [sflag:$0x1] =	stream.linear.gather @!p0 [hbm4b:s10+s14], $0x500, $0x38;
	[tilespmem:$0x1CE00] =	vst v63  }
0xaa: {  	_ =	swait.ge [sflag:s12], $0x1400  }
0xab: {  	[sflag:s12] =	ssyncset.done $0x0  }
0xac: {  	[sflag:s12] =	ssyncadd.s32 $0xFFFFEC00  }
0xad: {  	_ =	swait.ge [sflag:s12], $0x500  }
0xae: {  	[sflag:s12] =	ssyncset.done $0x0  }
0xaf: {  	s18 =	sadd.s32 $0x28F0, s24;
	[sflag:s12] =	ssyncadd.s32 $0xFFFFFB00  }
0xb0: {  	[spmem:s2] =	stream.indirect.scatter.add.f32 [tilespmem:s6], [sflag:$0x8], $0x40, s18, s26, $0xb8;
	[tilespmem:$0x1CE00] =	vst v63  }
0xb1: {  	_ = 	snop  }
0xb2: {  	[spmem:s3] =	stream.indirect.scatter.add.f32 [tilespmem:s8], [sflag:$0x8], $0x10, s18, s26, $0xb8;
	[tilespmem:$0x1CE00] =	vst v63  }
0xb3: {  	s19 =	sadd.s32 $0x50F0, s24  }
0xb4: {  	[spmem:s3] =	stream.indirect.scatter.add.f32 [tilespmem:s21], [sflag:$0x8], $0x10, s19, s26, $0xb8;
	[tilespmem:$0x1CE00] =	vst v63  }
0xb5: {  	_ =	swait.ge [sflag:s13], $0x1400  }
0xb6: {  	[sflag:s13] =	ssyncset.done $0x0  }
0xb7: {  	[sflag:s13] =	ssyncadd.s32 $0xFFFFEC00  }
0xb8: {  	_ =	swait.ge [sflag:s13], $0x500  }
.Ltmp2:
0xb9: {  	[sflag:s13] =	ssyncset.done $0x0;
	(pc) =	sbr.rel @p0 .LBB2_4-.Ltmp2, $4  }
0xba: {  	[sflag:s13] =	ssyncadd.s32 $0xFFFFFB00  }
0xbb: {  	_ =	swait.ge [sflag:s13], $0x500  }
0xbc: {  	[sflag:s13] =	ssyncset.done $0x0  }
0xbd: {  	[sflag:s13] =	ssyncadd.s32 $0xFFFFFB00  }
0xbe: {  	s10 =	sadd.s32 $0x3, s15  }
0xbf: {  	p0 =	slt.s32 s10, $0xF9F  }
.Ltmp3:
0xc0: {  	s10 =	simm.s32 @!p0 $0xF9F;
	(pc) =	sbr.rel .LBB2_2-.Ltmp3, $4  }
0xc1: {  	s14 =	sadd.s32 $0x190, s24;
	s10 =	smul.u32 $0xA0, s10  }
0xc2: {  	[tilespmem:s30], [sflag:$0x2] =	stream.indirect.gather [hbm4b:s7+s26], $0x40, s14, s26, $0xb8;
	[tilespmem:$0x1CE00] =	vst v63  }
0xc3: {  	s22 =	sadd.s32 $0x500, s22;
	s15 =	sadd.s32 $0x4, s15;
	s10 =	sadd.s32 s5, s10  }
0xc4: {  	[tilespmem:s31], [sflag:$0x2] =	stream.linear.gather [hbm4b:s10+s4], $0x500, $0x38;
	[tilespmem:$0x1CE00] =	vst v63  }
.LBB2_5:
0xc5: {  	_ =	sfence.sel $0x180000  }
0xc6: {  	[bflag:$0x0] =	sbarrier.arrive $0xFFFF  }
0xc7: {  	_ =	strace $0x90000047  }
0xc8: {  	s0 =	stileid.u32;
	[bflag:$0x2] =	sbarrier.arrive $0xFFFF  }
0xc9: {  	p0 =	sne.s32 s0, $0x0;
	s0 =	rddreg [dreg:$0x3]  }
0xca: {  	s0 =	sadd.s32 @!p0 $0x100000, s0  }
0xcb: {  	[sflag:s0] =	ssyncadd.tile.s32 @!p0 $0x1;
	_ =	shalt  }
.Lfunc_end2:
_tile_overlayer_lowered:
.L_overlay_start_2:
0xcc: {  	(tag) =	ssettag $0x2  }
0xcd: {  	s0 =	rddreg [dreg:$0x0];
	s2 =	stileid.u32  }
0xce: {  	s1 =	rddreg [dreg:$0x1];
	p0 =	sne.s32 s2, $0x0  }
0xcf: {  	s3 =	rddreg [dreg:$0x2];
	[bflag:$0x3] =	sbarrier.arrive $0xFFFF;
	s2 =	simm.s32 @!p0 $0x1C09  }
0xd0: {  	[timem:s3], [sflag:s2] =	dma.local @!p0 [hbm:s0], s1  }
0xd1: {  	s0 =	simm.s32 @!p0 $0x9  }
0xd2: {  	_ =	swait.ge @!p0 [sflag:s0], s1  }
0xd3: {  	s1 =	ssub.s32 @!p0 $0x0, s1;
	[sflag:s0] =	ssyncset.done @!p0 $0x0  }
0xd4: {  	[sflag:s0] =	ssyncadd.s32 @!p0 s1  }
0xd5: {  	[bflag:$0x3] =	sbarrier.arrive $0xFFFF  }
0xd6: {  	_ =	shalt  }

// kernel: kernel.13.cloned.1.call-start
scs
__scs_entry_jumppad:
0x0: {  	(pc) =	sbr.rel $0x88, $3  }
0x1: {  	(tag) =	ssettag $0x0;
	lr =	simm.s32 $0x1  }
0x2: {  	[smem:$0x3F7B] =	sst lr;
	_ =	strace $0xD0000000  }
0x3: {  	_ = 	snop  }
0x4: {  	_ = 	snop  }
0x5: {  	_ = 	snop  }
0x6: {  	_ = 	snop  }
0x7: {  	_ = 	snop  }
__scs_overlays_trampoline_lowered:
0x8: {  	[smem:$0x3F8A] =	sst s0  }
0x9: {  	[smem:$0x3F8B] =	sst s1  }
0xa: {  	[smem:$0x3F8C] =	sst s2  }
0xb: {  	[smem:$0x3F8D] =	sst s3  }
0xc: {  	[smem:$0x3F8E] =	sst s4  }
0xd: {  	[smem:$0x3F8F] =	sst s5  }
0xe: {  	[smem:$0x3F90] =	sst s6  }
0xf: {  	[smem:$0x3F91] =	sst s7  }
0x10: {  	[smem:$0x3F92] =	sst s8  }
0x11: {  	[smem:$0x3F93] =	sst s9;
	s0 =	simm.s32 @!p0 $0x0  }
0x12: {  	s1 =	sld [smem:$0x3F79];
	s0 =	simm.s32 @p0 $0x1  }
0x13: {  	[smem:$0x3F94] =	sst s0;
	s0 =	simm.s32 @!p1 $0x0  }
0x14: {  	s2 =	sld [smem:$0x3F78];
	s0 =	simm.s32 @p1 $0x1  }
0x15: {  	[smem:$0x3F95] =	sst s0;
	s0 =	simm.s32 @!p2 $0x0  }
0x16: {  	s3 =	sld [smem:$0x3FDB];
	s0 =	simm.s32 @p2 $0x1  }
0x17: {  	s4 =	simm.s32 $0x1BF5;
	[smem:$0x3F97] =	sst s0  }
0x18: {  	s0 =	sld [smem:$0x3F7A];
	_ =	swait.ge [sflag:s4], $0x0  }
0x19: {  	s7 =	sld [smem:$0x3F7B]  }
0x1a: {  	s8 =	sadd.s32 $0xFFFFE003, lr  }
0x1b: {  	s9 =	sadd.s32 $0xFFFFFEF7, lr;
	s5 =	simm.s32 $0xFFFFFFFF;
	p2 =	slt.u32 s8, $0xFFFFF086  }
0x1c: {  	p1 =	slt.u32 s9, $0xF7A;
	s5 =	simm.s32 @!p2 $0x0  }
0x1d: {  	s5 =	simm.s32 @p1 $0x1;
	p0 =	seq.s32 s7, s2  }
0x1e: {  	s7 =	smul.u32 @!p0 $0xF7A, s2;
	p2 =	seq.s32 @!p0 s5, $0x0  }
0x1f: {  	s9 =	smul.u32 $0xF7A, s1;
	s8 =	simm.s32 @!p0 $0x1BF5;
	p2 =	por !p2, p0  }
0x20: {  	[sflag:s8] =	ssyncset.s32 @!p0 $0xFFFFF086;
	s6 =	sadd.s32 @!p0 s3, s7;
	s7 =	simm.s32 @!p0 $0x108  }
0x21: {  	s3 =	sadd.s32 s3, s9;
	s6 =	sadd.s32 @!p0 $0x88, s6;
	s7 =	simm.s32 @p2 $0x1082  }
0x22: {  	[simem:s7], [sflag:s8] =	dma.local @!p0 [hbm:s6], $0xF7A  }
0x23: {  	s9 =	sor.u32 $0xD0000000, s2;
	s6 =	simm.s32 $0x108;
	_ =	swait.ge @!p0 [sflag:s8], $0x0  }
0x24: {  	s3 =	sadd.s32 $0x88, s3;
	s6 =	simm.s32 @!p1 $0x1082;
	[sflag:s4] =	ssyncset.s32 $0xFFFFF086  }
0x25: {  	[simem:s6], [sflag:s4] =	dma.local [hbm:s3], $0xF7A  }
0x26: {  	[smem:$0x3F7B] =	sst s1;
	(tag) =	ssettag s2;
	_ =	strace s9  }
0x27: {  	s1 =	sld [smem:$0x3F8B]  }
0x28: {  	s2 =	sld [smem:$0x3F8C]  }
0x29: {  	s4 =	sld [smem:$0x3F8E]  }
0x2a: {  	p0 =	seq.s32 s5, $0x0;
	s5 =	sld [smem:$0x3F8F]  }
0x2b: {  	s6 =	sld [smem:$0x3F90]  }
0x2c: {  	s7 =	sld [smem:$0x3F91]  }
0x2d: {  	s3 =	simm.s32 $0x108;
	s8 =	sld [smem:$0x3F92]  }
0x2e: {  	s3 =	simm.s32 @!p0 $0x1082;
	s9 =	sld [smem:$0x3F93]  }
0x2f: {  	lr =	sadd.s32 s0, s3;
	s0 =	sld [smem:$0x3F8A]  }
0x30: {  	s3 =	sld [smem:$0x3F8D]  }
0x31: {  	[smem:$0x3F96] =	sst s10  }
0x32: {  	s10 =	sld [smem:$0x3F94];
	_ =	sdelay $0x3  }
0x33: {  	p0 =	seq.s32 s10, $0x1;
	s10 =	sld [smem:$0x3F96];
	_ =	sdelay $0x3  }
0x34: {  	[smem:$0x3F96] =	sst s10  }
0x35: {  	s10 =	sld [smem:$0x3F95];
	_ =	sdelay $0x3  }
0x36: {  	p1 =	seq.s32 s10, $0x1;
	s10 =	sld [smem:$0x3F96];
	_ =	sdelay $0x3  }
0x37: {  	[smem:$0x3F96] =	sst s10  }
0x38: {  	s10 =	sld [smem:$0x3F97]  }
0x39: {  	_ = 	snop;
	(pc) =	sbr.ind lr, $3  }
0x3a: {  	_ = 	snop  }
0x3b: {  	_ = 	snop  }
0x3c: {  	p2 =	seq.s32 s10, $0x1;
	s10 =	sld [smem:$0x3F96]  }
0x3d: {  	_ =	shalt  }
0x3e: {  	_ =	shalt  }
0x3f: {  	_ =	shalt  }
0x40: {  	_ =	shalt  }
0x41: {  	_ =	shalt  }
0x42: {  	_ =	shalt  }
0x43: {  	_ =	shalt  }
0x44: {  	_ =	shalt  }
0x45: {  	_ =	shalt  }
0x46: {  	_ =	shalt  }
0x47: {  	_ =	shalt  }
0x48: {  	_ =	shalt  }
0x49: {  	_ =	shalt  }
0x4a: {  	_ =	shalt  }
0x4b: {  	_ =	shalt  }
0x4c: {  	_ =	shalt  }
0x4d: {  	_ =	shalt  }
0x4e: {  	_ =	shalt  }
0x4f: {  	_ =	shalt  }
0x50: {  	_ =	shalt  }
0x51: {  	_ =	shalt  }
0x52: {  	_ =	shalt  }
0x53: {  	_ =	shalt  }
0x54: {  	_ =	shalt  }
0x55: {  	_ =	shalt  }
0x56: {  	_ =	shalt  }
0x57: {  	_ =	shalt  }
0x58: {  	_ =	shalt  }
0x59: {  	_ =	shalt  }
0x5a: {  	_ =	shalt  }
0x5b: {  	_ =	shalt  }
0x5c: {  	_ =	shalt  }
0x5d: {  	_ =	shalt  }
0x5e: {  	_ =	shalt  }
0x5f: {  	_ =	shalt  }
0x60: {  	_ =	shalt  }
0x61: {  	_ =	shalt  }
0x62: {  	_ =	shalt  }
0x63: {  	_ =	shalt  }
0x64: {  	_ =	shalt  }
0x65: {  	_ =	shalt  }
0x66: {  	_ =	shalt  }
0x67: {  	_ =	shalt  }
0x68: {  	_ =	shalt  }
0x69: {  	_ =	shalt  }
0x6a: {  	_ =	shalt  }
0x6b: {  	_ =	shalt  }
0x6c: {  	_ =	shalt  }
0x6d: {  	_ =	shalt  }
0x6e: {  	_ =	shalt  }
0x6f: {  	_ =	shalt  }
0x70: {  	_ =	shalt  }
0x71: {  	_ =	shalt  }
0x72: {  	_ =	shalt  }
0x73: {  	_ =	shalt  }
0x74: {  	_ =	shalt  }
0x75: {  	_ =	shalt  }
0x76: {  	_ =	shalt  }
0x77: {  	_ =	shalt  }
0x78: {  	_ =	shalt  }
0x79: {  	_ =	shalt  }
0x7a: {  	_ =	shalt  }
0x7b: {  	_ =	shalt  }
0x7c: {  	_ =	shalt  }
0x7d: {  	_ =	shalt  }
0x7e: {  	_ =	shalt  }
0x7f: {  	_ =	shalt  }
0x80: {  	_ =	shalt  }
0x81: {  	_ =	shalt  }
0x82: {  	_ =	shalt  }
0x83: {  	_ =	shalt  }
0x84: {  	_ =	shalt  }
0x85: {  	_ =	shalt  }
0x86: {  	_ =	shalt  }
0x87: {  	_ =	shalt  }
.Lfunc_end0:
.L_simem_size_0:
called_computation.1_lowered:
.L_overlay_start_0:
0x88: {  	s2 =	sld [smem:$0x3FD9]  }
0x89: {  	s3 =	sld [smem:$0x3FFE];
	_ =	sdelay $0x1  }
0x8a: {  	s1 =	srdreg.scid  }
0x8b: {  	s0 =	sand.u32 $0x1, s1  }
0x8c: {  	s16 =	sshll.u32 s0, $0xA;
	s2 =	sadd.s32 s3, s2  }
0x8d: {  	s2 =	sadd.s32 s2, s16  }
0x8e: {  	[smem:$0x3FA2] =	sst s2  }
0x8f: {  	_ = 	snop  }
0x90: {  	(tm) =	ssettm $0x1  }
0x91: {  	s17 =	sld [smem:$0x3FFB];
	_ =	sdelay $0x3  }
0x92: {  	_ =	strace s17  }
0x93: {  	s2 =	sld [smem:$0x3FFC];
	_ =	sdelay $0x3  }
0x94: {  	_ =	strace s2  }
0x95: {  	s2 =	sld [smem:$0x3FFD];
	_ =	sdelay $0x3  }
0x96: {  	_ =	strace s2  }
0x97: {  	_ =	strace $0x8FFFFFFF  }
0x98: {  	s18 =	sld [smem:$0x3FDB];
	_ =	sdelay $0x1  }
0x99: {  	s19 =	simm.s32 $_scs_section_size  }
0x9a: {  	s4 =	simm.s32 $_size__tile_overlayer_lowered;
	s5 =	simm.s32 $_tile_overlayer_lowered  }
0x9b: {  	s22 =	simm.s32 $0x1BFF;
	s21 =	sshll.u32 s5, $0x1;
	s2 =	sadd.s32 s19, s18  }
0x9c: {  	s6 =	simm.s32 $0x0;
	s20 =	sshll.u32 s4, $0x1;
	s4 =	sadd.s32 s21, s2  }
0x9d: {  	[timem:s6], [sflag:s22] =	dma.local [hbm:s4], s20  }
0x9e: {  	_ =	swait.ge [sflag:s22], s20  }
0x9f: {  	s3 =	ssub.s32 $0x0, s20;
	[sflag:s22] =	ssyncset.done $0x0  }
0xa0: {  	[sflag:s22] =	ssyncadd.s32 s3;
	_ =	sdelay $0x1  }
0xa1: {  	s23 =	simm.s32 $0x1B8B  }
0xa2: {  	_ =	swait.ge [sflag:s23], $0x1  }
0xa3: {  	[sflag:s23] =	ssyncset.done $0x0  }
0xa4: {  	s25 =	simm.s32 $0x1B8E;
	s24 =	sld [smem:$0x3FFE];
	[sflag:s23] =	ssyncadd.s32 $0xFFFFFFFF  }
0xa5: {  	s26 =	simm.s32 $execute0_lowered;
	[smem:$0x3FD2] =	sst s25  }
0xa6: {  	s4 =	sshll.u32 s26, $0x1;
	_ =	strace $0x80000049;
	[dreg:$0x1] =	wrdreg $0xFFFFFFFF  }
0xa7: {  	s28 =	simm.s32 $_size_execute0_lowered;
	s2 =	sadd.s32 s2, s4;
	[dreg:$0x0] =	wrdreg $0x0  }
0xa8: {  	s4 =	sshll.u32 s28, $0x1;
	[dreg:$0x2] =	wrdreg s2  }
0xa9: {  	[dreg:$0x3] =	wrdreg s4  }
0xaa: {  	[dreg:$0x4] =	wrdreg $0xC0  }
0xab: {  	_ =	task [dreg:s6], $0x5FFFF  }
0xac: {  	[dreg:$0x1] =	wrdreg $0xFFFFFFFF  }
0xad: {  	[dreg:$0x0] =	wrdreg $0x60  }
0xae: {  	[dreg:$0x2] =	wrdreg s24  }
0xaf: {  	[dreg:$0x3] =	wrdreg $0xA0000  }
0xb0: {  	[dreg:$0x4] =	wrdreg $0x9  }
0xb1: {  	_ =	task.clear_ibuf [dreg:s6], $0x5FFFF;
	_ =	strace $0x90000049  }
0xb2: {  	s29 =	simm.s32 $0x9;
	_ =	strace $0x8000004B  }
0xb3: {  	_ =	swait.ge [sflag:s29], $0x1  }
0xb4: {  	[sflag:s29] =	ssyncadd.s32 $0xFFFFFFFF  }
0xb5: {  	_ =	strace $0x9000004B  }
0xb6: {  	_ =	sfence  }
0xb7: {  	s30 =	sld [smem:$0x0];
	_ =	sdelay $0x2  }
0xb8: {  	s31 =	sshll.u32 s1, $0xD;
	s1 =	sshrl.u32 s1, $0x2  }
0xb9: {  	s3 =	sand.u32 $0x4000, s31;
	s1 =	sadd.s32 s1, s30  }
0xba: {  	s0 =	sor.u32 s3, s0;
	s1 =	sshll.u32 s1, $0x11  }
0xbb: {  	s0 =	sor.u32 s1, s0  }
0xbc: {  	s0 =	sadd.s32 $0x8F2B, s0  }
0xbd: {  	[sflag:s0] =	ssyncadd.remote.s32 $0x1  }
0xbe: {  	_ =	sfence.sel $0xFFFF  }
0xbf: {  	[dreg:$0x0] =	wrdreg $0xFFFFFFFF;
	(pc) =	sbr.abs _section_cstart, $3  }
0xc0: {  	[dreg:$0x1] =	wrdreg $0xFFFFFFFF  }
0xc1: {  	_ =	task.clear_ibuf [dreg:s6], $0x2FFFF;
	_ =	strace $0x9FFFFFFF  }
0xc2: {  	(tm) =	ssettm $0x7FFFFFFF  }
0xc3: {  	_ =	shalt  }
tec
execute0_lowered:
.L_overlay_start_1:
0x0: {  	(tag) =	ssettag $0x1  }
0x1: {  	s0 =	srdreg.scid;
	s1 =	rddreg [dreg:$0x0]  }
0x2: {  	s11 =	stileid.u32;
	s2 =	rddreg [dreg:$0x1];
	s3 =	simm.s32 $0x0  }
0x3: {  	s12 =	simm.s32 $0x2800;
	s13 =	simm.s32 $0x50;
	s14 =	simm.s32 $0x5000  }
0x4: {  	s15 =	simm.s32 $0x6400;
	s16 =	simm.s32 $0x1;
	s18 =	simm.s32 $0x7800  }
0x5: {  	s19 =	simm.s32 $0x2;
	s22 =	simm.s32 $0x8C00;
	s23 =	simm.s32 $0x3  }
0x6: {  	s26 =	simm.s32 $0x5;
	s29 =	simm.s32 $0x4;
	s31 =	simm.s32 $0x6  }
0x7: {  	s20 =	simm.s32 $0x0;
	s0 =	sand.u32 $0x1, s0;
	s4 =	sshll.u32 s11, $0x8  }
0x8: {  	[smem:$0x7FF] =	sst s3;
	s28 =	smul.u32 $0x9E00, s11;
	s30 =	sshll.u32 s11, $0x6  }
0x9: {  	s11 =	simm.s32 $0x9;
	s5 =	sshll.u32 s0, $0x7;
	_ =	strace $0x8000004A  }
0xa: {  	s6 =	smul.u32 $0x13C00, s0;
	s0 =	ssub.s32 $0x2, s0;
	s4 =	sor.u32 s5, s4  }
0xb: {  	s17 =	sshrl.u32 s28, $0x3;
	s7 =	sshrl.u32 s0, $0x1;
	s10 =	sadd.s32 s28, s2  }
0xc: {  	s4 =	smul.u32 $0xA, s4;
	s9 =	sadd.s32 s17, s1;
	s0 =	ssub.s32 s0, s7  }
.Ltmp0:
0xd: {  	s10 =	sshrl.u32 s10, $0x3;
	s5 =	sadd.s32 $0x35200, s9;
	(pc) =	sbr.rel .LBB2_1-.Ltmp0, $4  }
0xe: {  	s9 =	smax.u32 s0, $0x1;
	s0 =	simm.s32 $0x7;
	s8 =	sadd.s32 s4, s1  }
0xf: {  	s4 =	sadd.s32 $0xD600, s1;
	s1 =	sadd.s32 s6, s1;
	s6 =	sor.u32 $0x1C09, s30  }
0x10: {  	s7 =	sadd.s32 $0x2B200, s8;
	s8 =	sadd.s32 $0x3600, s8;
	s1 =	sadd.s32 $0x48E00, s1  }
0x11: {  	s24 =	sadd.s32 s17, s1;
	s1 =	simm.s32 $0x190;
	s17 =	simm.s32 $0x8  }
.LBB2_4:
0x12: {  	_ =	swait.ge [sflag:s29], $0x1400  }
0x13: {  	[sflag:s29] =	ssyncset.done $0x0  }
0x14: {  	[sflag:s29] =	ssyncadd.s32 $0xFFFFEC00  }
0x15: {  	[spmem:s2] =	stream.indirect.scatter.add.f32 [tilespmem:s22], [sflag:$0x8], $0x40, s28, s13, $0xb8;
	[tilespmem:$0x13E00] =	vst v63  }
0x16: {  	_ =	swait.ge [sflag:s31], $0x1400  }
0x17: {  	[sflag:s31] =	ssyncset.done $0x0  }
0x18: {  	[sflag:s31] =	ssyncadd.s32 $0xFFFFEC00  }
0x19: {  	_ =	swait.ge [sflag:s0], $0x1400  }
0x1a: {  	[sflag:s0] =	ssyncset.done $0x0  }
0x1b: {  	[sflag:s0] =	ssyncadd.s32 $0xFFFFEC00  }
0x1c: {  	_ =	swait.ge [sflag:s17], $0x1400  }
0x1d: {  	s20 =	sadd.s32 $0x1, s20;
	[sflag:s17] =	ssyncset.done $0x0  }
0x1e: {  	p0 =	sne.s32 s20, s9;
	[sflag:s17] =	ssyncadd.s32 $0xFFFFEC00  }
.Ltmp1:
0x1f: {  	[bflag:$0x0] =	sbarrier.arrive $0xFFFF;
	(pc) =	sbr.rel @!p0 .LBB2_5-.Ltmp1, $4  }
0x20: {  	[hbm:s24], [sflag:s6] =	dma.local [spmem:s10], $0x13C0  }
0x21: {  	_ =	swait.ge [sflag:s11], $0x13C0  }
0x22: {  	[sflag:s11] =	ssyncset.done $0x0  }
0x23: {  	[sflag:s11] =	ssyncadd.s32 $0xFFFFEC40  }
.LBB2_1:
0x24: {  	[spmem:s10], [sflag:s6] =	dma.local [hbm:s5], $0x13C0  }
0x25: {  	_ =	swait.ge [sflag:s11], $0x13C0  }
0x26: {  	[sflag:s11] =	ssyncset.done $0x0  }
0x27: {  	[sflag:s11] =	ssyncadd.s32 $0xFFFFEC40  }
0x28: {  	[tilespmem:s3], [sflag:$0x9] =	stream.linear.gather [hbm4b:s7+s3], $0x2800, $0x38;
	[tilespmem:$0x13E00] =	vst v63  }
0x29: {  	_ =	swait.ge [sflag:s11], $0x2800  }
0x2a: {  	[sflag:s11] =	ssyncset.done $0x0  }
0x2b: {  	[sflag:s11] =	ssyncadd.s32 $0xFFFFD800  }
0x2c: {  	[tilespmem:s12], [sflag:$0x9] =	stream.linear.gather [hbm4b:s8+s3], $0x2800, $0x38;
	[tilespmem:$0x13E00] =	vst v63  }
0x2d: {  	_ =	swait.ge [sflag:s11], $0x2800  }
0x2e: {  	[sflag:s11] =	ssyncset.done $0x0  }
0x2f: {  	[sflag:s11] =	ssyncadd.s32 $0xFFFFD800  }
0x30: {  	[bflag:$0x0] =	sbarrier.arrive $0xFFFF  }
0x31: {  	[tilespmem:s14], [sflag:$0x1] =	stream.indirect.gather [hbm4b:s4+s13], $0x40, s3, s13, $0xb8;
	[tilespmem:$0x13E00] =	vst v63  }
0x32: {  	_ = 	snop  }
0x33: {  	[tilespmem:s15], [sflag:$0x2] =	stream.indirect.gather [hbm4b:s4+s13], $0x40, s13, s13, $0xb8;
	[tilespmem:$0x13E00] =	vst v63  }
0x34: {  	_ =	swait.ge [sflag:s16], $0x1400  }
0x35: {  	[sflag:s16] =	ssyncset.done $0x0  }
0x36: {  	[sflag:s16] =	ssyncadd.s32 $0xFFFFEC00  }
0x37: {  	[spmem:s2] =	stream.indirect.scatter.add.f32 [tilespmem:s14], [sflag:$0x5], $0x40, s12, s13, $0xb8;
	[tilespmem:$0x13E00] =	vst v63  }
0x38: {  	s21 =	simm.s32 $0xA0  }
0x39: {  	[tilespmem:s18], [sflag:$0x3] =	stream.indirect.gather [hbm4b:s4+s13], $0x40, s21, s13, $0xb8;
	[tilespmem:$0x13E00] =	vst v63  }
0x3a: {  	_ =	swait.ge [sflag:s19], $0x1400  }
0x3b: {  	[sflag:s19] =	ssyncset.done $0x0  }
0x3c: {  	s28 =	simm.s32 $0x2850;
	[sflag:s19] =	ssyncadd.s32 $0xFFFFEC00  }
0x3d: {  	[spmem:s2] =	stream.indirect.scatter.add.f32 [tilespmem:s15], [sflag:$0x6], $0x40, s28, s13, $0xb8;
	[tilespmem:$0x13E00] =	vst v63  }
0x3e: {  	s30 =	simm.s32 $0xF0  }
0x3f: {  	[tilespmem:s22], [sflag:$0x4] =	stream.indirect.gather [hbm4b:s4+s13], $0x40, s30, s13, $0xb8;
	[tilespmem:$0x13E00] =	vst v63  }
0x40: {  	_ =	swait.ge [sflag:s23], $0x1400  }
0x41: {  	[sflag:s23] =	ssyncset.done $0x0  }
0x42: {  	s25 =	simm.s32 $0x28A0;
	[sflag:s23] =	ssyncadd.s32 $0xFFFFEC00  }
0x43: {  	[spmem:s2] =	stream.indirect.scatter.add.f32 [tilespmem:s18], [sflag:$0x7], $0x40, s25, s13, $0xb8;
	[tilespmem:$0x13E00] =	vst v63  }
0x44: {  	_ =	swait.ge [sflag:s26], $0x1400  }
0x45: {  	[sflag:s26] =	ssyncset.done $0x0  }
0x46: {  	s28 =	simm.s32 $0x140;
	[sflag:s26] =	ssyncadd.s32 $0xFFFFEC00  }
0x47: {  	[tilespmem:s14], [sflag:$0x1] =	stream.indirect.gather [hbm4b:s4+s13], $0x40, s28, s13, $0xb8;
	[tilespmem:$0x13E00] =	vst v63  }
0x48: {  	_ =	swait.ge [sflag:s29], $0x1400  }
0x49: {  	[sflag:s29] =	ssyncset.done $0x0  }
0x4a: {  	s30 =	simm.s32 $0x28F0;
	[sflag:s29] =	ssyncadd.s32 $0xFFFFEC00  }
0x4b: {  	[spmem:s2] =	stream.indirect.scatter.add.f32 [tilespmem:s22], [sflag:$0x8], $0x40, s30, s13, $0xb8;
	[tilespmem:$0x13E00] =	vst v63  }
0x4c: {  	_ =	swait.ge [sflag:s31], $0x1400  }
0x4d: {  	[sflag:s31] =	ssyncset.done $0x0  }
0x4e: {  	s21 =	simm.s32 $0x0;
	[sflag:s31] =	ssyncadd.s32 $0xFFFFEC00  }
0x4f: {  	[tilespmem:s15], [sflag:$0x2] =	stream.indirect.gather [hbm4b:s4+s13], $0x40, s1, s13, $0xb8;
	[tilespmem:$0x13E00] =	vst v63  }
.LBB2_2:
0x50: {  	_ =	swait.ge [sflag:s16], $0x1400  }
0x51: {  	s25 =	sshra.s32 s21, $0x2;
	[sflag:s16] =	ssyncset.done $0x0  }
0x52: {  	s28 =	sadd.s32 $0x2940, s25;
	[sflag:s16] =	ssyncadd.s32 $0xFFFFEC00  }
0x53: {  	[spmem:s2] =	stream.indirect.scatter.add.f32 [tilespmem:s14], [sflag:$0x5], $0x40, s28, s13, $0xb8;
	[tilespmem:$0x13E00] =	vst v63  }
0x54: {  	_ =	swait.ge [sflag:s0], $0x1400  }
0x55: {  	[sflag:s0] =	ssyncset.done $0x0  }
0x56: {  	s28 =	sadd.s32 $0x1E0, s25;
	[sflag:s0] =	ssyncadd.s32 $0xFFFFEC00  }
0x57: {  	[tilespmem:s18], [sflag:$0x3] =	stream.indirect.gather [hbm4b:s4+s13], $0x40, s28, s13, $0xb8;
	[tilespmem:$0x13E00] =	vst v63  }
0x58: {  	_ =	swait.ge [sflag:s19], $0x1400  }
0x59: {  	[sflag:s19] =	ssyncset.done $0x0  }
0x5a: {  	s28 =	sadd.s32 $0x2990, s25;
	[sflag:s19] =	ssyncadd.s32 $0xFFFFEC00  }
0x5b: {  	[spmem:s2] =	stream.indirect.scatter.add.f32 [tilespmem:s15], [sflag:$0x6], $0x40, s28, s13, $0xb8;
	[tilespmem:$0x13E00] =	vst v63  }
0x5c: {  	_ =	swait.ge [sflag:s17], $0x1400  }
0x5d: {  	[sflag:s17] =	ssyncset.done $0x0  }
0x5e: {  	s28 =	sadd.s32 $0x230, s25;
	[sflag:s17] =	ssyncadd.s32 $0xFFFFEC00  }
0x5f: {  	[tilespmem:s22], [sflag:$0x4] =	stream.indirect.gather [hbm4b:s4+s13], $0x40, s28, s13, $0xb8;
	[tilespmem:$0x13E00] =	vst v63  }
0x60: {  	_ =	swait.ge [sflag:s23], $0x1400  }
0x61: {  	p0 =	seq.s32 s21, $0x9600;
	[sflag:s23] =	ssyncset.done $0x0  }
.Ltmp2:
0x62: {  	s28 =	sadd.s32 $0x29E0, s25;
	[sflag:s23] =	ssyncadd.s32 $0xFFFFEC00;
	(pc) =	sbr.rel @p0 .LBB2_4-.Ltmp2, $4  }
0x63: {  	[spmem:s2] =	stream.indirect.scatter.add.f32 [tilespmem:s18], [sflag:$0x7], $0x40, s28, s13, $0xb8;
	[tilespmem:$0x13E00] =	vst v63  }
0x64: {  	_ =	swait.ge [sflag:s26], $0x1400  }
0x65: {  	[sflag:s26] =	ssyncset.done $0x0  }
0x66: {  	s28 =	sadd.s32 $0x2A30, s25;
	[sflag:s26] =	ssyncadd.s32 $0xFFFFEC00  }
0x67: {  	s30 =	sadd.s32 $0x280, s25  }
0x68: {  	[tilespmem:s14], [sflag:$0x1] =	stream.indirect.gather [hbm4b:s4+s13], $0x40, s30, s13, $0xb8;
	[tilespmem:$0x13E00] =	vst v63  }
0x69: {  	_ =	swait.ge [sflag:s29], $0x1400  }
0x6a: {  	[sflag:s29] =	ssyncset.done $0x0  }
0x6b: {  	[sflag:s29] =	ssyncadd.s32 $0xFFFFEC00  }
0x6c: {  	[spmem:s2] =	stream.indirect.scatter.add.f32 [tilespmem:s22], [sflag:$0x8], $0x40, s28, s13, $0xb8;
	[tilespmem:$0x13E00] =	vst v63  }
.Ltmp3:
0x6d: {  	_ = 	snop;
	(pc) =	sbr.rel .LBB2_2-.Ltmp3, $4  }
0x6e: {  	_ =	swait.ge [sflag:s31], $0x1400  }
0x6f: {  	[sflag:s31] =	ssyncset.done $0x0  }
0x70: {  	s21 =	sadd.s32 $0x500, s21;
	s30 =	sadd.s32 $0x2D0, s25;
	[sflag:s31] =	ssyncadd.s32 $0xFFFFEC00  }
0x71: {  	[tilespmem:s15], [sflag:$0x2] =	stream.indirect.gather [hbm4b:s4+s13], $0x40, s30, s13, $0xb8;
	[tilespmem:$0x13E00] =	vst v63  }
.LBB2_5:
0x72: {  	_ =	sfence.sel $0x180000  }
0x73: {  	[bflag:$0x0] =	sbarrier.arrive $0xFFFF  }
0x74: {  	_ =	strace $0x9000004A  }
0x75: {  	s0 =	stileid.u32;
	[bflag:$0x2] =	sbarrier.arrive $0xFFFF  }
0x76: {  	p0 =	sne.s32 s0, $0x0;
	s0 =	rddreg [dreg:$0x2]  }
0x77: {  	s0 =	sadd.s32 @!p0 $0x100000, s0  }
0x78: {  	[sflag:s0] =	ssyncadd.tile.s32 @!p0 $0x1;
	_ =	shalt  }
.Lfunc_end2:
_tile_overlayer_lowered:
.L_overlay_start_2:
0x79: {  	(tag) =	ssettag $0x2  }
0x7a: {  	s0 =	rddreg [dreg:$0x0];
	s2 =	stileid.u32  }
0x7b: {  	s1 =	rddreg [dreg:$0x1];
	p0 =	sne.s32 s2, $0x0  }
0x7c: {  	s3 =	rddreg [dreg:$0x2];
	[bflag:$0x3] =	sbarrier.arrive $0xFFFF;
	s2 =	simm.s32 @!p0 $0x1C09  }
0x7d: {  	[timem:s3], [sflag:s2] =	dma.local @!p0 [hbm:s0], s1  }
0x7e: {  	s0 =	simm.s32 @!p0 $0x9  }
0x7f: {  	_ =	swait.ge @!p0 [sflag:s0], s1  }
0x80: {  	s1 =	ssub.s32 @!p0 $0x0, s1;
	[sflag:s0] =	ssyncset.done @!p0 $0x0  }
0x81: {  	[sflag:s0] =	ssyncadd.s32 @!p0 s1  }
0x82: {  	[bflag:$0x3] =	sbarrier.arrive $0xFFFF  }
0x83: {  	_ =	shalt  }

// kernel: kernel.16.cloned.1.call-start
scs
__scs_entry_jumppad:
0x0: {  	(pc) =	sbr.rel $0x88, $3  }
0x1: {  	(tag) =	ssettag $0x0;
	lr =	simm.s32 $0x1  }
0x2: {  	[smem:$0x3F7B] =	sst lr;
	_ =	strace $0xD0000000  }
0x3: {  	_ = 	snop  }
0x4: {  	_ = 	snop  }
0x5: {  	_ = 	snop  }
0x6: {  	_ = 	snop  }
0x7: {  	_ = 	snop  }
__scs_overlays_trampoline_lowered:
0x8: {  	[smem:$0x3F8A] =	sst s0  }
0x9: {  	[smem:$0x3F8B] =	sst s1  }
0xa: {  	[smem:$0x3F8C] =	sst s2  }
0xb: {  	[smem:$0x3F8D] =	sst s3  }
0xc: {  	[smem:$0x3F8E] =	sst s4  }
0xd: {  	[smem:$0x3F8F] =	sst s5  }
0xe: {  	[smem:$0x3F90] =	sst s6  }
0xf: {  	[smem:$0x3F91] =	sst s7  }
0x10: {  	[smem:$0x3F92] =	sst s8  }
0x11: {  	[smem:$0x3F93] =	sst s9;
	s0 =	simm.s32 @!p0 $0x0  }
0x12: {  	s1 =	sld [smem:$0x3F79];
	s0 =	simm.s32 @p0 $0x1  }
0x13: {  	[smem:$0x3F94] =	sst s0;
	s0 =	simm.s32 @!p1 $0x0  }
0x14: {  	s2 =	sld [smem:$0x3F78];
	s0 =	simm.s32 @p1 $0x1  }
0x15: {  	[smem:$0x3F95] =	sst s0;
	s0 =	simm.s32 @!p2 $0x0  }
0x16: {  	s3 =	sld [smem:$0x3FDB];
	s0 =	simm.s32 @p2 $0x1  }
0x17: {  	s4 =	simm.s32 $0x1BF5;
	[smem:$0x3F97] =	sst s0  }
0x18: {  	s0 =	sld [smem:$0x3F7A];
	_ =	swait.ge [sflag:s4], $0x0  }
0x19: {  	s7 =	sld [smem:$0x3F7B]  }
0x1a: {  	s8 =	sadd.s32 $0xFFFFE003, lr  }
0x1b: {  	s9 =	sadd.s32 $0xFFFFFEF7, lr;
	s5 =	simm.s32 $0xFFFFFFFF;
	p2 =	slt.u32 s8, $0xFFFFF086  }
0x1c: {  	p1 =	slt.u32 s9, $0xF7A;
	s5 =	simm.s32 @!p2 $0x0  }
0x1d: {  	s5 =	simm.s32 @p1 $0x1;
	p0 =	seq.s32 s7, s2  }
0x1e: {  	s7 =	smul.u32 @!p0 $0xF7A, s2;
	p2 =	seq.s32 @!p0 s5, $0x0  }
0x1f: {  	s9 =	smul.u32 $0xF7A, s1;
	s8 =	simm.s32 @!p0 $0x1BF5;
	p2 =	por !p2, p0  }
0x20: {  	[sflag:s8] =	ssyncset.s32 @!p0 $0xFFFFF086;
	s6 =	sadd.s32 @!p0 s3, s7;
	s7 =	simm.s32 @!p0 $0x108  }
0x21: {  	s3 =	sadd.s32 s3, s9;
	s6 =	sadd.s32 @!p0 $0x88, s6;
	s7 =	simm.s32 @p2 $0x1082  }
0x22: {  	[simem:s7], [sflag:s8] =	dma.local @!p0 [hbm:s6], $0xF7A  }
0x23: {  	s9 =	sor.u32 $0xD0000000, s2;
	s6 =	simm.s32 $0x108;
	_ =	swait.ge @!p0 [sflag:s8], $0x0  }
0x24: {  	s3 =	sadd.s32 $0x88, s3;
	s6 =	simm.s32 @!p1 $0x1082;
	[sflag:s4] =	ssyncset.s32 $0xFFFFF086  }
0x25: {  	[simem:s6], [sflag:s4] =	dma.local [hbm:s3], $0xF7A  }
0x26: {  	[smem:$0x3F7B] =	sst s1;
	(tag) =	ssettag s2;
	_ =	strace s9  }
0x27: {  	s1 =	sld [smem:$0x3F8B]  }
0x28: {  	s2 =	sld [smem:$0x3F8C]  }
0x29: {  	s4 =	sld [smem:$0x3F8E]  }
0x2a: {  	p0 =	seq.s32 s5, $0x0;
	s5 =	sld [smem:$0x3F8F]  }
0x2b: {  	s6 =	sld [smem:$0x3F90]  }
0x2c: {  	s7 =	sld [smem:$0x3F91]  }
0x2d: {  	s3 =	simm.s32 $0x108;
	s8 =	sld [smem:$0x3F92]  }
0x2e: {  	s3 =	simm.s32 @!p0 $0x1082;
	s9 =	sld [smem:$0x3F93]  }
0x2f: {  	lr =	sadd.s32 s0, s3;
	s0 =	sld [smem:$0x3F8A]  }
0x30: {  	s3 =	sld [smem:$0x3F8D]  }
0x31: {  	[smem:$0x3F96] =	sst s10  }
0x32: {  	s10 =	sld [smem:$0x3F94];
	_ =	sdelay $0x3  }
0x33: {  	p0 =	seq.s32 s10, $0x1;
	s10 =	sld [smem:$0x3F96];
	_ =	sdelay $0x3  }
0x34: {  	[smem:$0x3F96] =	sst s10  }
0x35: {  	s10 =	sld [smem:$0x3F95];
	_ =	sdelay $0x3  }
0x36: {  	p1 =	seq.s32 s10, $0x1;
	s10 =	sld [smem:$0x3F96];
	_ =	sdelay $0x3  }
0x37: {  	[smem:$0x3F96] =	sst s10  }
0x38: {  	s10 =	sld [smem:$0x3F97]  }
0x39: {  	_ = 	snop;
	(pc) =	sbr.ind lr, $3  }
0x3a: {  	_ = 	snop  }
0x3b: {  	_ = 	snop  }
0x3c: {  	p2 =	seq.s32 s10, $0x1;
	s10 =	sld [smem:$0x3F96]  }
0x3d: {  	_ =	shalt  }
0x3e: {  	_ =	shalt  }
0x3f: {  	_ =	shalt  }
0x40: {  	_ =	shalt  }
0x41: {  	_ =	shalt  }
0x42: {  	_ =	shalt  }
0x43: {  	_ =	shalt  }
0x44: {  	_ =	shalt  }
0x45: {  	_ =	shalt  }
0x46: {  	_ =	shalt  }
0x47: {  	_ =	shalt  }
0x48: {  	_ =	shalt  }
0x49: {  	_ =	shalt  }
0x4a: {  	_ =	shalt  }
0x4b: {  	_ =	shalt  }
0x4c: {  	_ =	shalt  }
0x4d: {  	_ =	shalt  }
0x4e: {  	_ =	shalt  }
0x4f: {  	_ =	shalt  }
0x50: {  	_ =	shalt  }
0x51: {  	_ =	shalt  }
0x52: {  	_ =	shalt  }
0x53: {  	_ =	shalt  }
0x54: {  	_ =	shalt  }
0x55: {  	_ =	shalt  }
0x56: {  	_ =	shalt  }
0x57: {  	_ =	shalt  }
0x58: {  	_ =	shalt  }
0x59: {  	_ =	shalt  }
0x5a: {  	_ =	shalt  }
0x5b: {  	_ =	shalt  }
0x5c: {  	_ =	shalt  }
0x5d: {  	_ =	shalt  }
0x5e: {  	_ =	shalt  }
0x5f: {  	_ =	shalt  }
0x60: {  	_ =	shalt  }
0x61: {  	_ =	shalt  }
0x62: {  	_ =	shalt  }
0x63: {  	_ =	shalt  }
0x64: {  	_ =	shalt  }
0x65: {  	_ =	shalt  }
0x66: {  	_ =	shalt  }
0x67: {  	_ =	shalt  }
0x68: {  	_ =	shalt  }
0x69: {  	_ =	shalt  }
0x6a: {  	_ =	shalt  }
0x6b: {  	_ =	shalt  }
0x6c: {  	_ =	shalt  }
0x6d: {  	_ =	shalt  }
0x6e: {  	_ =	shalt  }
0x6f: {  	_ =	shalt  }
0x70: {  	_ =	shalt  }
0x71: {  	_ =	shalt  }
0x72: {  	_ =	shalt  }
0x73: {  	_ =	shalt  }
0x74: {  	_ =	shalt  }
0x75: {  	_ =	shalt  }
0x76: {  	_ =	shalt  }
0x77: {  	_ =	shalt  }
0x78: {  	_ =	shalt  }
0x79: {  	_ =	shalt  }
0x7a: {  	_ =	shalt  }
0x7b: {  	_ =	shalt  }
0x7c: {  	_ =	shalt  }
0x7d: {  	_ =	shalt  }
0x7e: {  	_ =	shalt  }
0x7f: {  	_ =	shalt  }
0x80: {  	_ =	shalt  }
0x81: {  	_ =	shalt  }
0x82: {  	_ =	shalt  }
0x83: {  	_ =	shalt  }
0x84: {  	_ =	shalt  }
0x85: {  	_ =	shalt  }
0x86: {  	_ =	shalt  }
0x87: {  	_ =	shalt  }
.Lfunc_end0:
.L_simem_size_0:
called_computation.2_lowered:
.L_overlay_start_0:
0x88: {  	s2 =	sld [smem:$0x3FD9]  }
0x89: {  	s3 =	sld [smem:$0x3FFE];
	_ =	sdelay $0x1  }
0x8a: {  	s1 =	srdreg.scid  }
0x8b: {  	s0 =	sand.u32 $0x1, s1  }
0x8c: {  	s16 =	sshll.u32 s0, $0xA;
	s2 =	sadd.s32 s3, s2  }
0x8d: {  	s2 =	sadd.s32 s2, s16  }
0x8e: {  	[smem:$0x3FA2] =	sst s2  }
0x8f: {  	_ = 	snop  }
0x90: {  	(tm) =	ssettm $0x1  }
0x91: {  	s17 =	sld [smem:$0x3FFB];
	_ =	sdelay $0x3  }
0x92: {  	_ =	strace s17  }
0x93: {  	s2 =	sld [smem:$0x3FFC];
	_ =	sdelay $0x3  }
0x94: {  	_ =	strace s2  }
0x95: {  	s2 =	sld [smem:$0x3FFD];
	_ =	sdelay $0x3  }
0x96: {  	_ =	strace s2  }
0x97: {  	_ =	strace $0x8FFFFFFF  }
0x98: {  	s18 =	sld [smem:$0x3FDB];
	_ =	sdelay $0x1  }
0x99: {  	s19 =	simm.s32 $_scs_section_size  }
0x9a: {  	s4 =	simm.s32 $_size__tile_overlayer_lowered;
	s5 =	simm.s32 $_tile_overlayer_lowered  }
0x9b: {  	s22 =	simm.s32 $0x1BFF;
	s21 =	sshll.u32 s5, $0x1;
	s2 =	sadd.s32 s19, s18  }
0x9c: {  	s6 =	simm.s32 $0x0;
	s20 =	sshll.u32 s4, $0x1;
	s4 =	sadd.s32 s21, s2  }
0x9d: {  	[timem:s6], [sflag:s22] =	dma.local [hbm:s4], s20  }
0x9e: {  	_ =	swait.ge [sflag:s22], s20  }
0x9f: {  	s3 =	ssub.s32 $0x0, s20;
	[sflag:s22] =	ssyncset.done $0x0  }
0xa0: {  	[sflag:s22] =	ssyncadd.s32 s3;
	_ =	sdelay $0x1  }
0xa1: {  	s23 =	simm.s32 $0x1B8B  }
0xa2: {  	_ =	swait.ge [sflag:s23], $0x1  }
0xa3: {  	[sflag:s23] =	ssyncset.done $0x0  }
0xa4: {  	s25 =	simm.s32 $0x1B8E;
	s24 =	sld [smem:$0x3FFE];
	[sflag:s23] =	ssyncadd.s32 $0xFFFFFFFF  }
0xa5: {  	s26 =	simm.s32 $execute0_lowered;
	[smem:$0x3FD2] =	sst s25  }
0xa6: {  	s4 =	sshll.u32 s26, $0x1;
	_ =	strace $0x8000004C;
	[dreg:$0x1] =	wrdreg $0xFFFFFFFF  }
0xa7: {  	s28 =	simm.s32 $_size_execute0_lowered;
	s2 =	sadd.s32 s2, s4;
	[dreg:$0x0] =	wrdreg $0x0  }
0xa8: {  	s4 =	sshll.u32 s28, $0x1;
	[dreg:$0x2] =	wrdreg s2  }
0xa9: {  	[dreg:$0x3] =	wrdreg s4  }
0xaa: {  	[dreg:$0x4] =	wrdreg $0xC0  }
0xab: {  	_ =	task [dreg:s6], $0x5FFFF  }
0xac: {  	[dreg:$0x1] =	wrdreg $0xFFFFFFFF  }
0xad: {  	[dreg:$0x0] =	wrdreg $0x60  }
0xae: {  	[dreg:$0x2] =	wrdreg s24  }
0xaf: {  	[dreg:$0x3] =	wrdreg $0x64000  }
0xb0: {  	[dreg:$0x4] =	wrdreg $0x9  }
0xb1: {  	_ =	task.clear_ibuf [dreg:s6], $0x5FFFF;
	_ =	strace $0x9000004C  }
0xb2: {  	s29 =	simm.s32 $0x9;
	_ =	strace $0x8000004E  }
0xb3: {  	_ =	swait.ge [sflag:s29], $0x1  }
0xb4: {  	[sflag:s29] =	ssyncadd.s32 $0xFFFFFFFF  }
0xb5: {  	_ =	strace $0x9000004E  }
0xb6: {  	_ =	sfence  }
0xb7: {  	s30 =	sld [smem:$0x0];
	_ =	sdelay $0x2  }
0xb8: {  	s31 =	sshll.u32 s1, $0xD;
	s1 =	sshrl.u32 s1, $0x2  }
0xb9: {  	s3 =	sand.u32 $0x4000, s31;
	s1 =	sadd.s32 s1, s30  }
0xba: {  	s0 =	sor.u32 s3, s0;
	s1 =	sshll.u32 s1, $0x11  }
0xbb: {  	s0 =	sor.u32 s1, s0  }
0xbc: {  	s0 =	sadd.s32 $0x8F2B, s0  }
0xbd: {  	[sflag:s0] =	ssyncadd.remote.s32 $0x1  }
0xbe: {  	_ =	sfence.sel $0xFFFF  }
0xbf: {  	[dreg:$0x0] =	wrdreg $0xFFFFFFFF;
	(pc) =	sbr.abs _section_cstart, $3  }
0xc0: {  	[dreg:$0x1] =	wrdreg $0xFFFFFFFF  }
0xc1: {  	_ =	task.clear_ibuf [dreg:s6], $0x2FFFF;
	_ =	strace $0x9FFFFFFF  }
0xc2: {  	(tm) =	ssettm $0x7FFFFFFF  }
0xc3: {  	_ =	shalt  }
tec
execute0_lowered:
.L_overlay_start_1:
0x0: {  	(tag) =	ssettag $0x1  }
0x1: {  	s0 =	srdreg.scid;
	s1 =	rddreg [dreg:$0x0]  }
0x2: {  	s11 =	stileid.u32;
	s2 =	rddreg [dreg:$0x1];
	s3 =	simm.s32 $0x0  }
0x3: {  	s12 =	simm.s32 $0x2800;
	s13 =	simm.s32 $0x50;
	s14 =	simm.s32 $0x5000  }
0x4: {  	s15 =	simm.s32 $0x5500;
	s16 =	simm.s32 $0x1;
	s18 =	simm.s32 $0x5A00  }
0x5: {  	s19 =	simm.s32 $0x2;
	s22 =	simm.s32 $0x5F00;
	s23 =	simm.s32 $0x3  }
0x6: {  	s26 =	simm.s32 $0x5;
	s29 =	simm.s32 $0x4;
	s31 =	simm.s32 $0x6  }
0x7: {  	s20 =	simm.s32 $0x0;
	s0 =	sand.u32 $0x1, s0;
	s4 =	sshll.u32 s11, $0x8  }
0x8: {  	[smem:$0x7FF] =	sst s3;
	s28 =	smul.u32 $0x2780, s11;
	s30 =	sshll.u32 s11, $0x6  }
0x9: {  	s11 =	simm.s32 $0x9;
	s5 =	sshll.u32 s0, $0x7;
	_ =	strace $0x8000004D  }
0xa: {  	s6 =	smul.u32 $0x4F00, s0;
	s0 =	ssub.s32 $0x2, s0;
	s4 =	sor.u32 s5, s4  }
0xb: {  	s17 =	sshrl.u32 s28, $0x3;
	s7 =	sshrl.u32 s0, $0x1;
	s10 =	sadd.s32 s28, s2  }
0xc: {  	s4 =	smul.u32 $0xA, s4;
	s9 =	sadd.s32 s17, s1;
	s0 =	ssub.s32 s0, s7  }
.Ltmp0:
0xd: {  	s10 =	sshrl.u32 s10, $0x3;
	s5 =	sadd.s32 $0x12600, s9;
	(pc) =	sbr.rel .LBB2_1-.Ltmp0, $4  }
0xe: {  	s9 =	smax.u32 s0, $0x1;
	s0 =	simm.s32 $0x7;
	s8 =	sadd.s32 s4, s1  }
0xf: {  	s4 =	sadd.s32 $0xD600, s1;
	s1 =	sadd.s32 s6, s1;
	s6 =	sor.u32 $0x1C09, s30  }
0x10: {  	s7 =	sadd.s32 $0x2B200, s8;
	s8 =	sadd.s32 $0x3600, s8;
	s1 =	sadd.s32 $0x17600, s1  }
0x11: {  	s24 =	sadd.s32 s17, s1;
	s1 =	simm.s32 $0x190;
	s17 =	simm.s32 $0x8  }
.LBB2_4:
0x12: {  	_ =	swait.ge [sflag:s29], $0x500  }
0x13: {  	[sflag:s29] =	ssyncset.done $0x0  }
0x14: {  	[sflag:s29] =	ssyncadd.s32 $0xFFFFFB00  }
0x15: {  	[spmem:s2] =	stream.indirect.scatter.add.f32 [tilespmem:s22], [sflag:$0x8], $0x10, s28, s13, $0xb8;
	[tilespmem:$0x8B80] =	vst v63  }
0x16: {  	_ =	swait.ge [sflag:s31], $0x500  }
0x17: {  	[sflag:s31] =	ssyncset.done $0x0  }
0x18: {  	[sflag:s31] =	ssyncadd.s32 $0xFFFFFB00  }
0x19: {  	_ =	swait.ge [sflag:s0], $0x500  }
0x1a: {  	[sflag:s0] =	ssyncset.done $0x0  }
0x1b: {  	[sflag:s0] =	ssyncadd.s32 $0xFFFFFB00  }
0x1c: {  	_ =	swait.ge [sflag:s17], $0x500  }
0x1d: {  	s20 =	sadd.s32 $0x1, s20;
	[sflag:s17] =	ssyncset.done $0x0  }
0x1e: {  	p0 =	sne.s32 s20, s9;
	[sflag:s17] =	ssyncadd.s32 $0xFFFFFB00  }
.Ltmp1:
0x1f: {  	[bflag:$0x0] =	sbarrier.arrive $0xFFFF;
	(pc) =	sbr.rel @!p0 .LBB2_5-.Ltmp1, $4  }
0x20: {  	[hbm:s24], [sflag:s6] =	dma.local [spmem:s10], $0x4F0  }
0x21: {  	_ =	swait.ge [sflag:s11], $0x4F0  }
0x22: {  	[sflag:s11] =	ssyncset.done $0x0  }
0x23: {  	[sflag:s11] =	ssyncadd.s32 $0xFFFFFB10  }
.LBB2_1:
0x24: {  	[spmem:s10], [sflag:s6] =	dma.local [hbm:s5], $0x4F0  }
0x25: {  	_ =	swait.ge [sflag:s11], $0x4F0  }
0x26: {  	[sflag:s11] =	ssyncset.done $0x0  }
0x27: {  	[sflag:s11] =	ssyncadd.s32 $0xFFFFFB10  }
0x28: {  	[tilespmem:s3], [sflag:$0x9] =	stream.linear.gather [hbm4b:s7+s3], $0x2800, $0x38;
	[tilespmem:$0x8B80] =	vst v63  }
0x29: {  	_ =	swait.ge [sflag:s11], $0x2800  }
0x2a: {  	[sflag:s11] =	ssyncset.done $0x0  }
0x2b: {  	[sflag:s11] =	ssyncadd.s32 $0xFFFFD800  }
0x2c: {  	[tilespmem:s12], [sflag:$0x9] =	stream.linear.gather [hbm4b:s8+s3], $0x2800, $0x38;
	[tilespmem:$0x8B80] =	vst v63  }
0x2d: {  	_ =	swait.ge [sflag:s11], $0x2800  }
0x2e: {  	[sflag:s11] =	ssyncset.done $0x0  }
0x2f: {  	[sflag:s11] =	ssyncadd.s32 $0xFFFFD800  }
0x30: {  	[bflag:$0x0] =	sbarrier.arrive $0xFFFF  }
0x31: {  	[tilespmem:s14], [sflag:$0x1] =	stream.indirect.gather [hbm4b:s4+s13], $0x10, s3, s13, $0xb8;
	[tilespmem:$0x8B80] =	vst v63  }
0x32: {  	_ = 	snop  }
0x33: {  	[tilespmem:s15], [sflag:$0x2] =	stream.indirect.gather [hbm4b:s4+s13], $0x10, s13, s13, $0xb8;
	[tilespmem:$0x8B80] =	vst v63  }
0x34: {  	_ =	swait.ge [sflag:s16], $0x500  }
0x35: {  	[sflag:s16] =	ssyncset.done $0x0  }
0x36: {  	[sflag:s16] =	ssyncadd.s32 $0xFFFFFB00  }
0x37: {  	[spmem:s2] =	stream.indirect.scatter.add.f32 [tilespmem:s14], [sflag:$0x5], $0x10, s12, s13, $0xb8;
	[tilespmem:$0x8B80] =	vst v63  }
0x38: {  	s21 =	simm.s32 $0xA0  }
0x39: {  	[tilespmem:s18], [sflag:$0x3] =	stream.indirect.gather [hbm4b:s4+s13], $0x10, s21, s13, $0xb8;
	[tilespmem:$0x8B80] =	vst v63  }
0x3a: {  	_ =	swait.ge [sflag:s19], $0x500  }
0x3b: {  	[sflag:s19] =	ssyncset.done $0x0  }
0x3c: {  	s28 =	simm.s32 $0x2850;
	[sflag:s19] =	ssyncadd.s32 $0xFFFFFB00  }
0x3d: {  	[spmem:s2] =	stream.indirect.scatter.add.f32 [tilespmem:s15], [sflag:$0x6], $0x10, s28, s13, $0xb8;
	[tilespmem:$0x8B80] =	vst v63  }
0x3e: {  	s30 =	simm.s32 $0xF0  }
0x3f: {  	[tilespmem:s22], [sflag:$0x4] =	stream.indirect.gather [hbm4b:s4+s13], $0x10, s30, s13, $0xb8;
	[tilespmem:$0x8B80] =	vst v63  }
0x40: {  	_ =	swait.ge [sflag:s23], $0x500  }
0x41: {  	[sflag:s23] =	ssyncset.done $0x0  }
0x42: {  	s25 =	simm.s32 $0x28A0;
	[sflag:s23] =	ssyncadd.s32 $0xFFFFFB00  }
0x43: {  	[spmem:s2] =	stream.indirect.scatter.add.f32 [tilespmem:s18], [sflag:$0x7], $0x10, s25, s13, $0xb8;
	[tilespmem:$0x8B80] =	vst v63  }
0x44: {  	_ =	swait.ge [sflag:s26], $0x500  }
0x45: {  	[sflag:s26] =	ssyncset.done $0x0  }
0x46: {  	s28 =	simm.s32 $0x140;
	[sflag:s26] =	ssyncadd.s32 $0xFFFFFB00  }
0x47: {  	[tilespmem:s14], [sflag:$0x1] =	stream.indirect.gather [hbm4b:s4+s13], $0x10, s28, s13, $0xb8;
	[tilespmem:$0x8B80] =	vst v63  }
0x48: {  	_ =	swait.ge [sflag:s29], $0x500  }
0x49: {  	[sflag:s29] =	ssyncset.done $0x0  }
0x4a: {  	s30 =	simm.s32 $0x28F0;
	[sflag:s29] =	ssyncadd.s32 $0xFFFFFB00  }
0x4b: {  	[spmem:s2] =	stream.indirect.scatter.add.f32 [tilespmem:s22], [sflag:$0x8], $0x10, s30, s13, $0xb8;
	[tilespmem:$0x8B80] =	vst v63  }
0x4c: {  	_ =	swait.ge [sflag:s31], $0x500  }
0x4d: {  	[sflag:s31] =	ssyncset.done $0x0  }
0x4e: {  	s21 =	simm.s32 $0x0;
	[sflag:s31] =	ssyncadd.s32 $0xFFFFFB00  }
0x4f: {  	[tilespmem:s15], [sflag:$0x2] =	stream.indirect.gather [hbm4b:s4+s13], $0x10, s1, s13, $0xb8;
	[tilespmem:$0x8B80] =	vst v63  }
.LBB2_2:
0x50: {  	_ =	swait.ge [sflag:s16], $0x500  }
0x51: {  	s25 =	sshra.s32 s21, $0x2;
	[sflag:s16] =	ssyncset.done $0x0  }
0x52: {  	s28 =	sadd.s32 $0x2940, s25;
	[sflag:s16] =	ssyncadd.s32 $0xFFFFFB00  }
0x53: {  	[spmem:s2] =	stream.indirect.scatter.add.f32 [tilespmem:s14], [sflag:$0x5], $0x10, s28, s13, $0xb8;
	[tilespmem:$0x8B80] =	vst v63  }
0x54: {  	_ =	swait.ge [sflag:s0], $0x500  }
0x55: {  	[sflag:s0] =	ssyncset.done $0x0  }
0x56: {  	s28 =	sadd.s32 $0x1E0, s25;
	[sflag:s0] =	ssyncadd.s32 $0xFFFFFB00  }
0x57: {  	[tilespmem:s18], [sflag:$0x3] =	stream.indirect.gather [hbm4b:s4+s13], $0x10, s28, s13, $0xb8;
	[tilespmem:$0x8B80] =	vst v63  }
0x58: {  	_ =	swait.ge [sflag:s19], $0x500  }
0x59: {  	[sflag:s19] =	ssyncset.done $0x0  }
0x5a: {  	s28 =	sadd.s32 $0x2990, s25;
	[sflag:s19] =	ssyncadd.s32 $0xFFFFFB00  }
0x5b: {  	[spmem:s2] =	stream.indirect.scatter.add.f32 [tilespmem:s15], [sflag:$0x6], $0x10, s28, s13, $0xb8;
	[tilespmem:$0x8B80] =	vst v63  }
0x5c: {  	_ =	swait.ge [sflag:s17], $0x500  }
0x5d: {  	[sflag:s17] =	ssyncset.done $0x0  }
0x5e: {  	s28 =	sadd.s32 $0x230, s25;
	[sflag:s17] =	ssyncadd.s32 $0xFFFFFB00  }
0x5f: {  	[tilespmem:s22], [sflag:$0x4] =	stream.indirect.gather [hbm4b:s4+s13], $0x10, s28, s13, $0xb8;
	[tilespmem:$0x8B80] =	vst v63  }
0x60: {  	_ =	swait.ge [sflag:s23], $0x500  }
0x61: {  	p0 =	seq.s32 s21, $0x9600;
	[sflag:s23] =	ssyncset.done $0x0  }
.Ltmp2:
0x62: {  	s28 =	sadd.s32 $0x29E0, s25;
	[sflag:s23] =	ssyncadd.s32 $0xFFFFFB00;
	(pc) =	sbr.rel @p0 .LBB2_4-.Ltmp2, $4  }
0x63: {  	[spmem:s2] =	stream.indirect.scatter.add.f32 [tilespmem:s18], [sflag:$0x7], $0x10, s28, s13, $0xb8;
	[tilespmem:$0x8B80] =	vst v63  }
0x64: {  	_ =	swait.ge [sflag:s26], $0x500  }
0x65: {  	[sflag:s26] =	ssyncset.done $0x0  }
0x66: {  	s28 =	sadd.s32 $0x2A30, s25;
	[sflag:s26] =	ssyncadd.s32 $0xFFFFFB00  }
0x67: {  	s30 =	sadd.s32 $0x280, s25  }
0x68: {  	[tilespmem:s14], [sflag:$0x1] =	stream.indirect.gather [hbm4b:s4+s13], $0x10, s30, s13, $0xb8;
	[tilespmem:$0x8B80] =	vst v63  }
0x69: {  	_ =	swait.ge [sflag:s29], $0x500  }
0x6a: {  	[sflag:s29] =	ssyncset.done $0x0  }
0x6b: {  	[sflag:s29] =	ssyncadd.s32 $0xFFFFFB00  }
0x6c: {  	[spmem:s2] =	stream.indirect.scatter.add.f32 [tilespmem:s22], [sflag:$0x8], $0x10, s28, s13, $0xb8;
	[tilespmem:$0x8B80] =	vst v63  }
.Ltmp3:
0x6d: {  	_ = 	snop;
	(pc) =	sbr.rel .LBB2_2-.Ltmp3, $4  }
0x6e: {  	_ =	swait.ge [sflag:s31], $0x500  }
0x6f: {  	[sflag:s31] =	ssyncset.done $0x0  }
0x70: {  	s21 =	sadd.s32 $0x500, s21;
	s30 =	sadd.s32 $0x2D0, s25;
	[sflag:s31] =	ssyncadd.s32 $0xFFFFFB00  }
0x71: {  	[tilespmem:s15], [sflag:$0x2] =	stream.indirect.gather [hbm4b:s4+s13], $0x10, s30, s13, $0xb8;
	[tilespmem:$0x8B80] =	vst v63  }
.LBB2_5:
0x72: {  	_ =	sfence.sel $0x180000  }
0x73: {  	[bflag:$0x0] =	sbarrier.arrive $0xFFFF  }
0x74: {  	_ =	strace $0x9000004D  }
0x75: {  	s0 =	stileid.u32;
	[bflag:$0x2] =	sbarrier.arrive $0xFFFF  }
0x76: {  	p0 =	sne.s32 s0, $0x0;
	s0 =	rddreg [dreg:$0x2]  }
0x77: {  	s0 =	sadd.s32 @!p0 $0x100000, s0  }
0x78: {  	[sflag:s0] =	ssyncadd.tile.s32 @!p0 $0x1;
	_ =	shalt  }
.Lfunc_end2:
_tile_overlayer_lowered:
.L_overlay_start_2:
0x79: {  	(tag) =	ssettag $0x2  }
0x7a: {  	s0 =	rddreg [dreg:$0x0];
	s2 =	stileid.u32  }
0x7b: {  	s1 =	rddreg [dreg:$0x1];
	p0 =	sne.s32 s2, $0x0  }
0x7c: {  	s3 =	rddreg [dreg:$0x2];
	[bflag:$0x3] =	sbarrier.arrive $0xFFFF;
	s2 =	simm.s32 @!p0 $0x1C09  }
0x7d: {  	[timem:s3], [sflag:s2] =	dma.local @!p0 [hbm:s0], s1  }
0x7e: {  	s0 =	simm.s32 @!p0 $0x9  }
0x7f: {  	_ =	swait.ge @!p0 [sflag:s0], s1  }
0x80: {  	s1 =	ssub.s32 @!p0 $0x0, s1;
	[sflag:s0] =	ssyncset.done @!p0 $0x0  }
0x81: {  	[sflag:s0] =	ssyncadd.s32 @!p0 s1  }
0x82: {  	[bflag:$0x3] =	sbarrier.arrive $0xFFFF  }
0x83: {  	_ =	shalt  }

</sc_bundles>
